<compile_context>
chip_gen: v7x
topology: tpu7x:2x2x1
jax: 0.10.2.dev20260603
libtpu: 0.0.44.dev20260713+nightly
codegen_flags: <defaults>
</compile_context>

<pallas_src>
import functools

import jax
import jax.numpy as jnp
from jax import lax
from jax.experimental import pallas as pl
from jax.experimental.pallas import tpu as pltpu
from jax.experimental.pallas import tpu_sc as plsc

BATCH = 16384
DIM = 32
NFEAT = 26
NW = 32
BPW = BATCH // NW
IDX_W = 128
ROWS_PER_W = BPW // IDX_W
NPARAM = 80


def _sc_body(uix_hbm, mix_hbm, feat_hbm, utab_hbm, mtab_hbm, par_hbm,
             out_hbm, uix_v, mix_v, u_v, m_v, f_v, p_v, o_v, sem):
    nc = 2
    wid = lax.axis_index("s") * nc + lax.axis_index("c")
    base = wid * BPW

    pltpu.sync_copy(uix_hbm.at[pl.ds(base, BPW)], uix_v)
    pltpu.sync_copy(mix_hbm.at[pl.ds(base, BPW)], mix_v)
    pltpu.sync_copy(par_hbm, p_v)

    copies = [pltpu.async_copy(feat_hbm.at[pl.ds(base, BPW)], f_v, sem)]
    for j in range(ROWS_PER_W):
        copies.append(pltpu.async_copy(
            utab_hbm.at[uix_v.at[pl.ds(j * IDX_W, IDX_W)]],
            u_v.at[pl.ds(j * IDX_W, IDX_W)], sem))
        copies.append(pltpu.async_copy(
            mtab_hbm.at[mix_v.at[pl.ds(j * IDX_W, IDX_W)]],
            m_v.at[pl.ds(j * IDX_W, IDX_W)], sem))
    for c in copies:
        c.wait()

    w0 = p_v[pl.ds(0, 16)]
    w1 = p_v[pl.ds(16, 16)]
    wf0 = p_v[pl.ds(32, 16)]
    wf1 = p_v[pl.ds(48, 16)]
    b_vec = p_v[pl.ds(64, 16)]
    lane = lax.iota(jnp.int32, 16)

    def lanesum(t):
        for k in (1, 2, 4, 8):
            t = t + t.at[lane ^ k].get(mode="promise_in_bounds",
                                       unique_indices=True)
        return t

    def group(g, carry):
        base_i = g * 16
        acc = jnp.zeros((16,), jnp.float32)
        for j in range(16):
            i = base_i + j
            u0 = u_v[i, pl.ds(0, 16)]
            u1 = u_v[i, pl.ds(16, 16)]
            m0 = m_v[i, pl.ds(0, 16)]
            m1 = m_v[i, pl.ds(16, 16)]
            f0 = f_v[i, pl.ds(0, 16)]
            f1 = f_v[i, pl.ds(16, 16)]
            t = u0 * m0 * w0 + u1 * m1 * w1 + f0 * wf0 + f1 * wf1
            acc = jnp.where(lane == j, lanesum(t), acc)
        o_v[pl.ds(base_i, 16)] = acc + b_vec
        return carry

    lax.fori_loop(0, BPW // 16, group, 0)

    pltpu.sync_copy(o_v, out_hbm.at[pl.ds(base, BPW)])


_sc_call = functools.partial(
    pl.kernel,
    mesh=plsc.VectorSubcoreMesh(core_axis_name="c", subcore_axis_name="s"),
    out_type=jax.ShapeDtypeStruct((BATCH,), jnp.float32),
    compiler_params=pltpu.CompilerParams(use_tc_tiling_on_sc=False),
    scratch_types=[
        pltpu.VMEM((BPW,), jnp.int32),
        pltpu.VMEM((BPW,), jnp.int32),
        pltpu.VMEM((BPW, DIM), jnp.float32),
        pltpu.VMEM((BPW, DIM), jnp.float32),
        pltpu.VMEM((BPW, DIM), jnp.float32),
        pltpu.VMEM((NPARAM,), jnp.float32),
        pltpu.VMEM((BPW,), jnp.float32),
        pltpu.SemaphoreType.DMA,
    ],
)(_sc_body)


def kernel(user_idx, movie_idx, features, user_table, movie_table, fc_w, fc_b):
    uix = user_idx.astype(jnp.int32)
    mix = movie_idx.astype(jnp.int32)
    featp = jnp.pad(features, ((0, 0), (0, DIM - NFEAT)))
    w = fc_w.reshape(-1)
    params = jnp.concatenate([
        w[:DIM],
        jnp.pad(w[DIM:], (0, DIM - NFEAT)),
        jnp.broadcast_to(fc_b.reshape(-1), (16,)),
    ])
    return _sc_call(uix, mix, featp, user_table, movie_table, params)

# --- scband reference (transcript-rebuilt; emitter-appended) ---
"""Pipeline reference for scband-recommender-net-9156870275638 (READ-ONLY COPY).

The authoritative reference and input builder live on the scoring server;
editing this copy changes nothing except your own understanding.
"""

import jax, jax.numpy as jnp
import numpy as np

NUM_USERS = 1000000
NUM_MOVIES = 100000
NUM_FEATURES = 26
EMBED_DIM = 32
BATCH = 16384


def setup_inputs(seed: int = 0) -> dict:
    key = jax.random.key(seed)
    k1, k2, k3, k4, k5, k6, k7 = jax.random.split(key, 7)
    user_idx = jax.random.randint(k1, (BATCH,), 0, NUM_USERS, dtype=jnp.int64 if jax.config.jax_enable_x64 else jnp.int32)
    movie_idx = jax.random.randint(k2, (BATCH,), 0, NUM_MOVIES, dtype=jnp.int64 if jax.config.jax_enable_x64 else jnp.int32)
    features = jax.random.normal(k3, (BATCH, NUM_FEATURES), dtype=jnp.float32)
    # Embedding tables sized (vocab + 1, dim) with padding_idx=0 row zeroed (torch init zeroes padding row)
    user_table = jax.random.normal(k4, (NUM_USERS + 1, EMBED_DIM), dtype=jnp.float32)
    user_table = user_table.at[0].set(0.0)
    movie_table = jax.random.normal(k5, (NUM_MOVIES + 1, EMBED_DIM), dtype=jnp.float32)
    movie_table = movie_table.at[0].set(0.0)
    fan_in = EMBED_DIM + NUM_FEATURES
    bound = 1.0 / np.sqrt(fan_in)
    fc_w = jax.random.uniform(k6, (1, fan_in), minval=-bound, maxval=bound, dtype=jnp.float32)
    fc_b = jax.random.uniform(k7, (1,), minval=-bound, maxval=bound, dtype=jnp.float32)
    return {
        "user_idx": user_idx,
        "movie_idx": movie_idx,
        "features": features,
        "user_table": user_table,
        "movie_table": movie_table,
        "fc_w": fc_w,
        "fc_b": fc_b,
    }


def reference(user_idx, movie_idx, features, user_table, movie_table, fc_w, fc_b):
    u_emb = jnp.take(user_table, user_idx, axis=0)
    m_emb = jnp.take(movie_table, movie_idx, axis=0)
    x = u_emb * m_emb
    x = jnp.concatenate([x, features], axis=1)
    x = x @ fc_w.T + fc_b
    return jnp.squeeze(x)

if __name__ == "__main__":
    import jax
    _d = setup_inputs()
    print(jax.jit(kernel)(*tuple(_d.values())))

</pallas_src>

<mosaic_0001>
#map = affine_map<(d0, d1) -> (0)>
#map1 = affine_map<(d0, d1) -> (0, 0)>
module attributes {stable_mosaic.version = 14 : i64} {
  func.func @_sc_body(%arg0: i32, %arg1: i32, %arg2: memref<16384xi32, #tpu.memory_space<hbm>>, %arg3: memref<16384xi32, #tpu.memory_space<hbm>>, %arg4: memref<16384x32xf32, #tpu.memory_space<hbm>>, %arg5: memref<1000001x32xf32, #tpu.memory_space<hbm>>, %arg6: memref<100001x32xf32, #tpu.memory_space<hbm>>, %arg7: memref<80xf32, #tpu.memory_space<hbm>>, %arg8: memref<16384xf32, #tpu.memory_space<hbm>>, %arg9: memref<512xi32, #tpu.memory_space<vmem>>, %arg10: memref<512xi32, #tpu.memory_space<vmem>>, %arg11: memref<512x32xf32, #tpu.memory_space<vmem>>, %arg12: memref<512x32xf32, #tpu.memory_space<vmem>>, %arg13: memref<512x32xf32, #tpu.memory_space<vmem>>, %arg14: memref<80xf32, #tpu.memory_space<vmem>>, %arg15: memref<512xf32, #tpu.memory_space<vmem>>, %arg16: memref<!tpu.dma_semaphore, #tpu.memory_space<semaphore_mem>>) attributes {dimension_semantics = [#tpu.dimension_semantics<core_parallel>, #tpu.dimension_semantics<subcore_parallel>], iteration_bounds = array<i64: 2, 16>, scalar_prefetch = 0 : i64, scratch_operands = 8 : i64, tpu.core_type = #tpu.core_type<sc_vector_subcore>, window_params = [{transform_indices = #map}, {transform_indices = #map}, {transform_indices = #map1}, {transform_indices = #map1}, {transform_indices = #map1}, {transform_indices = #map}, {transform_indices = #map}]} {
    %mul3A = arith.constant 2 : i32
    %mul3A_0 = arith.muli %arg1, %mul3A : i32
    %add3A = arith.addi %mul3A_0, %arg0 : i32
    %mul3A_1 = arith.constant 512 : i32
    %mul3A_2 = arith.muli %add3A, %mul3A_1 : i32
    "tpu.region"() ({
      %run_scoped3A = tpu.sem_alloc : memref<!tpu.dma_semaphore, #tpu.memory_space<semaphore_mem>>
      %dma_start3A_156 = tpu.memref_slice %arg2[%mul3A_2] : memref<16384xi32, #tpu.memory_space<hbm>> -> memref<512xi32, #tpu.memory_space<hbm>>
      %dma_start3A_157 = tpu.memref_slice %arg2[%mul3A_2] : memref<16384xi32, #tpu.memory_space<hbm>> -> memref<512xi32, #tpu.memory_space<hbm>>
      tpu.enqueue_dma source(%dma_start3A_157 : memref<512xi32, #tpu.memory_space<hbm>>) target(%arg9 : memref<512xi32, #tpu.memory_space<vmem>>) target_semaphore(%run_scoped3A : memref<!tpu.dma_semaphore, #tpu.memory_space<semaphore_mem>>)
      %dma_wait3A_158 = tpu.memref_slice %arg2[%mul3A_2] : memref<16384xi32, #tpu.memory_space<hbm>> -> memref<512xi32, #tpu.memory_space<hbm>>
      %dma_wait3A_159 = tpu.memref_slice %arg2[%mul3A_2] : memref<16384xi32, #tpu.memory_space<hbm>> -> memref<512xi32, #tpu.memory_space<hbm>>
      tpu.wait_dma2 semaphore(%run_scoped3A : memref<!tpu.dma_semaphore, #tpu.memory_space<semaphore_mem>>) src(%dma_wait3A_159 : memref<512xi32, #tpu.memory_space<hbm>>) dst(%arg9 : memref<512xi32, #tpu.memory_space<vmem>>)
      tpu.yield
    }) : () -> ()
    "tpu.region"() ({
      %run_scoped3A = tpu.sem_alloc : memref<!tpu.dma_semaphore, #tpu.memory_space<semaphore_mem>>
      %dma_start3A_156 = tpu.memref_slice %arg3[%mul3A_2] : memref<16384xi32, #tpu.memory_space<hbm>> -> memref<512xi32, #tpu.memory_space<hbm>>
      %dma_start3A_157 = tpu.memref_slice %arg3[%mul3A_2] : memref<16384xi32, #tpu.memory_space<hbm>> -> memref<512xi32, #tpu.memory_space<hbm>>
      tpu.enqueue_dma source(%dma_start3A_157 : memref<512xi32, #tpu.memory_space<hbm>>) target(%arg10 : memref<512xi32, #tpu.memory_space<vmem>>) target_semaphore(%run_scoped3A : memref<!tpu.dma_semaphore, #tpu.memory_space<semaphore_mem>>)
      %dma_wait3A_158 = tpu.memref_slice %arg3[%mul3A_2] : memref<16384xi32, #tpu.memory_space<hbm>> -> memref<512xi32, #tpu.memory_space<hbm>>
      %dma_wait3A_159 = tpu.memref_slice %arg3[%mul3A_2] : memref<16384xi32, #tpu.memory_space<hbm>> -> memref<512xi32, #tpu.memory_space<hbm>>
      tpu.wait_dma2 semaphore(%run_scoped3A : memref<!tpu.dma_semaphore, #tpu.memory_space<semaphore_mem>>) src(%dma_wait3A_159 : memref<512xi32, #tpu.memory_space<hbm>>) dst(%arg10 : memref<512xi32, #tpu.memory_space<vmem>>)
      tpu.yield
    }) : () -> ()
    "tpu.region"() ({
      %run_scoped3A = tpu.sem_alloc : memref<!tpu.dma_semaphore, #tpu.memory_space<semaphore_mem>>
      tpu.enqueue_dma source(%arg7 : memref<80xf32, #tpu.memory_space<hbm>>) target(%arg14 : memref<80xf32, #tpu.memory_space<vmem>>) target_semaphore(%run_scoped3A : memref<!tpu.dma_semaphore, #tpu.memory_space<semaphore_mem>>)
      tpu.wait_dma2 semaphore(%run_scoped3A : memref<!tpu.dma_semaphore, #tpu.memory_space<semaphore_mem>>) src(%arg7 : memref<80xf32, #tpu.memory_space<hbm>>) dst(%arg14 : memref<80xf32, #tpu.memory_space<vmem>>)
      tpu.yield
    }) : () -> ()
    %dma_start3A = arith.constant 0 : i32
    %dma_start3A_3 = tpu.memref_slice %arg4[%mul3A_2, %dma_start3A] : memref<16384x32xf32, #tpu.memory_space<hbm>> -> memref<512x32xf32, #tpu.memory_space<hbm>>
    %dma_start3A_4 = arith.constant 0 : i32
    %dma_start3A_5 = tpu.memref_slice %arg4[%mul3A_2, %dma_start3A_4] : memref<16384x32xf32, #tpu.memory_space<hbm>> -> memref<512x32xf32, #tpu.memory_space<hbm>>
    tpu.enqueue_dma source(%dma_start3A_5 : memref<512x32xf32, #tpu.memory_space<hbm>>) target(%arg13 : memref<512x32xf32, #tpu.memory_space<vmem>>) target_semaphore(%arg16 : memref<!tpu.dma_semaphore, #tpu.memory_space<semaphore_mem>>)
    %dma_start3A_6 = arith.constant 0 : i32
    %dma_start3A_7 = arith.constant 0 : i32
    %dma_start3A_8 = tpu.memref_slice %arg11[%dma_start3A_6, %dma_start3A_7] : memref<512x32xf32, #tpu.memory_space<vmem>> -> memref<128x32xf32, #tpu.memory_space<vmem>>
    %dma_start3A_9 = arith.constant 0 : i32
    %dma_start3A_10 = tpu.memref_slice %arg9[%dma_start3A_9] : memref<512xi32, #tpu.memory_space<vmem>> -> memref<128xi32, #tpu.memory_space<vmem>>
    %dma_start3A_11 = arith.constant 0 : i32
    %dma_start3A_12 = arith.constant 0 : i32
    %dma_start3A_13 = tpu.memref_slice %arg5[%dma_start3A_11, %dma_start3A_12] : memref<1000001x32xf32, #tpu.memory_space<hbm>> -> memref<1000001x32xf32, #tpu.memory_space<hbm>>
    tpu.enqueue_indirect_dma source(%dma_start3A_13 : memref<1000001x32xf32, #tpu.memory_space<hbm>>) target(%dma_start3A_8 : memref<128x32xf32, #tpu.memory_space<vmem>>) offsets(%dma_start3A_10 : memref<128xi32, #tpu.memory_space<vmem>>) semaphore(%arg16 : memref<!tpu.dma_semaphore, #tpu.memory_space<semaphore_mem>>)
    %dma_start3A_14 = arith.constant 0 : i32
    %dma_start3A_15 = arith.constant 0 : i32
    %dma_start3A_16 = tpu.memref_slice %arg12[%dma_start3A_14, %dma_start3A_15] : memref<512x32xf32, #tpu.memory_space<vmem>> -> memref<128x32xf32, #tpu.memory_space<vmem>>
    %dma_start3A_17 = arith.constant 0 : i32
    %dma_start3A_18 = tpu.memref_slice %arg10[%dma_start3A_17] : memref<512xi32, #tpu.memory_space<vmem>> -> memref<128xi32, #tpu.memory_space<vmem>>
    %dma_start3A_19 = arith.constant 0 : i32
    %dma_start3A_20 = arith.constant 0 : i32
    %dma_start3A_21 = tpu.memref_slice %arg6[%dma_start3A_19, %dma_start3A_20] : memref<100001x32xf32, #tpu.memory_space<hbm>> -> memref<100001x32xf32, #tpu.memory_space<hbm>>
    tpu.enqueue_indirect_dma source(%dma_start3A_21 : memref<100001x32xf32, #tpu.memory_space<hbm>>) target(%dma_start3A_16 : memref<128x32xf32, #tpu.memory_space<vmem>>) offsets(%dma_start3A_18 : memref<128xi32, #tpu.memory_space<vmem>>) semaphore(%arg16 : memref<!tpu.dma_semaphore, #tpu.memory_space<semaphore_mem>>)
    %dma_start3A_22 = arith.constant 128 : i32
    %dma_start3A_23 = arith.constant 0 : i32
    %dma_start3A_24 = tpu.memref_slice %arg11[%dma_start3A_22, %dma_start3A_23] : memref<512x32xf32, #tpu.memory_space<vmem>> -> memref<128x32xf32, #tpu.memory_space<vmem>>
    %dma_start3A_25 = arith.constant 128 : i32
    %dma_start3A_26 = tpu.memref_slice %arg9[%dma_start3A_25] : memref<512xi32, #tpu.memory_space<vmem>> -> memref<128xi32, #tpu.memory_space<vmem>>
    %dma_start3A_27 = arith.constant 0 : i32
    %dma_start3A_28 = arith.constant 0 : i32
    %dma_start3A_29 = tpu.memref_slice %arg5[%dma_start3A_27, %dma_start3A_28] : memref<1000001x32xf32, #tpu.memory_space<hbm>> -> memref<1000001x32xf32, #tpu.memory_space<hbm>>
    tpu.enqueue_indirect_dma source(%dma_start3A_29 : memref<1000001x32xf32, #tpu.memory_space<hbm>>) target(%dma_start3A_24 : memref<128x32xf32, #tpu.memory_space<vmem>>) offsets(%dma_start3A_26 : memref<128xi32, #tpu.memory_space<vmem>>) semaphore(%arg16 : memref<!tpu.dma_semaphore, #tpu.memory_space<semaphore_mem>>)
    %dma_start3A_30 = arith.constant 128 : i32
    %dma_start3A_31 = arith.constant 0 : i32
    %dma_start3A_32 = tpu.memref_slice %arg12[%dma_start3A_30, %dma_start3A_31] : memref<512x32xf32, #tpu.memory_space<vmem>> -> memref<128x32xf32, #tpu.memory_space<vmem>>
    %dma_start3A_33 = arith.constant 128 : i32
    %dma_start3A_34 = tpu.memref_slice %arg10[%dma_start3A_33] : memref<512xi32, #tpu.memory_space<vmem>> -> memref<128xi32, #tpu.memory_space<vmem>>
    %dma_start3A_35 = arith.constant 0 : i32
    %dma_start3A_36 = arith.constant 0 : i32
    %dma_start3A_37 = tpu.memref_slice %arg6[%dma_start3A_35, %dma_start3A_36] : memref<100001x32xf32, #tpu.memory_space<hbm>> -> memref<100001x32xf32, #tpu.memory_space<hbm>>
    tpu.enqueue_indirect_dma source(%dma_start3A_37 : memref<100001x32xf32, #tpu.memory_space<hbm>>) target(%dma_start3A_32 : memref<128x32xf32, #tpu.memory_space<vmem>>) offsets(%dma_start3A_34 : memref<128xi32, #tpu.memory_space<vmem>>) semaphore(%arg16 : memref<!tpu.dma_semaphore, #tpu.memory_space<semaphore_mem>>)
    %dma_start3A_38 = arith.constant 256 : i32
    %dma_start3A_39 = arith.constant 0 : i32
    %dma_start3A_40 = tpu.memref_slice %arg11[%dma_start3A_38, %dma_start3A_39] : memref<512x32xf32, #tpu.memory_space<vmem>> -> memref<128x32xf32, #tpu.memory_space<vmem>>
    %dma_start3A_41 = arith.constant 256 : i32
    %dma_start3A_42 = tpu.memref_slice %arg9[%dma_start3A_41] : memref<512xi32, #tpu.memory_space<vmem>> -> memref<128xi32, #tpu.memory_space<vmem>>
    %dma_start3A_43 = arith.constant 0 : i32
    %dma_start3A_44 = arith.constant 0 : i32
    %dma_start3A_45 = tpu.memref_slice %arg5[%dma_start3A_43, %dma_start3A_44] : memref<1000001x32xf32, #tpu.memory_space<hbm>> -> memref<1000001x32xf32, #tpu.memory_space<hbm>>
    tpu.enqueue_indirect_dma source(%dma_start3A_45 : memref<1000001x32xf32, #tpu.memory_space<hbm>>) target(%dma_start3A_40 : memref<128x32xf32, #tpu.memory_space<vmem>>) offsets(%dma_start3A_42 : memref<128xi32, #tpu.memory_space<vmem>>) semaphore(%arg16 : memref<!tpu.dma_semaphore, #tpu.memory_space<semaphore_mem>>)
    %dma_start3A_46 = arith.constant 256 : i32
    %dma_start3A_47 = arith.constant 0 : i32
    %dma_start3A_48 = tpu.memref_slice %arg12[%dma_start3A_46, %dma_start3A_47] : memref<512x32xf32, #tpu.memory_space<vmem>> -> memref<128x32xf32, #tpu.memory_space<vmem>>
    %dma_start3A_49 = arith.constant 256 : i32
    %dma_start3A_50 = tpu.memref_slice %arg10[%dma_start3A_49] : memref<512xi32, #tpu.memory_space<vmem>> -> memref<128xi32, #tpu.memory_space<vmem>>
    %dma_start3A_51 = arith.constant 0 : i32
    %dma_start3A_52 = arith.constant 0 : i32
    %dma_start3A_53 = tpu.memref_slice %arg6[%dma_start3A_51, %dma_start3A_52] : memref<100001x32xf32, #tpu.memory_space<hbm>> -> memref<100001x32xf32, #tpu.memory_space<hbm>>
    tpu.enqueue_indirect_dma source(%dma_start3A_53 : memref<100001x32xf32, #tpu.memory_space<hbm>>) target(%dma_start3A_48 : memref<128x32xf32, #tpu.memory_space<vmem>>) offsets(%dma_start3A_50 : memref<128xi32, #tpu.memory_space<vmem>>) semaphore(%arg16 : memref<!tpu.dma_semaphore, #tpu.memory_space<semaphore_mem>>)
    %dma_start3A_54 = arith.constant 384 : i32
    %dma_start3A_55 = arith.constant 0 : i32
    %dma_start3A_56 = tpu.memref_slice %arg11[%dma_start3A_54, %dma_start3A_55] : memref<512x32xf32, #tpu.memory_space<vmem>> -> memref<128x32xf32, #tpu.memory_space<vmem>>
    %dma_start3A_57 = arith.constant 384 : i32
    %dma_start3A_58 = tpu.memref_slice %arg9[%dma_start3A_57] : memref<512xi32, #tpu.memory_space<vmem>> -> memref<128xi32, #tpu.memory_space<vmem>>
    %dma_start3A_59 = arith.constant 0 : i32
    %dma_start3A_60 = arith.constant 0 : i32
    %dma_start3A_61 = tpu.memref_slice %arg5[%dma_start3A_59, %dma_start3A_60] : memref<1000001x32xf32, #tpu.memory_space<hbm>> -> memref<1000001x32xf32, #tpu.memory_space<hbm>>
    tpu.enqueue_indirect_dma source(%dma_start3A_61 : memref<1000001x32xf32, #tpu.memory_space<hbm>>) target(%dma_start3A_56 : memref<128x32xf32, #tpu.memory_space<vmem>>) offsets(%dma_start3A_58 : memref<128xi32, #tpu.memory_space<vmem>>) semaphore(%arg16 : memref<!tpu.dma_semaphore, #tpu.memory_space<semaphore_mem>>)
    %dma_start3A_62 = arith.constant 384 : i32
    %dma_start3A_63 = arith.constant 0 : i32
    %dma_start3A_64 = tpu.memref_slice %arg12[%dma_start3A_62, %dma_start3A_63] : memref<512x32xf32, #tpu.memory_space<vmem>> -> memref<128x32xf32, #tpu.memory_space<vmem>>
    %dma_start3A_65 = arith.constant 384 : i32
    %dma_start3A_66 = tpu.memref_slice %arg10[%dma_start3A_65] : memref<512xi32, #tpu.memory_space<vmem>> -> memref<128xi32, #tpu.memory_space<vmem>>
    %dma_start3A_67 = arith.constant 0 : i32
    %dma_start3A_68 = arith.constant 0 : i32
    %dma_start3A_69 = tpu.memref_slice %arg6[%dma_start3A_67, %dma_start3A_68] : memref<100001x32xf32, #tpu.memory_space<hbm>> -> memref<100001x32xf32, #tpu.memory_space<hbm>>
    tpu.enqueue_indirect_dma source(%dma_start3A_69 : memref<100001x32xf32, #tpu.memory_space<hbm>>) target(%dma_start3A_64 : memref<128x32xf32, #tpu.memory_space<vmem>>) offsets(%dma_start3A_66 : memref<128xi32, #tpu.memory_space<vmem>>) semaphore(%arg16 : memref<!tpu.dma_semaphore, #tpu.memory_space<semaphore_mem>>)
    %dma_wait3A = arith.constant 0 : i32
    %dma_wait3A_70 = tpu.memref_slice %arg4[%mul3A_2, %dma_wait3A] : memref<16384x32xf32, #tpu.memory_space<hbm>> -> memref<512x32xf32, #tpu.memory_space<hbm>>
    %dma_wait3A_71 = arith.constant 0 : i32
    %dma_wait3A_72 = tpu.memref_slice %arg4[%mul3A_2, %dma_wait3A_71] : memref<16384x32xf32, #tpu.memory_space<hbm>> -> memref<512x32xf32, #tpu.memory_space<hbm>>
    tpu.wait_dma2 semaphore(%arg16 : memref<!tpu.dma_semaphore, #tpu.memory_space<semaphore_mem>>) src(%dma_wait3A_72 : memref<512x32xf32, #tpu.memory_space<hbm>>) dst(%arg13 : memref<512x32xf32, #tpu.memory_space<vmem>>)
    %dma_wait3A_73 = arith.constant 0 : i32
    %dma_wait3A_74 = arith.constant 0 : i32
    %dma_wait3A_75 = tpu.memref_slice %arg11[%dma_wait3A_73, %dma_wait3A_74] : memref<512x32xf32, #tpu.memory_space<vmem>> -> memref<128x32xf32, #tpu.memory_space<vmem>>
    %dma_wait3A_76 = arith.constant 0 : i32
    %dma_wait3A_77 = tpu.memref_slice %arg9[%dma_wait3A_76] : memref<512xi32, #tpu.memory_space<vmem>> -> memref<128xi32, #tpu.memory_space<vmem>>
    %dma_wait3A_78 = arith.constant 0 : i32
    %dma_wait3A_79 = arith.constant 0 : i32
    %dma_wait3A_80 = tpu.memref_slice %arg5[%dma_wait3A_78, %dma_wait3A_79] : memref<1000001x32xf32, #tpu.memory_space<hbm>> -> memref<1000001x32xf32, #tpu.memory_space<hbm>>
    tpu.wait_indirect_dma semaphore(%arg16 : memref<!tpu.dma_semaphore, #tpu.memory_space<semaphore_mem>>) src(%dma_wait3A_80 : memref<1000001x32xf32, #tpu.memory_space<hbm>>) dst(%dma_wait3A_75 : memref<128x32xf32, #tpu.memory_space<vmem>>)
    %dma_wait3A_81 = arith.constant 0 : i32
    %dma_wait3A_82 = arith.constant 0 : i32
    %dma_wait3A_83 = tpu.memref_slice %arg12[%dma_wait3A_81, %dma_wait3A_82] : memref<512x32xf32, #tpu.memory_space<vmem>> -> memref<128x32xf32, #tpu.memory_space<vmem>>
    %dma_wait3A_84 = arith.constant 0 : i32
    %dma_wait3A_85 = tpu.memref_slice %arg10[%dma_wait3A_84] : memref<512xi32, #tpu.memory_space<vmem>> -> memref<128xi32, #tpu.memory_space<vmem>>
    %dma_wait3A_86 = arith.constant 0 : i32
    %dma_wait3A_87 = arith.constant 0 : i32
    %dma_wait3A_88 = tpu.memref_slice %arg6[%dma_wait3A_86, %dma_wait3A_87] : memref<100001x32xf32, #tpu.memory_space<hbm>> -> memref<100001x32xf32, #tpu.memory_space<hbm>>
    tpu.wait_indirect_dma semaphore(%arg16 : memref<!tpu.dma_semaphore, #tpu.memory_space<semaphore_mem>>) src(%dma_wait3A_88 : memref<100001x32xf32, #tpu.memory_space<hbm>>) dst(%dma_wait3A_83 : memref<128x32xf32, #tpu.memory_space<vmem>>)
    %dma_wait3A_89 = arith.constant 128 : i32
    %dma_wait3A_90 = arith.constant 0 : i32
    %dma_wait3A_91 = tpu.memref_slice %arg11[%dma_wait3A_89, %dma_wait3A_90] : memref<512x32xf32, #tpu.memory_space<vmem>> -> memref<128x32xf32, #tpu.memory_space<vmem>>
    %dma_wait3A_92 = arith.constant 128 : i32
    %dma_wait3A_93 = tpu.memref_slice %arg9[%dma_wait3A_92] : memref<512xi32, #tpu.memory_space<vmem>> -> memref<128xi32, #tpu.memory_space<vmem>>
    %dma_wait3A_94 = arith.constant 0 : i32
    %dma_wait3A_95 = arith.constant 0 : i32
    %dma_wait3A_96 = tpu.memref_slice %arg5[%dma_wait3A_94, %dma_wait3A_95] : memref<1000001x32xf32, #tpu.memory_space<hbm>> -> memref<1000001x32xf32, #tpu.memory_space<hbm>>
    tpu.wait_indirect_dma semaphore(%arg16 : memref<!tpu.dma_semaphore, #tpu.memory_space<semaphore_mem>>) src(%dma_wait3A_96 : memref<1000001x32xf32, #tpu.memory_space<hbm>>) dst(%dma_wait3A_91 : memref<128x32xf32, #tpu.memory_space<vmem>>)
    %dma_wait3A_97 = arith.constant 128 : i32
    %dma_wait3A_98 = arith.constant 0 : i32
    %dma_wait3A_99 = tpu.memref_slice %arg12[%dma_wait3A_97, %dma_wait3A_98] : memref<512x32xf32, #tpu.memory_space<vmem>> -> memref<128x32xf32, #tpu.memory_space<vmem>>
    %dma_wait3A_100 = arith.constant 128 : i32
    %dma_wait3A_101 = tpu.memref_slice %arg10[%dma_wait3A_100] : memref<512xi32, #tpu.memory_space<vmem>> -> memref<128xi32, #tpu.memory_space<vmem>>
    %dma_wait3A_102 = arith.constant 0 : i32
    %dma_wait3A_103 = arith.constant 0 : i32
    %dma_wait3A_104 = tpu.memref_slice %arg6[%dma_wait3A_102, %dma_wait3A_103] : memref<100001x32xf32, #tpu.memory_space<hbm>> -> memref<100001x32xf32, #tpu.memory_space<hbm>>
    tpu.wait_indirect_dma semaphore(%arg16 : memref<!tpu.dma_semaphore, #tpu.memory_space<semaphore_mem>>) src(%dma_wait3A_104 : memref<100001x32xf32, #tpu.memory_space<hbm>>) dst(%dma_wait3A_99 : memref<128x32xf32, #tpu.memory_space<vmem>>)
    %dma_wait3A_105 = arith.constant 256 : i32
    %dma_wait3A_106 = arith.constant 0 : i32
    %dma_wait3A_107 = tpu.memref_slice %arg11[%dma_wait3A_105, %dma_wait3A_106] : memref<512x32xf32, #tpu.memory_space<vmem>> -> memref<128x32xf32, #tpu.memory_space<vmem>>
    %dma_wait3A_108 = arith.constant 256 : i32
    %dma_wait3A_109 = tpu.memref_slice %arg9[%dma_wait3A_108] : memref<512xi32, #tpu.memory_space<vmem>> -> memref<128xi32, #tpu.memory_space<vmem>>
    %dma_wait3A_110 = arith.constant 0 : i32
    %dma_wait3A_111 = arith.constant 0 : i32
    %dma_wait3A_112 = tpu.memref_slice %arg5[%dma_wait3A_110, %dma_wait3A_111] : memref<1000001x32xf32, #tpu.memory_space<hbm>> -> memref<1000001x32xf32, #tpu.memory_space<hbm>>
    tpu.wait_indirect_dma semaphore(%arg16 : memref<!tpu.dma_semaphore, #tpu.memory_space<semaphore_mem>>) src(%dma_wait3A_112 : memref<1000001x32xf32, #tpu.memory_space<hbm>>) dst(%dma_wait3A_107 : memref<128x32xf32, #tpu.memory_space<vmem>>)
    %dma_wait3A_113 = arith.constant 256 : i32
    %dma_wait3A_114 = arith.constant 0 : i32
    %dma_wait3A_115 = tpu.memref_slice %arg12[%dma_wait3A_113, %dma_wait3A_114] : memref<512x32xf32, #tpu.memory_space<vmem>> -> memref<128x32xf32, #tpu.memory_space<vmem>>
    %dma_wait3A_116 = arith.constant 256 : i32
    %dma_wait3A_117 = tpu.memref_slice %arg10[%dma_wait3A_116] : memref<512xi32, #tpu.memory_space<vmem>> -> memref<128xi32, #tpu.memory_space<vmem>>
    %dma_wait3A_118 = arith.constant 0 : i32
    %dma_wait3A_119 = arith.constant 0 : i32
    %dma_wait3A_120 = tpu.memref_slice %arg6[%dma_wait3A_118, %dma_wait3A_119] : memref<100001x32xf32, #tpu.memory_space<hbm>> -> memref<100001x32xf32, #tpu.memory_space<hbm>>
    tpu.wait_indirect_dma semaphore(%arg16 : memref<!tpu.dma_semaphore, #tpu.memory_space<semaphore_mem>>) src(%dma_wait3A_120 : memref<100001x32xf32, #tpu.memory_space<hbm>>) dst(%dma_wait3A_115 : memref<128x32xf32, #tpu.memory_space<vmem>>)
    %dma_wait3A_121 = arith.constant 384 : i32
    %dma_wait3A_122 = arith.constant 0 : i32
    %dma_wait3A_123 = tpu.memref_slice %arg11[%dma_wait3A_121, %dma_wait3A_122] : memref<512x32xf32, #tpu.memory_space<vmem>> -> memref<128x32xf32, #tpu.memory_space<vmem>>
    %dma_wait3A_124 = arith.constant 384 : i32
    %dma_wait3A_125 = tpu.memref_slice %arg9[%dma_wait3A_124] : memref<512xi32, #tpu.memory_space<vmem>> -> memref<128xi32, #tpu.memory_space<vmem>>
    %dma_wait3A_126 = arith.constant 0 : i32
    %dma_wait3A_127 = arith.constant 0 : i32
    %dma_wait3A_128 = tpu.memref_slice %arg5[%dma_wait3A_126, %dma_wait3A_127] : memref<1000001x32xf32, #tpu.memory_space<hbm>> -> memref<1000001x32xf32, #tpu.memory_space<hbm>>
    tpu.wait_indirect_dma semaphore(%arg16 : memref<!tpu.dma_semaphore, #tpu.memory_space<semaphore_mem>>) src(%dma_wait3A_128 : memref<1000001x32xf32, #tpu.memory_space<hbm>>) dst(%dma_wait3A_123 : memref<128x32xf32, #tpu.memory_space<vmem>>)
    %dma_wait3A_129 = arith.constant 384 : i32
    %dma_wait3A_130 = arith.constant 0 : i32
    %dma_wait3A_131 = tpu.memref_slice %arg12[%dma_wait3A_129, %dma_wait3A_130] : memref<512x32xf32, #tpu.memory_space<vmem>> -> memref<128x32xf32, #tpu.memory_space<vmem>>
    %dma_wait3A_132 = arith.constant 384 : i32
    %dma_wait3A_133 = tpu.memref_slice %arg10[%dma_wait3A_132] : memref<512xi32, #tpu.memory_space<vmem>> -> memref<128xi32, #tpu.memory_space<vmem>>
    %dma_wait3A_134 = arith.constant 0 : i32
    %dma_wait3A_135 = arith.constant 0 : i32
    %dma_wait3A_136 = tpu.memref_slice %arg6[%dma_wait3A_134, %dma_wait3A_135] : memref<100001x32xf32, #tpu.memory_space<hbm>> -> memref<100001x32xf32, #tpu.memory_space<hbm>>
    tpu.wait_indirect_dma semaphore(%arg16 : memref<!tpu.dma_semaphore, #tpu.memory_space<semaphore_mem>>) src(%dma_wait3A_136 : memref<100001x32xf32, #tpu.memory_space<hbm>>) dst(%dma_wait3A_131 : memref<128x32xf32, #tpu.memory_space<vmem>>)
    %get3A = arith.constant 0 : index
    %get3A_137 = tpu.vector_load %arg14[%get3A] {strides = array<i32>} : memref<80xf32, #tpu.memory_space<vmem>>, vector<16xf32>,
    %get3A_138 = vector.shape_cast %get3A_137 : vector<16xf32> to vector<16xf32>
    %get3A_139 = arith.constant 16 : index
    %get3A_140 = tpu.vector_load %arg14[%get3A_139] {strides = array<i32>} : memref<80xf32, #tpu.memory_space<vmem>>, vector<16xf32>,
    %get3A_141 = vector.shape_cast %get3A_140 : vector<16xf32> to vector<16xf32>
    %get3A_142 = arith.constant 32 : index
    %get3A_143 = tpu.vector_load %arg14[%get3A_142] {strides = array<i32>} : memref<80xf32, #tpu.memory_space<vmem>>, vector<16xf32>,
    %get3A_144 = vector.shape_cast %get3A_143 : vector<16xf32> to vector<16xf32>
    %get3A_145 = arith.constant 48 : index
    %get3A_146 = tpu.vector_load %arg14[%get3A_145] {strides = array<i32>} : memref<80xf32, #tpu.memory_space<vmem>>, vector<16xf32>,
    %get3A_147 = vector.shape_cast %get3A_146 : vector<16xf32> to vector<16xf32>
    %get3A_148 = arith.constant 64 : index
    %get3A_149 = tpu.vector_load %arg14[%get3A_148] {strides = array<i32>} : memref<80xf32, #tpu.memory_space<vmem>>, vector<16xf32>,
    %get3A_150 = vector.shape_cast %get3A_149 : vector<16xf32> to vector<16xf32>
    %iota3A = tpu.iota {dimensions = array<i32: 0>} : vector<16xi32>
    %scan3A = arith.constant 0 : i32
    %scan3A_151 = arith.constant 0 : i32
    %scan3A_152 = arith.constant 32 : i32
    %scan3A_153 = arith.addi %scan3A_151, %scan3A_152 : i32
    %scan3A_154 = arith.constant 1 : i32
    scf.for %scan3A_156 = %scan3A_151 to %scan3A_153 step %scan3A_154  : i32 {
      %mul3A_157 = arith.constant 16 : i32
      %mul3A_158 = arith.muli %scan3A_156, %mul3A_157 : i32
      %broadcast_in_dim3A = arith.constant 0.000000e+00 : f32
      %broadcast_in_dim3A_159 = vector.broadcast %broadcast_in_dim3A : f32 to vector<16xf32>
      %add3A_160 = arith.constant 0 : i32
      %add3A_161 = arith.addi %mul3A_158, %add3A_160 : i32
      %get3A_162 = arith.index_cast %add3A_161 : i32 to index
      %get3A_163 = arith.constant 0 : index
      %get3A_164 = tpu.vector_load %arg11[%get3A_162, %get3A_163] {strides = array<i32>} : memref<512x32xf32, #tpu.memory_space<vmem>>, vector<1x16xf32>,
      %get3A_165 = vector.shape_cast %get3A_164 : vector<1x16xf32> to vector<16xf32>
      %get3A_166 = arith.index_cast %add3A_161 : i32 to index
      %get3A_167 = arith.constant 16 : index
      %get3A_168 = tpu.vector_load %arg11[%get3A_166, %get3A_167] {strides = array<i32>} : memref<512x32xf32, #tpu.memory_space<vmem>>, vector<1x16xf32>,
      %get3A_169 = vector.shape_cast %get3A_168 : vector<1x16xf32> to vector<16xf32>
      %get3A_170 = arith.index_cast %add3A_161 : i32 to index
      %get3A_171 = arith.constant 0 : index
      %get3A_172 = tpu.vector_load %arg12[%get3A_170, %get3A_171] {strides = array<i32>} : memref<512x32xf32, #tpu.memory_space<vmem>>, vector<1x16xf32>,
      %get3A_173 = vector.shape_cast %get3A_172 : vector<1x16xf32> to vector<16xf32>
      %get3A_174 = arith.index_cast %add3A_161 : i32 to index
      %get3A_175 = arith.constant 16 : index
      %get3A_176 = tpu.vector_load %arg12[%get3A_174, %get3A_175] {strides = array<i32>} : memref<512x32xf32, #tpu.memory_space<vmem>>, vector<1x16xf32>,
      %get3A_177 = vector.shape_cast %get3A_176 : vector<1x16xf32> to vector<16xf32>
      %get3A_178 = arith.index_cast %add3A_161 : i32 to index
      %get3A_179 = arith.constant 0 : index
      %get3A_180 = tpu.vector_load %arg13[%get3A_178, %get3A_179] {strides = array<i32>} : memref<512x32xf32, #tpu.memory_space<vmem>>, vector<1x16xf32>,
      %get3A_181 = vector.shape_cast %get3A_180 : vector<1x16xf32> to vector<16xf32>
      %get3A_182 = arith.index_cast %add3A_161 : i32 to index
      %get3A_183 = arith.constant 16 : index
      %get3A_184 = tpu.vector_load %arg13[%get3A_182, %get3A_183] {strides = array<i32>} : memref<512x32xf32, #tpu.memory_space<vmem>>, vector<1x16xf32>,
      %get3A_185 = vector.shape_cast %get3A_184 : vector<1x16xf32> to vector<16xf32>
      %mul3A_186 = arith.mulf %get3A_165, %get3A_173 : vector<16xf32>
      %mul3A_187 = arith.mulf %mul3A_186, %get3A_138 : vector<16xf32>
      %mul3A_188 = arith.mulf %get3A_169, %get3A_177 : vector<16xf32>
      %mul3A_189 = arith.mulf %mul3A_188, %get3A_141 : vector<16xf32>
      %add3A_190 = arith.addf %mul3A_187, %mul3A_189 : vector<16xf32>
      %mul3A_191 = arith.mulf %get3A_181, %get3A_144 : vector<16xf32>
      %add3A_192 = arith.addf %add3A_190, %mul3A_191 : vector<16xf32>
      %mul3A_193 = arith.mulf %get3A_185, %get3A_147 : vector<16xf32>
      %add3A_194 = arith.addf %add3A_192, %mul3A_193 : vector<16xf32>
      %eq3A = arith.constant 0 : i32
      %eq3A_195 = vector.broadcast %eq3A : i32 to vector<16xi32>
      %eq3A_196 = arith.cmpi eq, %iota3A, %eq3A_195 : vector<16xi32>
      %xor3A = arith.constant 1 : i32
      %xor3A_197 = vector.broadcast %xor3A : i32 to vector<16xi32>
      %xor3A_198 = arith.xori %iota3A, %xor3A_197 : vector<16xi32>
      %lt3A = arith.constant 0 : i32
      %lt3A_199 = vector.broadcast %lt3A : i32 to vector<16xi32>
      %lt3A_200 = arith.cmpi slt, %xor3A_198, %lt3A_199 : vector<16xi32>
      %add3A_201 = arith.constant 16 : i32
      %add3A_202 = vector.broadcast %add3A_201 : i32 to vector<16xi32>
      %add3A_203 = arith.addi %xor3A_198, %add3A_202 : vector<16xi32>
      %select_n3A = arith.select %lt3A_200, %add3A_203, %xor3A_198 : vector<16xi1>, vector<16xi32>
      %broadcast_in_dim3A_204 = vector.shape_cast %select_n3A : vector<16xi32> to vector<16x1xi32>
      %gather3A = vector.shape_cast %broadcast_in_dim3A_204 : vector<16x1xi32> to vector<16xi32>
      %gather3A_205 = tpu.dynamic_gather %add3A_194[%gather3A] in [0] : vector<16xf32>, vector<16xi32> -> vector<16xf32>
      %add3A_206 = arith.addf %add3A_194, %gather3A_205 : vector<16xf32>
      %xor3A_207 = arith.constant 2 : i32
      %xor3A_208 = vector.broadcast %xor3A_207 : i32 to vector<16xi32>
      %xor3A_209 = arith.xori %iota3A, %xor3A_208 : vector<16xi32>
      %lt3A_210 = arith.constant 0 : i32
      %lt3A_211 = vector.broadcast %lt3A_210 : i32 to vector<16xi32>
      %lt3A_212 = arith.cmpi slt, %xor3A_209, %lt3A_211 : vector<16xi32>
      %add3A_213 = arith.constant 16 : i32
      %add3A_214 = vector.broadcast %add3A_213 : i32 to vector<16xi32>
      %add3A_215 = arith.addi %xor3A_209, %add3A_214 : vector<16xi32>
      %select_n3A_216 = arith.select %lt3A_212, %add3A_215, %xor3A_209 : vector<16xi1>, vector<16xi32>
      %broadcast_in_dim3A_217 = vector.shape_cast %select_n3A_216 : vector<16xi32> to vector<16x1xi32>
      %gather3A_218 = vector.shape_cast %broadcast_in_dim3A_217 : vector<16x1xi32> to vector<16xi32>
      %gather3A_219 = tpu.dynamic_gather %add3A_206[%gather3A_218] in [0] : vector<16xf32>, vector<16xi32> -> vector<16xf32>
      %add3A_220 = arith.addf %add3A_206, %gather3A_219 : vector<16xf32>
      %xor3A_221 = arith.constant 4 : i32
      %xor3A_222 = vector.broadcast %xor3A_221 : i32 to vector<16xi32>
      %xor3A_223 = arith.xori %iota3A, %xor3A_222 : vector<16xi32>
      %lt3A_224 = arith.constant 0 : i32
      %lt3A_225 = vector.broadcast %lt3A_224 : i32 to vector<16xi32>
      %lt3A_226 = arith.cmpi slt, %xor3A_223, %lt3A_225 : vector<16xi32>
      %add3A_227 = arith.constant 16 : i32
      %add3A_228 = vector.broadcast %add3A_227 : i32 to vector<16xi32>
      %add3A_229 = arith.addi %xor3A_223, %add3A_228 : vector<16xi32>
      %select_n3A_230 = arith.select %lt3A_226, %add3A_229, %xor3A_223 : vector<16xi1>, vector<16xi32>
      %broadcast_in_dim3A_231 = vector.shape_cast %select_n3A_230 : vector<16xi32> to vector<16x1xi32>
      %gather3A_232 = vector.shape_cast %broadcast_in_dim3A_231 : vector<16x1xi32> to vector<16xi32>
      %gather3A_233 = tpu.dynamic_gather %add3A_220[%gather3A_232] in [0] : vector<16xf32>, vector<16xi32> -> vector<16xf32>
      %add3A_234 = arith.addf %add3A_220, %gather3A_233 : vector<16xf32>
      %xor3A_235 = arith.constant 8 : i32
      %xor3A_236 = vector.broadcast %xor3A_235 : i32 to vector<16xi32>
      %xor3A_237 = arith.xori %iota3A, %xor3A_236 : vector<16xi32>
      %lt3A_238 = arith.constant 0 : i32
      %lt3A_239 = vector.broadcast %lt3A_238 : i32 to vector<16xi32>
      %lt3A_240 = arith.cmpi slt, %xor3A_237, %lt3A_239 : vector<16xi32>
      %add3A_241 = arith.constant 16 : i32
      %add3A_242 = vector.broadcast %add3A_241 : i32 to vector<16xi32>
      %add3A_243 = arith.addi %xor3A_237, %add3A_242 : vector<16xi32>
      %select_n3A_244 = arith.select %lt3A_240, %add3A_243, %xor3A_237 : vector<16xi1>, vector<16xi32>
      %broadcast_in_dim3A_245 = vector.shape_cast %select_n3A_244 : vector<16xi32> to vector<16x1xi32>
      %gather3A_246 = vector.shape_cast %broadcast_in_dim3A_245 : vector<16x1xi32> to vector<16xi32>
      %gather3A_247 = tpu.dynamic_gather %add3A_234[%gather3A_246] in [0] : vector<16xf32>, vector<16xi32> -> vector<16xf32>
      %add3A_248 = arith.addf %add3A_234, %gather3A_247 : vector<16xf32>
      %select_n3A_249 = arith.select %eq3A_196, %add3A_248, %broadcast_in_dim3A_159 : vector<16xi1>, vector<16xf32>
      %add3A_250 = arith.constant 1 : i32
      %add3A_251 = arith.addi %mul3A_158, %add3A_250 : i32
      %get3A_252 = arith.index_cast %add3A_251 : i32 to index
      %get3A_253 = arith.constant 0 : index
      %get3A_254 = tpu.vector_load %arg11[%get3A_252, %get3A_253] {strides = array<i32>} : memref<512x32xf32, #tpu.memory_space<vmem>>, vector<1x16xf32>,
      %get3A_255 = vector.shape_cast %get3A_254 : vector<1x16xf32> to vector<16xf32>
      %get3A_256 = arith.index_cast %add3A_251 : i32 to index
      %get3A_257 = arith.constant 16 : index
      %get3A_258 = tpu.vector_load %arg11[%get3A_256, %get3A_257] {strides = array<i32>} : memref<512x32xf32, #tpu.memory_space<vmem>>, vector<1x16xf32>,
      %get3A_259 = vector.shape_cast %get3A_258 : vector<1x16xf32> to vector<16xf32>
      %get3A_260 = arith.index_cast %add3A_251 : i32 to index
      %get3A_261 = arith.constant 0 : index
      %get3A_262 = tpu.vector_load %arg12[%get3A_260, %get3A_261] {strides = array<i32>} : memref<512x32xf32, #tpu.memory_space<vmem>>, vector<1x16xf32>,
      %get3A_263 = vector.shape_cast %get3A_262 : vector<1x16xf32> to vector<16xf32>
      %get3A_264 = arith.index_cast %add3A_251 : i32 to index
      %get3A_265 = arith.constant 16 : index
      %get3A_266 = tpu.vector_load %arg12[%get3A_264, %get3A_265] {strides = array<i32>} : memref<512x32xf32, #tpu.memory_space<vmem>>, vector<1x16xf32>,
      %get3A_267 = vector.shape_cast %get3A_266 : vector<1x16xf32> to vector<16xf32>
      %get3A_268 = arith.index_cast %add3A_251 : i32 to index
      %get3A_269 = arith.constant 0 : index
      %get3A_270 = tpu.vector_load %arg13[%get3A_268, %get3A_269] {strides = array<i32>} : memref<512x32xf32, #tpu.memory_space<vmem>>, vector<1x16xf32>,
      %get3A_271 = vector.shape_cast %get3A_270 : vector<1x16xf32> to vector<16xf32>
      %get3A_272 = arith.index_cast %add3A_251 : i32 to index
      %get3A_273 = arith.constant 16 : index
      %get3A_274 = tpu.vector_load %arg13[%get3A_272, %get3A_273] {strides = array<i32>} : memref<512x32xf32, #tpu.memory_space<vmem>>, vector<1x16xf32>,
      %get3A_275 = vector.shape_cast %get3A_274 : vector<1x16xf32> to vector<16xf32>
      %mul3A_276 = arith.mulf %get3A_255, %get3A_263 : vector<16xf32>
      %mul3A_277 = arith.mulf %mul3A_276, %get3A_138 : vector<16xf32>
      %mul3A_278 = arith.mulf %get3A_259, %get3A_267 : vector<16xf32>
      %mul3A_279 = arith.mulf %mul3A_278, %get3A_141 : vector<16xf32>
      %add3A_280 = arith.addf %mul3A_277, %mul3A_279 : vector<16xf32>
      %mul3A_281 = arith.mulf %get3A_271, %get3A_144 : vector<16xf32>
      %add3A_282 = arith.addf %add3A_280, %mul3A_281 : vector<16xf32>
      %mul3A_283 = arith.mulf %get3A_275, %get3A_147 : vector<16xf32>
      %add3A_284 = arith.addf %add3A_282, %mul3A_283 : vector<16xf32>
      %eq3A_285 = arith.constant 1 : i32
      %eq3A_286 = vector.broadcast %eq3A_285 : i32 to vector<16xi32>
      %eq3A_287 = arith.cmpi eq, %iota3A, %eq3A_286 : vector<16xi32>
      %xor3A_288 = arith.constant 1 : i32
      %xor3A_289 = vector.broadcast %xor3A_288 : i32 to vector<16xi32>
      %xor3A_290 = arith.xori %iota3A, %xor3A_289 : vector<16xi32>
      %lt3A_291 = arith.constant 0 : i32
      %lt3A_292 = vector.broadcast %lt3A_291 : i32 to vector<16xi32>
      %lt3A_293 = arith.cmpi slt, %xor3A_290, %lt3A_292 : vector<16xi32>
      %add3A_294 = arith.constant 16 : i32
      %add3A_295 = vector.broadcast %add3A_294 : i32 to vector<16xi32>
      %add3A_296 = arith.addi %xor3A_290, %add3A_295 : vector<16xi32>
      %select_n3A_297 = arith.select %lt3A_293, %add3A_296, %xor3A_290 : vector<16xi1>, vector<16xi32>
      %broadcast_in_dim3A_298 = vector.shape_cast %select_n3A_297 : vector<16xi32> to vector<16x1xi32>
      %gather3A_299 = vector.shape_cast %broadcast_in_dim3A_298 : vector<16x1xi32> to vector<16xi32>
      %gather3A_300 = tpu.dynamic_gather %add3A_284[%gather3A_299] in [0] : vector<16xf32>, vector<16xi32> -> vector<16xf32>
      %add3A_301 = arith.addf %add3A_284, %gather3A_300 : vector<16xf32>
      %xor3A_302 = arith.constant 2 : i32
      %xor3A_303 = vector.broadcast %xor3A_302 : i32 to vector<16xi32>
      %xor3A_304 = arith.xori %iota3A, %xor3A_303 : vector<16xi32>
      %lt3A_305 = arith.constant 0 : i32
      %lt3A_306 = vector.broadcast %lt3A_305 : i32 to vector<16xi32>
      %lt3A_307 = arith.cmpi slt, %xor3A_304, %lt3A_306 : vector<16xi32>
      %add3A_308 = arith.constant 16 : i32
      %add3A_309 = vector.broadcast %add3A_308 : i32 to vector<16xi32>
      %add3A_310 = arith.addi %xor3A_304, %add3A_309 : vector<16xi32>
      %select_n3A_311 = arith.select %lt3A_307, %add3A_310, %xor3A_304 : vector<16xi1>, vector<16xi32>
      %broadcast_in_dim3A_312 = vector.shape_cast %select_n3A_311 : vector<16xi32> to vector<16x1xi32>
      %gather3A_313 = vector.shape_cast %broadcast_in_dim3A_312 : vector<16x1xi32> to vector<16xi32>
      %gather3A_314 = tpu.dynamic_gather %add3A_301[%gather3A_313] in [0] : vector<16xf32>, vector<16xi32> -> vector<16xf32>
      %add3A_315 = arith.addf %add3A_301, %gather3A_314 : vector<16xf32>
      %xor3A_316 = arith.constant 4 : i32
      %xor3A_317 = vector.broadcast %xor3A_316 : i32 to vector<16xi32>
      %xor3A_318 = arith.xori %iota3A, %xor3A_317 : vector<16xi32>
      %lt3A_319 = arith.constant 0 : i32
      %lt3A_320 = vector.broadcast %lt3A_319 : i32 to vector<16xi32>
      %lt3A_321 = arith.cmpi slt, %xor3A_318, %lt3A_320 : vector<16xi32>
      %add3A_322 = arith.constant 16 : i32
      %add3A_323 = vector.broadcast %add3A_322 : i32 to vector<16xi32>
      %add3A_324 = arith.addi %xor3A_318, %add3A_323 : vector<16xi32>
      %select_n3A_325 = arith.select %lt3A_321, %add3A_324, %xor3A_318 : vector<16xi1>, vector<16xi32>
      %broadcast_in_dim3A_326 = vector.shape_cast %select_n3A_325 : vector<16xi32> to vector<16x1xi32>
      %gather3A_327 = vector.shape_cast %broadcast_in_dim3A_326 : vector<16x1xi32> to vector<16xi32>
      %gather3A_328 = tpu.dynamic_gather %add3A_315[%gather3A_327] in [0] : vector<16xf32>, vector<16xi32> -> vector<16xf32>
      %add3A_329 = arith.addf %add3A_315, %gather3A_328 : vector<16xf32>
      %xor3A_330 = arith.constant 8 : i32
      %xor3A_331 = vector.broadcast %xor3A_330 : i32 to vector<16xi32>
      %xor3A_332 = arith.xori %iota3A, %xor3A_331 : vector<16xi32>
      %lt3A_333 = arith.constant 0 : i32
      %lt3A_334 = vector.broadcast %lt3A_333 : i32 to vector<16xi32>
      %lt3A_335 = arith.cmpi slt, %xor3A_332, %lt3A_334 : vector<16xi32>
      %add3A_336 = arith.constant 16 : i32
      %add3A_337 = vector.broadcast %add3A_336 : i32 to vector<16xi32>
      %add3A_338 = arith.addi %xor3A_332, %add3A_337 : vector<16xi32>
      %select_n3A_339 = arith.select %lt3A_335, %add3A_338, %xor3A_332 : vector<16xi1>, vector<16xi32>
      %broadcast_in_dim3A_340 = vector.shape_cast %select_n3A_339 : vector<16xi32> to vector<16x1xi32>
      %gather3A_341 = vector.shape_cast %broadcast_in_dim3A_340 : vector<16x1xi32> to vector<16xi32>
      %gather3A_342 = tpu.dynamic_gather %add3A_329[%gather3A_341] in [0] : vector<16xf32>, vector<16xi32> -> vector<16xf32>
      %add3A_343 = arith.addf %add3A_329, %gather3A_342 : vector<16xf32>
      %select_n3A_344 = arith.select %eq3A_287, %add3A_343, %select_n3A_249 : vector<16xi1>, vector<16xf32>
      %add3A_345 = arith.constant 2 : i32
      %add3A_346 = arith.addi %mul3A_158, %add3A_345 : i32
      %get3A_347 = arith.index_cast %add3A_346 : i32 to index
      %get3A_348 = arith.constant 0 : index
      %get3A_349 = tpu.vector_load %arg11[%get3A_347, %get3A_348] {strides = array<i32>} : memref<512x32xf32, #tpu.memory_space<vmem>>, vector<1x16xf32>,
      %get3A_350 = vector.shape_cast %get3A_349 : vector<1x16xf32> to vector<16xf32>
      %get3A_351 = arith.index_cast %add3A_346 : i32 to index
      %get3A_352 = arith.constant 16 : index
      %get3A_353 = tpu.vector_load %arg11[%get3A_351, %get3A_352] {strides = array<i32>} : memref<512x32xf32, #tpu.memory_space<vmem>>, vector<1x16xf32>,
      %get3A_354 = vector.shape_cast %get3A_353 : vector<1x16xf32> to vector<16xf32>
      %get3A_355 = arith.index_cast %add3A_346 : i32 to index
      %get3A_356 = arith.constant 0 : index
      %get3A_357 = tpu.vector_load %arg12[%get3A_355, %get3A_356] {strides = array<i32>} : memref<512x32xf32, #tpu.memory_space<vmem>>, vector<1x16xf32>,
      %get3A_358 = vector.shape_cast %get3A_357 : vector<1x16xf32> to vector<16xf32>
      %get3A_359 = arith.index_cast %add3A_346 : i32 to index
      %get3A_360 = arith.constant 16 : index
      %get3A_361 = tpu.vector_load %arg12[%get3A_359, %get3A_360] {strides = array<i32>} : memref<512x32xf32, #tpu.memory_space<vmem>>, vector<1x16xf32>,
      %get3A_362 = vector.shape_cast %get3A_361 : vector<1x16xf32> to vector<16xf32>
      %get3A_363 = arith.index_cast %add3A_346 : i32 to index
      %get3A_364 = arith.constant 0 : index
      %get3A_365 = tpu.vector_load %arg13[%get3A_363, %get3A_364] {strides = array<i32>} : memref<512x32xf32, #tpu.memory_space<vmem>>, vector<1x16xf32>,
      %get3A_366 = vector.shape_cast %get3A_365 : vector<1x16xf32> to vector<16xf32>
      %get3A_367 = arith.index_cast %add3A_346 : i32 to index
      %get3A_368 = arith.constant 16 : index
      %get3A_369 = tpu.vector_load %arg13[%get3A_367, %get3A_368] {strides = array<i32>} : memref<512x32xf32, #tpu.memory_space<vmem>>, vector<1x16xf32>,
      %get3A_370 = vector.shape_cast %get3A_369 : vector<1x16xf32> to vector<16xf32>
      %mul3A_371 = arith.mulf %get3A_350, %get3A_358 : vector<16xf32>
      %mul3A_372 = arith.mulf %mul3A_371, %get3A_138 : vector<16xf32>
      %mul3A_373 = arith.mulf %get3A_354, %get3A_362 : vector<16xf32>
      %mul3A_374 = arith.mulf %mul3A_373, %get3A_141 : vector<16xf32>
      %add3A_375 = arith.addf %mul3A_372, %mul3A_374 : vector<16xf32>
      %mul3A_376 = arith.mulf %get3A_366, %get3A_144 : vector<16xf32>
      %add3A_377 = arith.addf %add3A_375, %mul3A_376 : vector<16xf32>
      %mul3A_378 = arith.mulf %get3A_370, %get3A_147 : vector<16xf32>
      %add3A_379 = arith.addf %add3A_377, %mul3A_378 : vector<16xf32>
      %eq3A_380 = arith.constant 2 : i32
      %eq3A_381 = vector.broadcast %eq3A_380 : i32 to vector<16xi32>
      %eq3A_382 = arith.cmpi eq, %iota3A, %eq3A_381 : vector<16xi32>
      %xor3A_383 = arith.constant 1 : i32
      %xor3A_384 = vector.broadcast %xor3A_383 : i32 to vector<16xi32>
      %xor3A_385 = arith.xori %iota3A, %xor3A_384 : vector<16xi32>
      %lt3A_386 = arith.constant 0 : i32
      %lt3A_387 = vector.broadcast %lt3A_386 : i32 to vector<16xi32>
      %lt3A_388 = arith.cmpi slt, %xor3A_385, %lt3A_387 : vector<16xi32>
      %add3A_389 = arith.constant 16 : i32
      %add3A_390 = vector.broadcast %add3A_389 : i32 to vector<16xi32>
      %add3A_391 = arith.addi %xor3A_385, %add3A_390 : vector<16xi32>
      %select_n3A_392 = arith.select %lt3A_388, %add3A_391, %xor3A_385 : vector<16xi1>, vector<16xi32>
      %broadcast_in_dim3A_393 = vector.shape_cast %select_n3A_392 : vector<16xi32> to vector<16x1xi32>
      %gather3A_394 = vector.shape_cast %broadcast_in_dim3A_393 : vector<16x1xi32> to vector<16xi32>
      %gather3A_395 = tpu.dynamic_gather %add3A_379[%gather3A_394] in [0] : vector<16xf32>, vector<16xi32> -> vector<16xf32>
      %add3A_396 = arith.addf %add3A_379, %gather3A_395 : vector<16xf32>
      %xor3A_397 = arith.constant 2 : i32
      %xor3A_398 = vector.broadcast %xor3A_397 : i32 to vector<16xi32>
      %xor3A_399 = arith.xori %iota3A, %xor3A_398 : vector<16xi32>
      %lt3A_400 = arith.constant 0 : i32
      %lt3A_401 = vector.broadcast %lt3A_400 : i32 to vector<16xi32>
      %lt3A_402 = arith.cmpi slt, %xor3A_399, %lt3A_401 : vector<16xi32>
      %add3A_403 = arith.constant 16 : i32
      %add3A_404 = vector.broadcast %add3A_403 : i32 to vector<16xi32>
      %add3A_405 = arith.addi %xor3A_399, %add3A_404 : vector<16xi32>
      %select_n3A_406 = arith.select %lt3A_402, %add3A_405, %xor3A_399 : vector<16xi1>, vector<16xi32>
      %broadcast_in_dim3A_407 = vector.shape_cast %select_n3A_406 : vector<16xi32> to vector<16x1xi32>
      %gather3A_408 = vector.shape_cast %broadcast_in_dim3A_407 : vector<16x1xi32> to vector<16xi32>
      %gather3A_409 = tpu.dynamic_gather %add3A_396[%gather3A_408] in [0] : vector<16xf32>, vector<16xi32> -> vector<16xf32>
      %add3A_410 = arith.addf %add3A_396, %gather3A_409 : vector<16xf32>
      %xor3A_411 = arith.constant 4 : i32
      %xor3A_412 = vector.broadcast %xor3A_411 : i32 to vector<16xi32>
      %xor3A_413 = arith.xori %iota3A, %xor3A_412 : vector<16xi32>
      %lt3A_414 = arith.constant 0 : i32
      %lt3A_415 = vector.broadcast %lt3A_414 : i32 to vector<16xi32>
      %lt3A_416 = arith.cmpi slt, %xor3A_413, %lt3A_415 : vector<16xi32>
      %add3A_417 = arith.constant 16 : i32
      %add3A_418 = vector.broadcast %add3A_417 : i32 to vector<16xi32>
      %add3A_419 = arith.addi %xor3A_413, %add3A_418 : vector<16xi32>
      %select_n3A_420 = arith.select %lt3A_416, %add3A_419, %xor3A_413 : vector<16xi1>, vector<16xi32>
      %broadcast_in_dim3A_421 = vector.shape_cast %select_n3A_420 : vector<16xi32> to vector<16x1xi32>
      %gather3A_422 = vector.shape_cast %broadcast_in_dim3A_421 : vector<16x1xi32> to vector<16xi32>
      %gather3A_423 = tpu.dynamic_gather %add3A_410[%gather3A_422] in [0] : vector<16xf32>, vector<16xi32> -> vector<16xf32>
      %add3A_424 = arith.addf %add3A_410, %gather3A_423 : vector<16xf32>
      %xor3A_425 = arith.constant 8 : i32
      %xor3A_426 = vector.broadcast %xor3A_425 : i32 to vector<16xi32>
      %xor3A_427 = arith.xori %iota3A, %xor3A_426 : vector<16xi32>
      %lt3A_428 = arith.constant 0 : i32
      %lt3A_429 = vector.broadcast %lt3A_428 : i32 to vector<16xi32>
      %lt3A_430 = arith.cmpi slt, %xor3A_427, %lt3A_429 : vector<16xi32>
      %add3A_431 = arith.constant 16 : i32
      %add3A_432 = vector.broadcast %add3A_431 : i32 to vector<16xi32>
      %add3A_433 = arith.addi %xor3A_427, %add3A_432 : vector<16xi32>
      %select_n3A_434 = arith.select %lt3A_430, %add3A_433, %xor3A_427 : vector<16xi1>, vector<16xi32>
      %broadcast_in_dim3A_435 = vector.shape_cast %select_n3A_434 : vector<16xi32> to vector<16x1xi32>
      %gather3A_436 = vector.shape_cast %broadcast_in_dim3A_435 : vector<16x1xi32> to vector<16xi32>
      %gather3A_437 = tpu.dynamic_gather %add3A_424[%gather3A_436] in [0] : vector<16xf32>, vector<16xi32> -> vector<16xf32>
      %add3A_438 = arith.addf %add3A_424, %gather3A_437 : vector<16xf32>
      %select_n3A_439 = arith.select %eq3A_382, %add3A_438, %select_n3A_344 : vector<16xi1>, vector<16xf32>
      %add3A_440 = arith.constant 3 : i32
      %add3A_441 = arith.addi %mul3A_158, %add3A_440 : i32
      %get3A_442 = arith.index_cast %add3A_441 : i32 to index
      %get3A_443 = arith.constant 0 : index
      %get3A_444 = tpu.vector_load %arg11[%get3A_442, %get3A_443] {strides = array<i32>} : memref<512x32xf32, #tpu.memory_space<vmem>>, vector<1x16xf32>,
      %get3A_445 = vector.shape_cast %get3A_444 : vector<1x16xf32> to vector<16xf32>
      %get3A_446 = arith.index_cast %add3A_441 : i32 to index
      %get3A_447 = arith.constant 16 : index
      %get3A_448 = tpu.vector_load %arg11[%get3A_446, %get3A_447] {strides = array<i32>} : memref<512x32xf32, #tpu.memory_space<vmem>>, vector<1x16xf32>,
      %get3A_449 = vector.shape_cast %get3A_448 : vector<1x16xf32> to vector<16xf32>
      %get3A_450 = arith.index_cast %add3A_441 : i32 to index
      %get3A_451 = arith.constant 0 : index
      %get3A_452 = tpu.vector_load %arg12[%get3A_450, %get3A_451] {strides = array<i32>} : memref<512x32xf32, #tpu.memory_space<vmem>>, vector<1x16xf32>,
      %get3A_453 = vector.shape_cast %get3A_452 : vector<1x16xf32> to vector<16xf32>
      %get3A_454 = arith.index_cast %add3A_441 : i32 to index
      %get3A_455 = arith.constant 16 : index
      %get3A_456 = tpu.vector_load %arg12[%get3A_454, %get3A_455] {strides = array<i32>} : memref<512x32xf32, #tpu.memory_space<vmem>>, vector<1x16xf32>,
      %get3A_457 = vector.shape_cast %get3A_456 : vector<1x16xf32> to vector<16xf32>
      %get3A_458 = arith.index_cast %add3A_441 : i32 to index
      %get3A_459 = arith.constant 0 : index
      %get3A_460 = tpu.vector_load %arg13[%get3A_458, %get3A_459] {strides = array<i32>} : memref<512x32xf32, #tpu.memory_space<vmem>>, vector<1x16xf32>,
      %get3A_461 = vector.shape_cast %get3A_460 : vector<1x16xf32> to vector<16xf32>
      %get3A_462 = arith.index_cast %add3A_441 : i32 to index
      %get3A_463 = arith.constant 16 : index
      %get3A_464 = tpu.vector_load %arg13[%get3A_462, %get3A_463] {strides = array<i32>} : memref<512x32xf32, #tpu.memory_space<vmem>>, vector<1x16xf32>,
      %get3A_465 = vector.shape_cast %get3A_464 : vector<1x16xf32> to vector<16xf32>
      %mul3A_466 = arith.mulf %get3A_445, %get3A_453 : vector<16xf32>
      %mul3A_467 = arith.mulf %mul3A_466, %get3A_138 : vector<16xf32>
      %mul3A_468 = arith.mulf %get3A_449, %get3A_457 : vector<16xf32>
      %mul3A_469 = arith.mulf %mul3A_468, %get3A_141 : vector<16xf32>
      %add3A_470 = arith.addf %mul3A_467, %mul3A_469 : vector<16xf32>
      %mul3A_471 = arith.mulf %get3A_461, %get3A_144 : vector<16xf32>
      %add3A_472 = arith.addf %add3A_470, %mul3A_471 : vector<16xf32>
      %mul3A_473 = arith.mulf %get3A_465, %get3A_147 : vector<16xf32>
      %add3A_474 = arith.addf %add3A_472, %mul3A_473 : vector<16xf32>
      %eq3A_475 = arith.constant 3 : i32
      %eq3A_476 = vector.broadcast %eq3A_475 : i32 to vector<16xi32>
      %eq3A_477 = arith.cmpi eq, %iota3A, %eq3A_476 : vector<16xi32>
      %xor3A_478 = arith.constant 1 : i32
      %xor3A_479 = vector.broadcast %xor3A_478 : i32 to vector<16xi32>
      %xor3A_480 = arith.xori %iota3A, %xor3A_479 : vector<16xi32>
      %lt3A_481 = arith.constant 0 : i32
      %lt3A_482 = vector.broadcast %lt3A_481 : i32 to vector<16xi32>
      %lt3A_483 = arith.cmpi slt, %xor3A_480, %lt3A_482 : vector<16xi32>
      %add3A_484 = arith.constant 16 : i32
      %add3A_485 = vector.broadcast %add3A_484 : i32 to vector<16xi32>
      %add3A_486 = arith.addi %xor3A_480, %add3A_485 : vector<16xi32>
      %select_n3A_487 = arith.select %lt3A_483, %add3A_486, %xor3A_480 : vector<16xi1>, vector<16xi32>
      %broadcast_in_dim3A_488 = vector.shape_cast %select_n3A_487 : vector<16xi32> to vector<16x1xi32>
      %gather3A_489 = vector.shape_cast %broadcast_in_dim3A_488 : vector<16x1xi32> to vector<16xi32>
      %gather3A_490 = tpu.dynamic_gather %add3A_474[%gather3A_489] in [0] : vector<16xf32>, vector<16xi32> -> vector<16xf32>
      %add3A_491 = arith.addf %add3A_474, %gather3A_490 : vector<16xf32>
      %xor3A_492 = arith.constant 2 : i32
      %xor3A_493 = vector.broadcast %xor3A_492 : i32 to vector<16xi32>
      %xor3A_494 = arith.xori %iota3A, %xor3A_493 : vector<16xi32>
      %lt3A_495 = arith.constant 0 : i32
      %lt3A_496 = vector.broadcast %lt3A_495 : i32 to vector<16xi32>
      %lt3A_497 = arith.cmpi slt, %xor3A_494, %lt3A_496 : vector<16xi32>
      %add3A_498 = arith.constant 16 : i32
      %add3A_499 = vector.broadcast %add3A_498 : i32 to vector<16xi32>
      %add3A_500 = arith.addi %xor3A_494, %add3A_499 : vector<16xi32>
      %select_n3A_501 = arith.select %lt3A_497, %add3A_500, %xor3A_494 : vector<16xi1>, vector<16xi32>
      %broadcast_in_dim3A_502 = vector.shape_cast %select_n3A_501 : vector<16xi32> to vector<16x1xi32>
      %gather3A_503 = vector.shape_cast %broadcast_in_dim3A_502 : vector<16x1xi32> to vector<16xi32>
      %gather3A_504 = tpu.dynamic_gather %add3A_491[%gather3A_503] in [0] : vector<16xf32>, vector<16xi32> -> vector<16xf32>
      %add3A_505 = arith.addf %add3A_491, %gather3A_504 : vector<16xf32>
      %xor3A_506 = arith.constant 4 : i32
      %xor3A_507 = vector.broadcast %xor3A_506 : i32 to vector<16xi32>
      %xor3A_508 = arith.xori %iota3A, %xor3A_507 : vector<16xi32>
      %lt3A_509 = arith.constant 0 : i32
      %lt3A_510 = vector.broadcast %lt3A_509 : i32 to vector<16xi32>
      %lt3A_511 = arith.cmpi slt, %xor3A_508, %lt3A_510 : vector<16xi32>
      %add3A_512 = arith.constant 16 : i32
      %add3A_513 = vector.broadcast %add3A_512 : i32 to vector<16xi32>
      %add3A_514 = arith.addi %xor3A_508, %add3A_513 : vector<16xi32>
      %select_n3A_515 = arith.select %lt3A_511, %add3A_514, %xor3A_508 : vector<16xi1>, vector<16xi32>
      %broadcast_in_dim3A_516 = vector.shape_cast %select_n3A_515 : vector<16xi32> to vector<16x1xi32>
      %gather3A_517 = vector.shape_cast %broadcast_in_dim3A_516 : vector<16x1xi32> to vector<16xi32>
      %gather3A_518 = tpu.dynamic_gather %add3A_505[%gather3A_517] in [0] : vector<16xf32>, vector<16xi32> -> vector<16xf32>
      %add3A_519 = arith.addf %add3A_505, %gather3A_518 : vector<16xf32>
      %xor3A_520 = arith.constant 8 : i32
      %xor3A_521 = vector.broadcast %xor3A_520 : i32 to vector<16xi32>
      %xor3A_522 = arith.xori %iota3A, %xor3A_521 : vector<16xi32>
      %lt3A_523 = arith.constant 0 : i32
      %lt3A_524 = vector.broadcast %lt3A_523 : i32 to vector<16xi32>
      %lt3A_525 = arith.cmpi slt, %xor3A_522, %lt3A_524 : vector<16xi32>
      %add3A_526 = arith.constant 16 : i32
      %add3A_527 = vector.broadcast %add3A_526 : i32 to vector<16xi32>
      %add3A_528 = arith.addi %xor3A_522, %add3A_527 : vector<16xi32>
      %select_n3A_529 = arith.select %lt3A_525, %add3A_528, %xor3A_522 : vector<16xi1>, vector<16xi32>
      %broadcast_in_dim3A_530 = vector.shape_cast %select_n3A_529 : vector<16xi32> to vector<16x1xi32>
      %gather3A_531 = vector.shape_cast %broadcast_in_dim3A_530 : vector<16x1xi32> to vector<16xi32>
      %gather3A_532 = tpu.dynamic_gather %add3A_519[%gather3A_531] in [0] : vector<16xf32>, vector<16xi32> -> vector<16xf32>
      %add3A_533 = arith.addf %add3A_519, %gather3A_532 : vector<16xf32>
      %select_n3A_534 = arith.select %eq3A_477, %add3A_533, %select_n3A_439 : vector<16xi1>, vector<16xf32>
      %add3A_535 = arith.constant 4 : i32
      %add3A_536 = arith.addi %mul3A_158, %add3A_535 : i32
      %get3A_537 = arith.index_cast %add3A_536 : i32 to index
      %get3A_538 = arith.constant 0 : index
      %get3A_539 = tpu.vector_load %arg11[%get3A_537, %get3A_538] {strides = array<i32>} : memref<512x32xf32, #tpu.memory_space<vmem>>, vector<1x16xf32>,
      %get3A_540 = vector.shape_cast %get3A_539 : vector<1x16xf32> to vector<16xf32>
      %get3A_541 = arith.index_cast %add3A_536 : i32 to index
      %get3A_542 = arith.constant 16 : index
      %get3A_543 = tpu.vector_load %arg11[%get3A_541, %get3A_542] {strides = array<i32>} : memref<512x32xf32, #tpu.memory_space<vmem>>, vector<1x16xf32>,
      %get3A_544 = vector.shape_cast %get3A_543 : vector<1x16xf32> to vector<16xf32>
      %get3A_545 = arith.index_cast %add3A_536 : i32 to index
      %get3A_546 = arith.constant 0 : index
      %get3A_547 = tpu.vector_load %arg12[%get3A_545, %get3A_546] {strides = array<i32>} : memref<512x32xf32, #tpu.memory_space<vmem>>, vector<1x16xf32>,
      %get3A_548 = vector.shape_cast %get3A_547 : vector<1x16xf32> to vector<16xf32>
      %get3A_549 = arith.index_cast %add3A_536 : i32 to index
      %get3A_550 = arith.constant 16 : index
      %get3A_551 = tpu.vector_load %arg12[%get3A_549, %get3A_550] {strides = array<i32>} : memref<512x32xf32, #tpu.memory_space<vmem>>, vector<1x16xf32>,
      %get3A_552 = vector.shape_cast %get3A_551 : vector<1x16xf32> to vector<16xf32>
      %get3A_553 = arith.index_cast %add3A_536 : i32 to index
      %get3A_554 = arith.constant 0 : index
      %get3A_555 = tpu.vector_load %arg13[%get3A_553, %get3A_554] {strides = array<i32>} : memref<512x32xf32, #tpu.memory_space<vmem>>, vector<1x16xf32>,
      %get3A_556 = vector.shape_cast %get3A_555 : vector<1x16xf32> to vector<16xf32>
      %get3A_557 = arith.index_cast %add3A_536 : i32 to index
      %get3A_558 = arith.constant 16 : index
      %get3A_559 = tpu.vector_load %arg13[%get3A_557, %get3A_558] {strides = array<i32>} : memref<512x32xf32, #tpu.memory_space<vmem>>, vector<1x16xf32>,
      %get3A_560 = vector.shape_cast %get3A_559 : vector<1x16xf32> to vector<16xf32>
      %mul3A_561 = arith.mulf %get3A_540, %get3A_548 : vector<16xf32>
      %mul3A_562 = arith.mulf %mul3A_561, %get3A_138 : vector<16xf32>
      %mul3A_563 = arith.mulf %get3A_544, %get3A_552 : vector<16xf32>
      %mul3A_564 = arith.mulf %mul3A_563, %get3A_141 : vector<16xf32>
      %add3A_565 = arith.addf %mul3A_562, %mul3A_564 : vector<16xf32>
      %mul3A_566 = arith.mulf %get3A_556, %get3A_144 : vector<16xf32>
      %add3A_567 = arith.addf %add3A_565, %mul3A_566 : vector<16xf32>
      %mul3A_568 = arith.mulf %get3A_560, %get3A_147 : vector<16xf32>
      %add3A_569 = arith.addf %add3A_567, %mul3A_568 : vector<16xf32>
      %eq3A_570 = arith.constant 4 : i32
      %eq3A_571 = vector.broadcast %eq3A_570 : i32 to vector<16xi32>
      %eq3A_572 = arith.cmpi eq, %iota3A, %eq3A_571 : vector<16xi32>
      %xor3A_573 = arith.constant 1 : i32
      %xor3A_574 = vector.broadcast %xor3A_573 : i32 to vector<16xi32>
      %xor3A_575 = arith.xori %iota3A, %xor3A_574 : vector<16xi32>
      %lt3A_576 = arith.constant 0 : i32
      %lt3A_577 = vector.broadcast %lt3A_576 : i32 to vector<16xi32>
      %lt3A_578 = arith.cmpi slt, %xor3A_575, %lt3A_577 : vector<16xi32>
      %add3A_579 = arith.constant 16 : i32
      %add3A_580 = vector.broadcast %add3A_579 : i32 to vector<16xi32>
      %add3A_581 = arith.addi %xor3A_575, %add3A_580 : vector<16xi32>
      %select_n3A_582 = arith.select %lt3A_578, %add3A_581, %xor3A_575 : vector<16xi1>, vector<16xi32>
      %broadcast_in_dim3A_583 = vector.shape_cast %select_n3A_582 : vector<16xi32> to vector<16x1xi32>
      %gather3A_584 = vector.shape_cast %broadcast_in_dim3A_583 : vector<16x1xi32> to vector<16xi32>
      %gather3A_585 = tpu.dynamic_gather %add3A_569[%gather3A_584] in [0] : vector<16xf32>, vector<16xi32> -> vector<16xf32>
      %add3A_586 = arith.addf %add3A_569, %gather3A_585 : vector<16xf32>
      %xor3A_587 = arith.constant 2 : i32
      %xor3A_588 = vector.broadcast %xor3A_587 : i32 to vector<16xi32>
      %xor3A_589 = arith.xori %iota3A, %xor3A_588 : vector<16xi32>
      %lt3A_590 = arith.constant 0 : i32
      %lt3A_591 = vector.broadcast %lt3A_590 : i32 to vector<16xi32>
      %lt3A_592 = arith.cmpi slt, %xor3A_589, %lt3A_591 : vector<16xi32>
      %add3A_593 = arith.constant 16 : i32
      %add3A_594 = vector.broadcast %add3A_593 : i32 to vector<16xi32>
      %add3A_595 = arith.addi %xor3A_589, %add3A_594 : vector<16xi32>
      %select_n3A_596 = arith.select %lt3A_592, %add3A_595, %xor3A_589 : vector<16xi1>, vector<16xi32>
      %broadcast_in_dim3A_597 = vector.shape_cast %select_n3A_596 : vector<16xi32> to vector<16x1xi32>
      %gather3A_598 = vector.shape_cast %broadcast_in_dim3A_597 : vector<16x1xi32> to vector<16xi32>
      %gather3A_599 = tpu.dynamic_gather %add3A_586[%gather3A_598] in [0] : vector<16xf32>, vector<16xi32> -> vector<16xf32>
      %add3A_600 = arith.addf %add3A_586, %gather3A_599 : vector<16xf32>
      %xor3A_601 = arith.constant 4 : i32
      %xor3A_602 = vector.broadcast %xor3A_601 : i32 to vector<16xi32>
      %xor3A_603 = arith.xori %iota3A, %xor3A_602 : vector<16xi32>
      %lt3A_604 = arith.constant 0 : i32
      %lt3A_605 = vector.broadcast %lt3A_604 : i32 to vector<16xi32>
      %lt3A_606 = arith.cmpi slt, %xor3A_603, %lt3A_605 : vector<16xi32>
      %add3A_607 = arith.constant 16 : i32
      %add3A_608 = vector.broadcast %add3A_607 : i32 to vector<16xi32>
      %add3A_609 = arith.addi %xor3A_603, %add3A_608 : vector<16xi32>
      %select_n3A_610 = arith.select %lt3A_606, %add3A_609, %xor3A_603 : vector<16xi1>, vector<16xi32>
      %broadcast_in_dim3A_611 = vector.shape_cast %select_n3A_610 : vector<16xi32> to vector<16x1xi32>
      %gather3A_612 = vector.shape_cast %broadcast_in_dim3A_611 : vector<16x1xi32> to vector<16xi32>
      %gather3A_613 = tpu.dynamic_gather %add3A_600[%gather3A_612] in [0] : vector<16xf32>, vector<16xi32> -> vector<16xf32>
      %add3A_614 = arith.addf %add3A_600, %gather3A_613 : vector<16xf32>
      %xor3A_615 = arith.constant 8 : i32
      %xor3A_616 = vector.broadcast %xor3A_615 : i32 to vector<16xi32>
      %xor3A_617 = arith.xori %iota3A, %xor3A_616 : vector<16xi32>
      %lt3A_618 = arith.constant 0 : i32
      %lt3A_619 = vector.broadcast %lt3A_618 : i32 to vector<16xi32>
      %lt3A_620 = arith.cmpi slt, %xor3A_617, %lt3A_619 : vector<16xi32>
      %add3A_621 = arith.constant 16 : i32
      %add3A_622 = vector.broadcast %add3A_621 : i32 to vector<16xi32>
      %add3A_623 = arith.addi %xor3A_617, %add3A_622 : vector<16xi32>
      %select_n3A_624 = arith.select %lt3A_620, %add3A_623, %xor3A_617 : vector<16xi1>, vector<16xi32>
      %broadcast_in_dim3A_625 = vector.shape_cast %select_n3A_624 : vector<16xi32> to vector<16x1xi32>
      %gather3A_626 = vector.shape_cast %broadcast_in_dim3A_625 : vector<16x1xi32> to vector<16xi32>
      %gather3A_627 = tpu.dynamic_gather %add3A_614[%gather3A_626] in [0] : vector<16xf32>, vector<16xi32> -> vector<16xf32>
      %add3A_628 = arith.addf %add3A_614, %gather3A_627 : vector<16xf32>
      %select_n3A_629 = arith.select %eq3A_572, %add3A_628, %select_n3A_534 : vector<16xi1>, vector<16xf32>
      %add3A_630 = arith.constant 5 : i32
      %add3A_631 = arith.addi %mul3A_158, %add3A_630 : i32
      %get3A_632 = arith.index_cast %add3A_631 : i32 to index
      %get3A_633 = arith.constant 0 : index
      %get3A_634 = tpu.vector_load %arg11[%get3A_632, %get3A_633] {strides = array<i32>} : memref<512x32xf32, #tpu.memory_space<vmem>>, vector<1x16xf32>,
      %get3A_635 = vector.shape_cast %get3A_634 : vector<1x16xf32> to vector<16xf32>
      %get3A_636 = arith.index_cast %add3A_631 : i32 to index
      %get3A_637 = arith.constant 16 : index
      %get3A_638 = tpu.vector_load %arg11[%get3A_636, %get3A_637] {strides = array<i32>} : memref<512x32xf32, #tpu.memory_space<vmem>>, vector<1x16xf32>,
      %get3A_639 = vector.shape_cast %get3A_638 : vector<1x16xf32> to vector<16xf32>
      %get3A_640 = arith.index_cast %add3A_631 : i32 to index
      %get3A_641 = arith.constant 0 : index
      %get3A_642 = tpu.vector_load %arg12[%get3A_640, %get3A_641] {strides = array<i32>} : memref<512x32xf32, #tpu.memory_space<vmem>>, vector<1x16xf32>,
      %get3A_643 = vector.shape_cast %get3A_642 : vector<1x16xf32> to vector<16xf32>
      %get3A_644 = arith.index_cast %add3A_631 : i32 to index
      %get3A_645 = arith.constant 16 : index
      %get3A_646 = tpu.vector_load %arg12[%get3A_644, %get3A_645] {strides = array<i32>} : memref<512x32xf32, #tpu.memory_space<vmem>>, vector<1x16xf32>,
      %get3A_647 = vector.shape_cast %get3A_646 : vector<1x16xf32> to vector<16xf32>
      %get3A_648 = arith.index_cast %add3A_631 : i32 to index
      %get3A_649 = arith.constant 0 : index
      %get3A_650 = tpu.vector_load %arg13[%get3A_648, %get3A_649] {strides = array<i32>} : memref<512x32xf32, #tpu.memory_space<vmem>>, vector<1x16xf32>,
      %get3A_651 = vector.shape_cast %get3A_650 : vector<1x16xf32> to vector<16xf32>
      %get3A_652 = arith.index_cast %add3A_631 : i32 to index
      %get3A_653 = arith.constant 16 : index
      %get3A_654 = tpu.vector_load %arg13[%get3A_652, %get3A_653] {strides = array<i32>} : memref<512x32xf32, #tpu.memory_space<vmem>>, vector<1x16xf32>,
      %get3A_655 = vector.shape_cast %get3A_654 : vector<1x16xf32> to vector<16xf32>
      %mul3A_656 = arith.mulf %get3A_635, %get3A_643 : vector<16xf32>
      %mul3A_657 = arith.mulf %mul3A_656, %get3A_138 : vector<16xf32>
      %mul3A_658 = arith.mulf %get3A_639, %get3A_647 : vector<16xf32>
      %mul3A_659 = arith.mulf %mul3A_658, %get3A_141 : vector<16xf32>
      %add3A_660 = arith.addf %mul3A_657, %mul3A_659 : vector<16xf32>
      %mul3A_661 = arith.mulf %get3A_651, %get3A_144 : vector<16xf32>
      %add3A_662 = arith.addf %add3A_660, %mul3A_661 : vector<16xf32>
      %mul3A_663 = arith.mulf %get3A_655, %get3A_147 : vector<16xf32>
      %add3A_664 = arith.addf %add3A_662, %mul3A_663 : vector<16xf32>
      %eq3A_665 = arith.constant 5 : i32
      %eq3A_666 = vector.broadcast %eq3A_665 : i32 to vector<16xi32>
      %eq3A_667 = arith.cmpi eq, %iota3A, %eq3A_666 : vector<16xi32>
      %xor3A_668 = arith.constant 1 : i32
      %xor3A_669 = vector.broadcast %xor3A_668 : i32 to vector<16xi32>
      %xor3A_670 = arith.xori %iota3A, %xor3A_669 : vector<16xi32>
      %lt3A_671 = arith.constant 0 : i32
      %lt3A_672 = vector.broadcast %lt3A_671 : i32 to vector<16xi32>
      %lt3A_673 = arith.cmpi slt, %xor3A_670, %lt3A_672 : vector<16xi32>
      %add3A_674 = arith.constant 16 : i32
      %add3A_675 = vector.broadcast %add3A_674 : i32 to vector<16xi32>
      %add3A_676 = arith.addi %xor3A_670, %add3A_675 : vector<16xi32>
      %select_n3A_677 = arith.select %lt3A_673, %add3A_676, %xor3A_670 : vector<16xi1>, vector<16xi32>
      %broadcast_in_dim3A_678 = vector.shape_cast %select_n3A_677 : vector<16xi32> to vector<16x1xi32>
      %gather3A_679 = vector.shape_cast %broadcast_in_dim3A_678 : vector<16x1xi32> to vector<16xi32>
      %gather3A_680 = tpu.dynamic_gather %add3A_664[%gather3A_679] in [0] : vector<16xf32>, vector<16xi32> -> vector<16xf32>
      %add3A_681 = arith.addf %add3A_664, %gather3A_680 : vector<16xf32>
      %xor3A_682 = arith.constant 2 : i32
      %xor3A_683 = vector.broadcast %xor3A_682 : i32 to vector<16xi32>
      %xor3A_684 = arith.xori %iota3A, %xor3A_683 : vector<16xi32>
      %lt3A_685 = arith.constant 0 : i32
      %lt3A_686 = vector.broadcast %lt3A_685 : i32 to vector<16xi32>
      %lt3A_687 = arith.cmpi slt, %xor3A_684, %lt3A_686 : vector<16xi32>
      %add3A_688 = arith.constant 16 : i32
      %add3A_689 = vector.broadcast %add3A_688 : i32 to vector<16xi32>
      %add3A_690 = arith.addi %xor3A_684, %add3A_689 : vector<16xi32>
      %select_n3A_691 = arith.select %lt3A_687, %add3A_690, %xor3A_684 : vector<16xi1>, vector<16xi32>
      %broadcast_in_dim3A_692 = vector.shape_cast %select_n3A_691 : vector<16xi32> to vector<16x1xi32>
      %gather3A_693 = vector.shape_cast %broadcast_in_dim3A_692 : vector<16x1xi32> to vector<16xi32>
      %gather3A_694 = tpu.dynamic_gather %add3A_681[%gather3A_693] in [0] : vector<16xf32>, vector<16xi32> -> vector<16xf32>
      %add3A_695 = arith.addf %add3A_681, %gather3A_694 : vector<16xf32>
      %xor3A_696 = arith.constant 4 : i32
      %xor3A_697 = vector.broadcast %xor3A_696 : i32 to vector<16xi32>
      %xor3A_698 = arith.xori %iota3A, %xor3A_697 : vector<16xi32>
      %lt3A_699 = arith.constant 0 : i32
      %lt3A_700 = vector.broadcast %lt3A_699 : i32 to vector<16xi32>
      %lt3A_701 = arith.cmpi slt, %xor3A_698, %lt3A_700 : vector<16xi32>
      %add3A_702 = arith.constant 16 : i32
      %add3A_703 = vector.broadcast %add3A_702 : i32 to vector<16xi32>
      %add3A_704 = arith.addi %xor3A_698, %add3A_703 : vector<16xi32>
      %select_n3A_705 = arith.select %lt3A_701, %add3A_704, %xor3A_698 : vector<16xi1>, vector<16xi32>
      %broadcast_in_dim3A_706 = vector.shape_cast %select_n3A_705 : vector<16xi32> to vector<16x1xi32>
      %gather3A_707 = vector.shape_cast %broadcast_in_dim3A_706 : vector<16x1xi32> to vector<16xi32>
      %gather3A_708 = tpu.dynamic_gather %add3A_695[%gather3A_707] in [0] : vector<16xf32>, vector<16xi32> -> vector<16xf32>
      %add3A_709 = arith.addf %add3A_695, %gather3A_708 : vector<16xf32>
      %xor3A_710 = arith.constant 8 : i32
      %xor3A_711 = vector.broadcast %xor3A_710 : i32 to vector<16xi32>
      %xor3A_712 = arith.xori %iota3A, %xor3A_711 : vector<16xi32>
      %lt3A_713 = arith.constant 0 : i32
      %lt3A_714 = vector.broadcast %lt3A_713 : i32 to vector<16xi32>
      %lt3A_715 = arith.cmpi slt, %xor3A_712, %lt3A_714 : vector<16xi32>
      %add3A_716 = arith.constant 16 : i32
      %add3A_717 = vector.broadcast %add3A_716 : i32 to vector<16xi32>
      %add3A_718 = arith.addi %xor3A_712, %add3A_717 : vector<16xi32>
      %select_n3A_719 = arith.select %lt3A_715, %add3A_718, %xor3A_712 : vector<16xi1>, vector<16xi32>
      %broadcast_in_dim3A_720 = vector.shape_cast %select_n3A_719 : vector<16xi32> to vector<16x1xi32>
      %gather3A_721 = vector.shape_cast %broadcast_in_dim3A_720 : vector<16x1xi32> to vector<16xi32>
      %gather3A_722 = tpu.dynamic_gather %add3A_709[%gather3A_721] in [0] : vector<16xf32>, vector<16xi32> -> vector<16xf32>
      %add3A_723 = arith.addf %add3A_709, %gather3A_722 : vector<16xf32>
      %select_n3A_724 = arith.select %eq3A_667, %add3A_723, %select_n3A_629 : vector<16xi1>, vector<16xf32>
      %add3A_725 = arith.constant 6 : i32
      %add3A_726 = arith.addi %mul3A_158, %add3A_725 : i32
      %get3A_727 = arith.index_cast %add3A_726 : i32 to index
      %get3A_728 = arith.constant 0 : index
      %get3A_729 = tpu.vector_load %arg11[%get3A_727, %get3A_728] {strides = array<i32>} : memref<512x32xf32, #tpu.memory_space<vmem>>, vector<1x16xf32>,
      %get3A_730 = vector.shape_cast %get3A_729 : vector<1x16xf32> to vector<16xf32>
      %get3A_731 = arith.index_cast %add3A_726 : i32 to index
      %get3A_732 = arith.constant 16 : index
      %get3A_733 = tpu.vector_load %arg11[%get3A_731, %get3A_732] {strides = array<i32>} : memref<512x32xf32, #tpu.memory_space<vmem>>, vector<1x16xf32>,
      %get3A_734 = vector.shape_cast %get3A_733 : vector<1x16xf32> to vector<16xf32>
      %get3A_735 = arith.index_cast %add3A_726 : i32 to index
      %get3A_736 = arith.constant 0 : index
      %get3A_737 = tpu.vector_load %arg12[%get3A_735, %get3A_736] {strides = array<i32>} : memref<512x32xf32, #tpu.memory_space<vmem>>, vector<1x16xf32>,
      %get3A_738 = vector.shape_cast %get3A_737 : vector<1x16xf32> to vector<16xf32>
      %get3A_739 = arith.index_cast %add3A_726 : i32 to index
      %get3A_740 = arith.constant 16 : index
      %get3A_741 = tpu.vector_load %arg12[%get3A_739, %get3A_740] {strides = array<i32>} : memref<512x32xf32, #tpu.memory_space<vmem>>, vector<1x16xf32>,
      %get3A_742 = vector.shape_cast %get3A_741 : vector<1x16xf32> to vector<16xf32>
      %get3A_743 = arith.index_cast %add3A_726 : i32 to index
      %get3A_744 = arith.constant 0 : index
      %get3A_745 = tpu.vector_load %arg13[%get3A_743, %get3A_744] {strides = array<i32>} : memref<512x32xf32, #tpu.memory_space<vmem>>, vector<1x16xf32>,
      %get3A_746 = vector.shape_cast %get3A_745 : vector<1x16xf32> to vector<16xf32>
      %get3A_747 = arith.index_cast %add3A_726 : i32 to index
      %get3A_748 = arith.constant 16 : index
      %get3A_749 = tpu.vector_load %arg13[%get3A_747, %get3A_748] {strides = array<i32>} : memref<512x32xf32, #tpu.memory_space<vmem>>, vector<1x16xf32>,
      %get3A_750 = vector.shape_cast %get3A_749 : vector<1x16xf32> to vector<16xf32>
      %mul3A_751 = arith.mulf %get3A_730, %get3A_738 : vector<16xf32>
      %mul3A_752 = arith.mulf %mul3A_751, %get3A_138 : vector<16xf32>
      %mul3A_753 = arith.mulf %get3A_734, %get3A_742 : vector<16xf32>
      %mul3A_754 = arith.mulf %mul3A_753, %get3A_141 : vector<16xf32>
      %add3A_755 = arith.addf %mul3A_752, %mul3A_754 : vector<16xf32>
      %mul3A_756 = arith.mulf %get3A_746, %get3A_144 : vector<16xf32>
      %add3A_757 = arith.addf %add3A_755, %mul3A_756 : vector<16xf32>
      %mul3A_758 = arith.mulf %get3A_750, %get3A_147 : vector<16xf32>
      %add3A_759 = arith.addf %add3A_757, %mul3A_758 : vector<16xf32>
      %eq3A_760 = arith.constant 6 : i32
      %eq3A_761 = vector.broadcast %eq3A_760 : i32 to vector<16xi32>
      %eq3A_762 = arith.cmpi eq, %iota3A, %eq3A_761 : vector<16xi32>
      %xor3A_763 = arith.constant 1 : i32
      %xor3A_764 = vector.broadcast %xor3A_763 : i32 to vector<16xi32>
      %xor3A_765 = arith.xori %iota3A, %xor3A_764 : vector<16xi32>
      %lt3A_766 = arith.constant 0 : i32
      %lt3A_767 = vector.broadcast %lt3A_766 : i32 to vector<16xi32>
      %lt3A_768 = arith.cmpi slt, %xor3A_765, %lt3A_767 : vector<16xi32>
      %add3A_769 = arith.constant 16 : i32
      %add3A_770 = vector.broadcast %add3A_769 : i32 to vector<16xi32>
      %add3A_771 = arith.addi %xor3A_765, %add3A_770 : vector<16xi32>
      %select_n3A_772 = arith.select %lt3A_768, %add3A_771, %xor3A_765 : vector<16xi1>, vector<16xi32>
      %broadcast_in_dim3A_773 = vector.shape_cast %select_n3A_772 : vector<16xi32> to vector<16x1xi32>
      %gather3A_774 = vector.shape_cast %broadcast_in_dim3A_773 : vector<16x1xi32> to vector<16xi32>
      %gather3A_775 = tpu.dynamic_gather %add3A_759[%gather3A_774] in [0] : vector<16xf32>, vector<16xi32> -> vector<16xf32>
      %add3A_776 = arith.addf %add3A_759, %gather3A_775 : vector<16xf32>
      %xor3A_777 = arith.constant 2 : i32
      %xor3A_778 = vector.broadcast %xor3A_777 : i32 to vector<16xi32>
      %xor3A_779 = arith.xori %iota3A, %xor3A_778 : vector<16xi32>
      %lt3A_780 = arith.constant 0 : i32
      %lt3A_781 = vector.broadcast %lt3A_780 : i32 to vector<16xi32>
      %lt3A_782 = arith.cmpi slt, %xor3A_779, %lt3A_781 : vector<16xi32>
      %add3A_783 = arith.constant 16 : i32
      %add3A_784 = vector.broadcast %add3A_783 : i32 to vector<16xi32>
      %add3A_785 = arith.addi %xor3A_779, %add3A_784 : vector<16xi32>
      %select_n3A_786 = arith.select %lt3A_782, %add3A_785, %xor3A_779 : vector<16xi1>, vector<16xi32>
      %broadcast_in_dim3A_787 = vector.shape_cast %select_n3A_786 : vector<16xi32> to vector<16x1xi32>
      %gather3A_788 = vector.shape_cast %broadcast_in_dim3A_787 : vector<16x1xi32> to vector<16xi32>
      %gather3A_789 = tpu.dynamic_gather %add3A_776[%gather3A_788] in [0] : vector<16xf32>, vector<16xi32> -> vector<16xf32>
      %add3A_790 = arith.addf %add3A_776, %gather3A_789 : vector<16xf32>
      %xor3A_791 = arith.constant 4 : i32
      %xor3A_792 = vector.broadcast %xor3A_791 : i32 to vector<16xi32>
      %xor3A_793 = arith.xori %iota3A, %xor3A_792 : vector<16xi32>
      %lt3A_794 = arith.constant 0 : i32
      %lt3A_795 = vector.broadcast %lt3A_794 : i32 to vector<16xi32>
      %lt3A_796 = arith.cmpi slt, %xor3A_793, %lt3A_795 : vector<16xi32>
      %add3A_797 = arith.constant 16 : i32
      %add3A_798 = vector.broadcast %add3A_797 : i32 to vector<16xi32>
      %add3A_799 = arith.addi %xor3A_793, %add3A_798 : vector<16xi32>
      %select_n3A_800 = arith.select %lt3A_796, %add3A_799, %xor3A_793 : vector<16xi1>, vector<16xi32>
      %broadcast_in_dim3A_801 = vector.shape_cast %select_n3A_800 : vector<16xi32> to vector<16x1xi32>
      %gather3A_802 = vector.shape_cast %broadcast_in_dim3A_801 : vector<16x1xi32> to vector<16xi32>
      %gather3A_803 = tpu.dynamic_gather %add3A_790[%gather3A_802] in [0] : vector<16xf32>, vector<16xi32> -> vector<16xf32>
      %add3A_804 = arith.addf %add3A_790, %gather3A_803 : vector<16xf32>
      %xor3A_805 = arith.constant 8 : i32
      %xor3A_806 = vector.broadcast %xor3A_805 : i32 to vector<16xi32>
      %xor3A_807 = arith.xori %iota3A, %xor3A_806 : vector<16xi32>
      %lt3A_808 = arith.constant 0 : i32
      %lt3A_809 = vector.broadcast %lt3A_808 : i32 to vector<16xi32>
      %lt3A_810 = arith.cmpi slt, %xor3A_807, %lt3A_809 : vector<16xi32>
      %add3A_811 = arith.constant 16 : i32
      %add3A_812 = vector.broadcast %add3A_811 : i32 to vector<16xi32>
      %add3A_813 = arith.addi %xor3A_807, %add3A_812 : vector<16xi32>
      %select_n3A_814 = arith.select %lt3A_810, %add3A_813, %xor3A_807 : vector<16xi1>, vector<16xi32>
      %broadcast_in_dim3A_815 = vector.shape_cast %select_n3A_814 : vector<16xi32> to vector<16x1xi32>
      %gather3A_816 = vector.shape_cast %broadcast_in_dim3A_815 : vector<16x1xi32> to vector<16xi32>
      %gather3A_817 = tpu.dynamic_gather %add3A_804[%gather3A_816] in [0] : vector<16xf32>, vector<16xi32> -> vector<16xf32>
      %add3A_818 = arith.addf %add3A_804, %gather3A_817 : vector<16xf32>
      %select_n3A_819 = arith.select %eq3A_762, %add3A_818, %select_n3A_724 : vector<16xi1>, vector<16xf32>
      %add3A_820 = arith.constant 7 : i32
      %add3A_821 = arith.addi %mul3A_158, %add3A_820 : i32
      %get3A_822 = arith.index_cast %add3A_821 : i32 to index
      %get3A_823 = arith.constant 0 : index
      %get3A_824 = tpu.vector_load %arg11[%get3A_822, %get3A_823] {strides = array<i32>} : memref<512x32xf32, #tpu.memory_space<vmem>>, vector<1x16xf32>,
      %get3A_825 = vector.shape_cast %get3A_824 : vector<1x16xf32> to vector<16xf32>
      %get3A_826 = arith.index_cast %add3A_821 : i32 to index
      %get3A_827 = arith.constant 16 : index
      %get3A_828 = tpu.vector_load %arg11[%get3A_826, %get3A_827] {strides = array<i32>} : memref<512x32xf32, #tpu.memory_space<vmem>>, vector<1x16xf32>,
      %get3A_829 = vector.shape_cast %get3A_828 : vector<1x16xf32> to vector<16xf32>
      %get3A_830 = arith.index_cast %add3A_821 : i32 to index
      %get3A_831 = arith.constant 0 : index
      %get3A_832 = tpu.vector_load %arg12[%get3A_830, %get3A_831] {strides = array<i32>} : memref<512x32xf32, #tpu.memory_space<vmem>>, vector<1x16xf32>,
      %get3A_833 = vector.shape_cast %get3A_832 : vector<1x16xf32> to vector<16xf32>
      %get3A_834 = arith.index_cast %add3A_821 : i32 to index
      %get3A_835 = arith.constant 16 : index
      %get3A_836 = tpu.vector_load %arg12[%get3A_834, %get3A_835] {strides = array<i32>} : memref<512x32xf32, #tpu.memory_space<vmem>>, vector<1x16xf32>,
      %get3A_837 = vector.shape_cast %get3A_836 : vector<1x16xf32> to vector<16xf32>
      %get3A_838 = arith.index_cast %add3A_821 : i32 to index
      %get3A_839 = arith.constant 0 : index
      %get3A_840 = tpu.vector_load %arg13[%get3A_838, %get3A_839] {strides = array<i32>} : memref<512x32xf32, #tpu.memory_space<vmem>>, vector<1x16xf32>,
      %get3A_841 = vector.shape_cast %get3A_840 : vector<1x16xf32> to vector<16xf32>
      %get3A_842 = arith.index_cast %add3A_821 : i32 to index
      %get3A_843 = arith.constant 16 : index
      %get3A_844 = tpu.vector_load %arg13[%get3A_842, %get3A_843] {strides = array<i32>} : memref<512x32xf32, #tpu.memory_space<vmem>>, vector<1x16xf32>,
      %get3A_845 = vector.shape_cast %get3A_844 : vector<1x16xf32> to vector<16xf32>
      %mul3A_846 = arith.mulf %get3A_825, %get3A_833 : vector<16xf32>
      %mul3A_847 = arith.mulf %mul3A_846, %get3A_138 : vector<16xf32>
      %mul3A_848 = arith.mulf %get3A_829, %get3A_837 : vector<16xf32>
      %mul3A_849 = arith.mulf %mul3A_848, %get3A_141 : vector<16xf32>
      %add3A_850 = arith.addf %mul3A_847, %mul3A_849 : vector<16xf32>
      %mul3A_851 = arith.mulf %get3A_841, %get3A_144 : vector<16xf32>
      %add3A_852 = arith.addf %add3A_850, %mul3A_851 : vector<16xf32>
      %mul3A_853 = arith.mulf %get3A_845, %get3A_147 : vector<16xf32>
      %add3A_854 = arith.addf %add3A_852, %mul3A_853 : vector<16xf32>
      %eq3A_855 = arith.constant 7 : i32
      %eq3A_856 = vector.broadcast %eq3A_855 : i32 to vector<16xi32>
      %eq3A_857 = arith.cmpi eq, %iota3A, %eq3A_856 : vector<16xi32>
      %xor3A_858 = arith.constant 1 : i32
      %xor3A_859 = vector.broadcast %xor3A_858 : i32 to vector<16xi32>
      %xor3A_860 = arith.xori %iota3A, %xor3A_859 : vector<16xi32>
      %lt3A_861 = arith.constant 0 : i32
      %lt3A_862 = vector.broadcast %lt3A_861 : i32 to vector<16xi32>
      %lt3A_863 = arith.cmpi slt, %xor3A_860, %lt3A_862 : vector<16xi32>
      %add3A_864 = arith.constant 16 : i32
      %add3A_865 = vector.broadcast %add3A_864 : i32 to vector<16xi32>
      %add3A_866 = arith.addi %xor3A_860, %add3A_865 : vector<16xi32>
      %select_n3A_867 = arith.select %lt3A_863, %add3A_866, %xor3A_860 : vector<16xi1>, vector<16xi32>
      %broadcast_in_dim3A_868 = vector.shape_cast %select_n3A_867 : vector<16xi32> to vector<16x1xi32>
      %gather3A_869 = vector.shape_cast %broadcast_in_dim3A_868 : vector<16x1xi32> to vector<16xi32>
      %gather3A_870 = tpu.dynamic_gather %add3A_854[%gather3A_869] in [0] : vector<16xf32>, vector<16xi32> -> vector<16xf32>
      %add3A_871 = arith.addf %add3A_854, %gather3A_870 : vector<16xf32>
      %xor3A_872 = arith.constant 2 : i32
      %xor3A_873 = vector.broadcast %xor3A_872 : i32 to vector<16xi32>
      %xor3A_874 = arith.xori %iota3A, %xor3A_873 : vector<16xi32>
      %lt3A_875 = arith.constant 0 : i32
      %lt3A_876 = vector.broadcast %lt3A_875 : i32 to vector<16xi32>
      %lt3A_877 = arith.cmpi slt, %xor3A_874, %lt3A_876 : vector<16xi32>
      %add3A_878 = arith.constant 16 : i32
      %add3A_879 = vector.broadcast %add3A_878 : i32 to vector<16xi32>
      %add3A_880 = arith.addi %xor3A_874, %add3A_879 : vector<16xi32>
      %select_n3A_881 = arith.select %lt3A_877, %add3A_880, %xor3A_874 : vector<16xi1>, vector<16xi32>
      %broadcast_in_dim3A_882 = vector.shape_cast %select_n3A_881 : vector<16xi32> to vector<16x1xi32>
      %gather3A_883 = vector.shape_cast %broadcast_in_dim3A_882 : vector<16x1xi32> to vector<16xi32>
      %gather3A_884 = tpu.dynamic_gather %add3A_871[%gather3A_883] in [0] : vector<16xf32>, vector<16xi32> -> vector<16xf32>
      %add3A_885 = arith.addf %add3A_871, %gather3A_884 : vector<16xf32>
      %xor3A_886 = arith.constant 4 : i32
      %xor3A_887 = vector.broadcast %xor3A_886 : i32 to vector<16xi32>
      %xor3A_888 = arith.xori %iota3A, %xor3A_887 : vector<16xi32>
      %lt3A_889 = arith.constant 0 : i32
      %lt3A_890 = vector.broadcast %lt3A_889 : i32 to vector<16xi32>
      %lt3A_891 = arith.cmpi slt, %xor3A_888, %lt3A_890 : vector<16xi32>
      %add3A_892 = arith.constant 16 : i32
      %add3A_893 = vector.broadcast %add3A_892 : i32 to vector<16xi32>
      %add3A_894 = arith.addi %xor3A_888, %add3A_893 : vector<16xi32>
      %select_n3A_895 = arith.select %lt3A_891, %add3A_894, %xor3A_888 : vector<16xi1>, vector<16xi32>
      %broadcast_in_dim3A_896 = vector.shape_cast %select_n3A_895 : vector<16xi32> to vector<16x1xi32>
      %gather3A_897 = vector.shape_cast %broadcast_in_dim3A_896 : vector<16x1xi32> to vector<16xi32>
      %gather3A_898 = tpu.dynamic_gather %add3A_885[%gather3A_897] in [0] : vector<16xf32>, vector<16xi32> -> vector<16xf32>
      %add3A_899 = arith.addf %add3A_885, %gather3A_898 : vector<16xf32>
      %xor3A_900 = arith.constant 8 : i32
      %xor3A_901 = vector.broadcast %xor3A_900 : i32 to vector<16xi32>
      %xor3A_902 = arith.xori %iota3A, %xor3A_901 : vector<16xi32>
      %lt3A_903 = arith.constant 0 : i32
      %lt3A_904 = vector.broadcast %lt3A_903 : i32 to vector<16xi32>
      %lt3A_905 = arith.cmpi slt, %xor3A_902, %lt3A_904 : vector<16xi32>
      %add3A_906 = arith.constant 16 : i32
      %add3A_907 = vector.broadcast %add3A_906 : i32 to vector<16xi32>
      %add3A_908 = arith.addi %xor3A_902, %add3A_907 : vector<16xi32>
      %select_n3A_909 = arith.select %lt3A_905, %add3A_908, %xor3A_902 : vector<16xi1>, vector<16xi32>
      %broadcast_in_dim3A_910 = vector.shape_cast %select_n3A_909 : vector<16xi32> to vector<16x1xi32>
      %gather3A_911 = vector.shape_cast %broadcast_in_dim3A_910 : vector<16x1xi32> to vector<16xi32>
      %gather3A_912 = tpu.dynamic_gather %add3A_899[%gather3A_911] in [0] : vector<16xf32>, vector<16xi32> -> vector<16xf32>
      %add3A_913 = arith.addf %add3A_899, %gather3A_912 : vector<16xf32>
      %select_n3A_914 = arith.select %eq3A_857, %add3A_913, %select_n3A_819 : vector<16xi1>, vector<16xf32>
      %add3A_915 = arith.constant 8 : i32
      %add3A_916 = arith.addi %mul3A_158, %add3A_915 : i32
      %get3A_917 = arith.index_cast %add3A_916 : i32 to index
      %get3A_918 = arith.constant 0 : index
      %get3A_919 = tpu.vector_load %arg11[%get3A_917, %get3A_918] {strides = array<i32>} : memref<512x32xf32, #tpu.memory_space<vmem>>, vector<1x16xf32>,
      %get3A_920 = vector.shape_cast %get3A_919 : vector<1x16xf32> to vector<16xf32>
      %get3A_921 = arith.index_cast %add3A_916 : i32 to index
      %get3A_922 = arith.constant 16 : index
      %get3A_923 = tpu.vector_load %arg11[%get3A_921, %get3A_922] {strides = array<i32>} : memref<512x32xf32, #tpu.memory_space<vmem>>, vector<1x16xf32>,
      %get3A_924 = vector.shape_cast %get3A_923 : vector<1x16xf32> to vector<16xf32>
      %get3A_925 = arith.index_cast %add3A_916 : i32 to index
      %get3A_926 = arith.constant 0 : index
      %get3A_927 = tpu.vector_load %arg12[%get3A_925, %get3A_926] {strides = array<i32>} : memref<512x32xf32, #tpu.memory_space<vmem>>, vector<1x16xf32>,
      %get3A_928 = vector.shape_cast %get3A_927 : vector<1x16xf32> to vector<16xf32>
      %get3A_929 = arith.index_cast %add3A_916 : i32 to index
      %get3A_930 = arith.constant 16 : index
      %get3A_931 = tpu.vector_load %arg12[%get3A_929, %get3A_930] {strides = array<i32>} : memref<512x32xf32, #tpu.memory_space<vmem>>, vector<1x16xf32>,
      %get3A_932 = vector.shape_cast %get3A_931 : vector<1x16xf32> to vector<16xf32>
      %get3A_933 = arith.index_cast %add3A_916 : i32 to index
      %get3A_934 = arith.constant 0 : index
      %get3A_935 = tpu.vector_load %arg13[%get3A_933, %get3A_934] {strides = array<i32>} : memref<512x32xf32, #tpu.memory_space<vmem>>, vector<1x16xf32>,
      %get3A_936 = vector.shape_cast %get3A_935 : vector<1x16xf32> to vector<16xf32>
      %get3A_937 = arith.index_cast %add3A_916 : i32 to index
      %get3A_938 = arith.constant 16 : index
      %get3A_939 = tpu.vector_load %arg13[%get3A_937, %get3A_938] {strides = array<i32>} : memref<512x32xf32, #tpu.memory_space<vmem>>, vector<1x16xf32>,
      %get3A_940 = vector.shape_cast %get3A_939 : vector<1x16xf32> to vector<16xf32>
      %mul3A_941 = arith.mulf %get3A_920, %get3A_928 : vector<16xf32>
      %mul3A_942 = arith.mulf %mul3A_941, %get3A_138 : vector<16xf32>
      %mul3A_943 = arith.mulf %get3A_924, %get3A_932 : vector<16xf32>
      %mul3A_944 = arith.mulf %mul3A_943, %get3A_141 : vector<16xf32>
      %add3A_945 = arith.addf %mul3A_942, %mul3A_944 : vector<16xf32>
      %mul3A_946 = arith.mulf %get3A_936, %get3A_144 : vector<16xf32>
      %add3A_947 = arith.addf %add3A_945, %mul3A_946 : vector<16xf32>
      %mul3A_948 = arith.mulf %get3A_940, %get3A_147 : vector<16xf32>
      %add3A_949 = arith.addf %add3A_947, %mul3A_948 : vector<16xf32>
      %eq3A_950 = arith.constant 8 : i32
      %eq3A_951 = vector.broadcast %eq3A_950 : i32 to vector<16xi32>
      %eq3A_952 = arith.cmpi eq, %iota3A, %eq3A_951 : vector<16xi32>
      %xor3A_953 = arith.constant 1 : i32
      %xor3A_954 = vector.broadcast %xor3A_953 : i32 to vector<16xi32>
      %xor3A_955 = arith.xori %iota3A, %xor3A_954 : vector<16xi32>
      %lt3A_956 = arith.constant 0 : i32
      %lt3A_957 = vector.broadcast %lt3A_956 : i32 to vector<16xi32>
      %lt3A_958 = arith.cmpi slt, %xor3A_955, %lt3A_957 : vector<16xi32>
      %add3A_959 = arith.constant 16 : i32
      %add3A_960 = vector.broadcast %add3A_959 : i32 to vector<16xi32>
      %add3A_961 = arith.addi %xor3A_955, %add3A_960 : vector<16xi32>
      %select_n3A_962 = arith.select %lt3A_958, %add3A_961, %xor3A_955 : vector<16xi1>, vector<16xi32>
      %broadcast_in_dim3A_963 = vector.shape_cast %select_n3A_962 : vector<16xi32> to vector<16x1xi32>
      %gather3A_964 = vector.shape_cast %broadcast_in_dim3A_963 : vector<16x1xi32> to vector<16xi32>
      %gather3A_965 = tpu.dynamic_gather %add3A_949[%gather3A_964] in [0] : vector<16xf32>, vector<16xi32> -> vector<16xf32>
      %add3A_966 = arith.addf %add3A_949, %gather3A_965 : vector<16xf32>
      %xor3A_967 = arith.constant 2 : i32
      %xor3A_968 = vector.broadcast %xor3A_967 : i32 to vector<16xi32>
      %xor3A_969 = arith.xori %iota3A, %xor3A_968 : vector<16xi32>
      %lt3A_970 = arith.constant 0 : i32
      %lt3A_971 = vector.broadcast %lt3A_970 : i32 to vector<16xi32>
      %lt3A_972 = arith.cmpi slt, %xor3A_969, %lt3A_971 : vector<16xi32>
      %add3A_973 = arith.constant 16 : i32
      %add3A_974 = vector.broadcast %add3A_973 : i32 to vector<16xi32>
      %add3A_975 = arith.addi %xor3A_969, %add3A_974 : vector<16xi32>
      %select_n3A_976 = arith.select %lt3A_972, %add3A_975, %xor3A_969 : vector<16xi1>, vector<16xi32>
      %broadcast_in_dim3A_977 = vector.shape_cast %select_n3A_976 : vector<16xi32> to vector<16x1xi32>
      %gather3A_978 = vector.shape_cast %broadcast_in_dim3A_977 : vector<16x1xi32> to vector<16xi32>
      %gather3A_979 = tpu.dynamic_gather %add3A_966[%gather3A_978] in [0] : vector<16xf32>, vector<16xi32> -> vector<16xf32>
      %add3A_980 = arith.addf %add3A_966, %gather3A_979 : vector<16xf32>
      %xor3A_981 = arith.constant 4 : i32
      %xor3A_982 = vector.broadcast %xor3A_981 : i32 to vector<16xi32>
      %xor3A_983 = arith.xori %iota3A, %xor3A_982 : vector<16xi32>
      %lt3A_984 = arith.constant 0 : i32
      %lt3A_985 = vector.broadcast %lt3A_984 : i32 to vector<16xi32>
      %lt3A_986 = arith.cmpi slt, %xor3A_983, %lt3A_985 : vector<16xi32>
      %add3A_987 = arith.constant 16 : i32
      %add3A_988 = vector.broadcast %add3A_987 : i32 to vector<16xi32>
      %add3A_989 = arith.addi %xor3A_983, %add3A_988 : vector<16xi32>
      %select_n3A_990 = arith.select %lt3A_986, %add3A_989, %xor3A_983 : vector<16xi1>, vector<16xi32>
      %broadcast_in_dim3A_991 = vector.shape_cast %select_n3A_990 : vector<16xi32> to vector<16x1xi32>
      %gather3A_992 = vector.shape_cast %broadcast_in_dim3A_991 : vector<16x1xi32> to vector<16xi32>
      %gather3A_993 = tpu.dynamic_gather %add3A_980[%gather3A_992] in [0] : vector<16xf32>, vector<16xi32> -> vector<16xf32>
      %add3A_994 = arith.addf %add3A_980, %gather3A_993 : vector<16xf32>
      %xor3A_995 = arith.constant 8 : i32
      %xor3A_996 = vector.broadcast %xor3A_995 : i32 to vector<16xi32>
      %xor3A_997 = arith.xori %iota3A, %xor3A_996 : vector<16xi32>
      %lt3A_998 = arith.constant 0 : i32
      %lt3A_999 = vector.broadcast %lt3A_998 : i32 to vector<16xi32>
      %lt3A_1000 = arith.cmpi slt, %xor3A_997, %lt3A_999 : vector<16xi32>
      %add3A_1001 = arith.constant 16 : i32
      %add3A_1002 = vector.broadcast %add3A_1001 : i32 to vector<16xi32>
      %add3A_1003 = arith.addi %xor3A_997, %add3A_1002 : vector<16xi32>
      %select_n3A_1004 = arith.select %lt3A_1000, %add3A_1003, %xor3A_997 : vector<16xi1>, vector<16xi32>
      %broadcast_in_dim3A_1005 = vector.shape_cast %select_n3A_1004 : vector<16xi32> to vector<16x1xi32>
      %gather3A_1006 = vector.shape_cast %broadcast_in_dim3A_1005 : vector<16x1xi32> to vector<16xi32>
      %gather3A_1007 = tpu.dynamic_gather %add3A_994[%gather3A_1006] in [0] : vector<16xf32>, vector<16xi32> -> vector<16xf32>
      %add3A_1008 = arith.addf %add3A_994, %gather3A_1007 : vector<16xf32>
      %select_n3A_1009 = arith.select %eq3A_952, %add3A_1008, %select_n3A_914 : vector<16xi1>, vector<16xf32>
      %add3A_1010 = arith.constant 9 : i32
      %add3A_1011 = arith.addi %mul3A_158, %add3A_1010 : i32
      %get3A_1012 = arith.index_cast %add3A_1011 : i32 to index
      %get3A_1013 = arith.constant 0 : index
      %get3A_1014 = tpu.vector_load %arg11[%get3A_1012, %get3A_1013] {strides = array<i32>} : memref<512x32xf32, #tpu.memory_space<vmem>>, vector<1x16xf32>,
      %get3A_1015 = vector.shape_cast %get3A_1014 : vector<1x16xf32> to vector<16xf32>
      %get3A_1016 = arith.index_cast %add3A_1011 : i32 to index
      %get3A_1017 = arith.constant 16 : index
      %get3A_1018 = tpu.vector_load %arg11[%get3A_1016, %get3A_1017] {strides = array<i32>} : memref<512x32xf32, #tpu.memory_space<vmem>>, vector<1x16xf32>,
      %get3A_1019 = vector.shape_cast %get3A_1018 : vector<1x16xf32> to vector<16xf32>
      %get3A_1020 = arith.index_cast %add3A_1011 : i32 to index
      %get3A_1021 = arith.constant 0 : index
      %get3A_1022 = tpu.vector_load %arg12[%get3A_1020, %get3A_1021] {strides = array<i32>} : memref<512x32xf32, #tpu.memory_space<vmem>>, vector<1x16xf32>,
      %get3A_1023 = vector.shape_cast %get3A_1022 : vector<1x16xf32> to vector<16xf32>
      %get3A_1024 = arith.index_cast %add3A_1011 : i32 to index
      %get3A_1025 = arith.constant 16 : index
      %get3A_1026 = tpu.vector_load %arg12[%get3A_1024, %get3A_1025] {strides = array<i32>} : memref<512x32xf32, #tpu.memory_space<vmem>>, vector<1x16xf32>,
      %get3A_1027 = vector.shape_cast %get3A_1026 : vector<1x16xf32> to vector<16xf32>
      %get3A_1028 = arith.index_cast %add3A_1011 : i32 to index
      %get3A_1029 = arith.constant 0 : index
      %get3A_1030 = tpu.vector_load %arg13[%get3A_1028, %get3A_1029] {strides = array<i32>} : memref<512x32xf32, #tpu.memory_space<vmem>>, vector<1x16xf32>,
      %get3A_1031 = vector.shape_cast %get3A_1030 : vector<1x16xf32> to vector<16xf32>
      %get3A_1032 = arith.index_cast %add3A_1011 : i32 to index
      %get3A_1033 = arith.constant 16 : index
      %get3A_1034 = tpu.vector_load %arg13[%get3A_1032, %get3A_1033] {strides = array<i32>} : memref<512x32xf32, #tpu.memory_space<vmem>>, vector<1x16xf32>,
      %get3A_1035 = vector.shape_cast %get3A_1034 : vector<1x16xf32> to vector<16xf32>
      %mul3A_1036 = arith.mulf %get3A_1015, %get3A_1023 : vector<16xf32>
      %mul3A_1037 = arith.mulf %mul3A_1036, %get3A_138 : vector<16xf32>
      %mul3A_1038 = arith.mulf %get3A_1019, %get3A_1027 : vector<16xf32>
      %mul3A_1039 = arith.mulf %mul3A_1038, %get3A_141 : vector<16xf32>
      %add3A_1040 = arith.addf %mul3A_1037, %mul3A_1039 : vector<16xf32>
      %mul3A_1041 = arith.mulf %get3A_1031, %get3A_144 : vector<16xf32>
      %add3A_1042 = arith.addf %add3A_1040, %mul3A_1041 : vector<16xf32>
      %mul3A_1043 = arith.mulf %get3A_1035, %get3A_147 : vector<16xf32>
      %add3A_1044 = arith.addf %add3A_1042, %mul3A_1043 : vector<16xf32>
      %eq3A_1045 = arith.constant 9 : i32
      %eq3A_1046 = vector.broadcast %eq3A_1045 : i32 to vector<16xi32>
      %eq3A_1047 = arith.cmpi eq, %iota3A, %eq3A_1046 : vector<16xi32>
      %xor3A_1048 = arith.constant 1 : i32
      %xor3A_1049 = vector.broadcast %xor3A_1048 : i32 to vector<16xi32>
      %xor3A_1050 = arith.xori %iota3A, %xor3A_1049 : vector<16xi32>
      %lt3A_1051 = arith.constant 0 : i32
      %lt3A_1052 = vector.broadcast %lt3A_1051 : i32 to vector<16xi32>
      %lt3A_1053 = arith.cmpi slt, %xor3A_1050, %lt3A_1052 : vector<16xi32>
      %add3A_1054 = arith.constant 16 : i32
      %add3A_1055 = vector.broadcast %add3A_1054 : i32 to vector<16xi32>
      %add3A_1056 = arith.addi %xor3A_1050, %add3A_1055 : vector<16xi32>
      %select_n3A_1057 = arith.select %lt3A_1053, %add3A_1056, %xor3A_1050 : vector<16xi1>, vector<16xi32>
      %broadcast_in_dim3A_1058 = vector.shape_cast %select_n3A_1057 : vector<16xi32> to vector<16x1xi32>
      %gather3A_1059 = vector.shape_cast %broadcast_in_dim3A_1058 : vector<16x1xi32> to vector<16xi32>
      %gather3A_1060 = tpu.dynamic_gather %add3A_1044[%gather3A_1059] in [0] : vector<16xf32>, vector<16xi32> -> vector<16xf32>
      %add3A_1061 = arith.addf %add3A_1044, %gather3A_1060 : vector<16xf32>
      %xor3A_1062 = arith.constant 2 : i32
      %xor3A_1063 = vector.broadcast %xor3A_1062 : i32 to vector<16xi32>
      %xor3A_1064 = arith.xori %iota3A, %xor3A_1063 : vector<16xi32>
      %lt3A_1065 = arith.constant 0 : i32
      %lt3A_1066 = vector.broadcast %lt3A_1065 : i32 to vector<16xi32>
      %lt3A_1067 = arith.cmpi slt, %xor3A_1064, %lt3A_1066 : vector<16xi32>
      %add3A_1068 = arith.constant 16 : i32
      %add3A_1069 = vector.broadcast %add3A_1068 : i32 to vector<16xi32>
      %add3A_1070 = arith.addi %xor3A_1064, %add3A_1069 : vector<16xi32>
      %select_n3A_1071 = arith.select %lt3A_1067, %add3A_1070, %xor3A_1064 : vector<16xi1>, vector<16xi32>
      %broadcast_in_dim3A_1072 = vector.shape_cast %select_n3A_1071 : vector<16xi32> to vector<16x1xi32>
      %gather3A_1073 = vector.shape_cast %broadcast_in_dim3A_1072 : vector<16x1xi32> to vector<16xi32>
      %gather3A_1074 = tpu.dynamic_gather %add3A_1061[%gather3A_1073] in [0] : vector<16xf32>, vector<16xi32> -> vector<16xf32>
      %add3A_1075 = arith.addf %add3A_1061, %gather3A_1074 : vector<16xf32>
      %xor3A_1076 = arith.constant 4 : i32
      %xor3A_1077 = vector.broadcast %xor3A_1076 : i32 to vector<16xi32>
      %xor3A_1078 = arith.xori %iota3A, %xor3A_1077 : vector<16xi32>
      %lt3A_1079 = arith.constant 0 : i32
      %lt3A_1080 = vector.broadcast %lt3A_1079 : i32 to vector<16xi32>
      %lt3A_1081 = arith.cmpi slt, %xor3A_1078, %lt3A_1080 : vector<16xi32>
      %add3A_1082 = arith.constant 16 : i32
      %add3A_1083 = vector.broadcast %add3A_1082 : i32 to vector<16xi32>
      %add3A_1084 = arith.addi %xor3A_1078, %add3A_1083 : vector<16xi32>
      %select_n3A_1085 = arith.select %lt3A_1081, %add3A_1084, %xor3A_1078 : vector<16xi1>, vector<16xi32>
      %broadcast_in_dim3A_1086 = vector.shape_cast %select_n3A_1085 : vector<16xi32> to vector<16x1xi32>
      %gather3A_1087 = vector.shape_cast %broadcast_in_dim3A_1086 : vector<16x1xi32> to vector<16xi32>
      %gather3A_1088 = tpu.dynamic_gather %add3A_1075[%gather3A_1087] in [0] : vector<16xf32>, vector<16xi32> -> vector<16xf32>
      %add3A_1089 = arith.addf %add3A_1075, %gather3A_1088 : vector<16xf32>
      %xor3A_1090 = arith.constant 8 : i32
      %xor3A_1091 = vector.broadcast %xor3A_1090 : i32 to vector<16xi32>
      %xor3A_1092 = arith.xori %iota3A, %xor3A_1091 : vector<16xi32>
      %lt3A_1093 = arith.constant 0 : i32
      %lt3A_1094 = vector.broadcast %lt3A_1093 : i32 to vector<16xi32>
      %lt3A_1095 = arith.cmpi slt, %xor3A_1092, %lt3A_1094 : vector<16xi32>
      %add3A_1096 = arith.constant 16 : i32
      %add3A_1097 = vector.broadcast %add3A_1096 : i32 to vector<16xi32>
      %add3A_1098 = arith.addi %xor3A_1092, %add3A_1097 : vector<16xi32>
      %select_n3A_1099 = arith.select %lt3A_1095, %add3A_1098, %xor3A_1092 : vector<16xi1>, vector<16xi32>
      %broadcast_in_dim3A_1100 = vector.shape_cast %select_n3A_1099 : vector<16xi32> to vector<16x1xi32>
      %gather3A_1101 = vector.shape_cast %broadcast_in_dim3A_1100 : vector<16x1xi32> to vector<16xi32>
      %gather3A_1102 = tpu.dynamic_gather %add3A_1089[%gather3A_1101] in [0] : vector<16xf32>, vector<16xi32> -> vector<16xf32>
      %add3A_1103 = arith.addf %add3A_1089, %gather3A_1102 : vector<16xf32>
      %select_n3A_1104 = arith.select %eq3A_1047, %add3A_1103, %select_n3A_1009 : vector<16xi1>, vector<16xf32>
      %add3A_1105 = arith.constant 10 : i32
      %add3A_1106 = arith.addi %mul3A_158, %add3A_1105 : i32
      %get3A_1107 = arith.index_cast %add3A_1106 : i32 to index
      %get3A_1108 = arith.constant 0 : index
      %get3A_1109 = tpu.vector_load %arg11[%get3A_1107, %get3A_1108] {strides = array<i32>} : memref<512x32xf32, #tpu.memory_space<vmem>>, vector<1x16xf32>,
      %get3A_1110 = vector.shape_cast %get3A_1109 : vector<1x16xf32> to vector<16xf32>
      %get3A_1111 = arith.index_cast %add3A_1106 : i32 to index
      %get3A_1112 = arith.constant 16 : index
      %get3A_1113 = tpu.vector_load %arg11[%get3A_1111, %get3A_1112] {strides = array<i32>} : memref<512x32xf32, #tpu.memory_space<vmem>>, vector<1x16xf32>,
      %get3A_1114 = vector.shape_cast %get3A_1113 : vector<1x16xf32> to vector<16xf32>
      %get3A_1115 = arith.index_cast %add3A_1106 : i32 to index
      %get3A_1116 = arith.constant 0 : index
      %get3A_1117 = tpu.vector_load %arg12[%get3A_1115, %get3A_1116] {strides = array<i32>} : memref<512x32xf32, #tpu.memory_space<vmem>>, vector<1x16xf32>,
      %get3A_1118 = vector.shape_cast %get3A_1117 : vector<1x16xf32> to vector<16xf32>
      %get3A_1119 = arith.index_cast %add3A_1106 : i32 to index
      %get3A_1120 = arith.constant 16 : index
      %get3A_1121 = tpu.vector_load %arg12[%get3A_1119, %get3A_1120] {strides = array<i32>} : memref<512x32xf32, #tpu.memory_space<vmem>>, vector<1x16xf32>,
      %get3A_1122 = vector.shape_cast %get3A_1121 : vector<1x16xf32> to vector<16xf32>
      %get3A_1123 = arith.index_cast %add3A_1106 : i32 to index
      %get3A_1124 = arith.constant 0 : index
      %get3A_1125 = tpu.vector_load %arg13[%get3A_1123, %get3A_1124] {strides = array<i32>} : memref<512x32xf32, #tpu.memory_space<vmem>>, vector<1x16xf32>,
      %get3A_1126 = vector.shape_cast %get3A_1125 : vector<1x16xf32> to vector<16xf32>
      %get3A_1127 = arith.index_cast %add3A_1106 : i32 to index
      %get3A_1128 = arith.constant 16 : index
      %get3A_1129 = tpu.vector_load %arg13[%get3A_1127, %get3A_1128] {strides = array<i32>} : memref<512x32xf32, #tpu.memory_space<vmem>>, vector<1x16xf32>,
      %get3A_1130 = vector.shape_cast %get3A_1129 : vector<1x16xf32> to vector<16xf32>
      %mul3A_1131 = arith.mulf %get3A_1110, %get3A_1118 : vector<16xf32>
      %mul3A_1132 = arith.mulf %mul3A_1131, %get3A_138 : vector<16xf32>
      %mul3A_1133 = arith.mulf %get3A_1114, %get3A_1122 : vector<16xf32>
      %mul3A_1134 = arith.mulf %mul3A_1133, %get3A_141 : vector<16xf32>
      %add3A_1135 = arith.addf %mul3A_1132, %mul3A_1134 : vector<16xf32>
      %mul3A_1136 = arith.mulf %get3A_1126, %get3A_144 : vector<16xf32>
      %add3A_1137 = arith.addf %add3A_1135, %mul3A_1136 : vector<16xf32>
      %mul3A_1138 = arith.mulf %get3A_1130, %get3A_147 : vector<16xf32>
      %add3A_1139 = arith.addf %add3A_1137, %mul3A_1138 : vector<16xf32>
      %eq3A_1140 = arith.constant 10 : i32
      %eq3A_1141 = vector.broadcast %eq3A_1140 : i32 to vector<16xi32>
      %eq3A_1142 = arith.cmpi eq, %iota3A, %eq3A_1141 : vector<16xi32>
      %xor3A_1143 = arith.constant 1 : i32
      %xor3A_1144 = vector.broadcast %xor3A_1143 : i32 to vector<16xi32>
      %xor3A_1145 = arith.xori %iota3A, %xor3A_1144 : vector<16xi32>
      %lt3A_1146 = arith.constant 0 : i32
      %lt3A_1147 = vector.broadcast %lt3A_1146 : i32 to vector<16xi32>
      %lt3A_1148 = arith.cmpi slt, %xor3A_1145, %lt3A_1147 : vector<16xi32>
      %add3A_1149 = arith.constant 16 : i32
      %add3A_1150 = vector.broadcast %add3A_1149 : i32 to vector<16xi32>
      %add3A_1151 = arith.addi %xor3A_1145, %add3A_1150 : vector<16xi32>
      %select_n3A_1152 = arith.select %lt3A_1148, %add3A_1151, %xor3A_1145 : vector<16xi1>, vector<16xi32>
      %broadcast_in_dim3A_1153 = vector.shape_cast %select_n3A_1152 : vector<16xi32> to vector<16x1xi32>
      %gather3A_1154 = vector.shape_cast %broadcast_in_dim3A_1153 : vector<16x1xi32> to vector<16xi32>
      %gather3A_1155 = tpu.dynamic_gather %add3A_1139[%gather3A_1154] in [0] : vector<16xf32>, vector<16xi32> -> vector<16xf32>
      %add3A_1156 = arith.addf %add3A_1139, %gather3A_1155 : vector<16xf32>
      %xor3A_1157 = arith.constant 2 : i32
      %xor3A_1158 = vector.broadcast %xor3A_1157 : i32 to vector<16xi32>
      %xor3A_1159 = arith.xori %iota3A, %xor3A_1158 : vector<16xi32>
      %lt3A_1160 = arith.constant 0 : i32
      %lt3A_1161 = vector.broadcast %lt3A_1160 : i32 to vector<16xi32>
      %lt3A_1162 = arith.cmpi slt, %xor3A_1159, %lt3A_1161 : vector<16xi32>
      %add3A_1163 = arith.constant 16 : i32
      %add3A_1164 = vector.broadcast %add3A_1163 : i32 to vector<16xi32>
      %add3A_1165 = arith.addi %xor3A_1159, %add3A_1164 : vector<16xi32>
      %select_n3A_1166 = arith.select %lt3A_1162, %add3A_1165, %xor3A_1159 : vector<16xi1>, vector<16xi32>
      %broadcast_in_dim3A_1167 = vector.shape_cast %select_n3A_1166 : vector<16xi32> to vector<16x1xi32>
      %gather3A_1168 = vector.shape_cast %broadcast_in_dim3A_1167 : vector<16x1xi32> to vector<16xi32>
      %gather3A_1169 = tpu.dynamic_gather %add3A_1156[%gather3A_1168] in [0] : vector<16xf32>, vector<16xi32> -> vector<16xf32>
      %add3A_1170 = arith.addf %add3A_1156, %gather3A_1169 : vector<16xf32>
      %xor3A_1171 = arith.constant 4 : i32
      %xor3A_1172 = vector.broadcast %xor3A_1171 : i32 to vector<16xi32>
      %xor3A_1173 = arith.xori %iota3A, %xor3A_1172 : vector<16xi32>
      %lt3A_1174 = arith.constant 0 : i32
      %lt3A_1175 = vector.broadcast %lt3A_1174 : i32 to vector<16xi32>
      %lt3A_1176 = arith.cmpi slt, %xor3A_1173, %lt3A_1175 : vector<16xi32>
      %add3A_1177 = arith.constant 16 : i32
      %add3A_1178 = vector.broadcast %add3A_1177 : i32 to vector<16xi32>
      %add3A_1179 = arith.addi %xor3A_1173, %add3A_1178 : vector<16xi32>
      %select_n3A_1180 = arith.select %lt3A_1176, %add3A_1179, %xor3A_1173 : vector<16xi1>, vector<16xi32>
      %broadcast_in_dim3A_1181 = vector.shape_cast %select_n3A_1180 : vector<16xi32> to vector<16x1xi32>
      %gather3A_1182 = vector.shape_cast %broadcast_in_dim3A_1181 : vector<16x1xi32> to vector<16xi32>
      %gather3A_1183 = tpu.dynamic_gather %add3A_1170[%gather3A_1182] in [0] : vector<16xf32>, vector<16xi32> -> vector<16xf32>
      %add3A_1184 = arith.addf %add3A_1170, %gather3A_1183 : vector<16xf32>
      %xor3A_1185 = arith.constant 8 : i32
      %xor3A_1186 = vector.broadcast %xor3A_1185 : i32 to vector<16xi32>
      %xor3A_1187 = arith.xori %iota3A, %xor3A_1186 : vector<16xi32>
      %lt3A_1188 = arith.constant 0 : i32
      %lt3A_1189 = vector.broadcast %lt3A_1188 : i32 to vector<16xi32>
      %lt3A_1190 = arith.cmpi slt, %xor3A_1187, %lt3A_1189 : vector<16xi32>
      %add3A_1191 = arith.constant 16 : i32
      %add3A_1192 = vector.broadcast %add3A_1191 : i32 to vector<16xi32>
      %add3A_1193 = arith.addi %xor3A_1187, %add3A_1192 : vector<16xi32>
      %select_n3A_1194 = arith.select %lt3A_1190, %add3A_1193, %xor3A_1187 : vector<16xi1>, vector<16xi32>
      %broadcast_in_dim3A_1195 = vector.shape_cast %select_n3A_1194 : vector<16xi32> to vector<16x1xi32>
      %gather3A_1196 = vector.shape_cast %broadcast_in_dim3A_1195 : vector<16x1xi32> to vector<16xi32>
      %gather3A_1197 = tpu.dynamic_gather %add3A_1184[%gather3A_1196] in [0] : vector<16xf32>, vector<16xi32> -> vector<16xf32>
      %add3A_1198 = arith.addf %add3A_1184, %gather3A_1197 : vector<16xf32>
      %select_n3A_1199 = arith.select %eq3A_1142, %add3A_1198, %select_n3A_1104 : vector<16xi1>, vector<16xf32>
      %add3A_1200 = arith.constant 11 : i32
      %add3A_1201 = arith.addi %mul3A_158, %add3A_1200 : i32
      %get3A_1202 = arith.index_cast %add3A_1201 : i32 to index
      %get3A_1203 = arith.constant 0 : index
      %get3A_1204 = tpu.vector_load %arg11[%get3A_1202, %get3A_1203] {strides = array<i32>} : memref<512x32xf32, #tpu.memory_space<vmem>>, vector<1x16xf32>,
      %get3A_1205 = vector.shape_cast %get3A_1204 : vector<1x16xf32> to vector<16xf32>
      %get3A_1206 = arith.index_cast %add3A_1201 : i32 to index
      %get3A_1207 = arith.constant 16 : index
      %get3A_1208 = tpu.vector_load %arg11[%get3A_1206, %get3A_1207] {strides = array<i32>} : memref<512x32xf32, #tpu.memory_space<vmem>>, vector<1x16xf32>,
      %get3A_1209 = vector.shape_cast %get3A_1208 : vector<1x16xf32> to vector<16xf32>
      %get3A_1210 = arith.index_cast %add3A_1201 : i32 to index
      %get3A_1211 = arith.constant 0 : index
      %get3A_1212 = tpu.vector_load %arg12[%get3A_1210, %get3A_1211] {strides = array<i32>} : memref<512x32xf32, #tpu.memory_space<vmem>>, vector<1x16xf32>,
      %get3A_1213 = vector.shape_cast %get3A_1212 : vector<1x16xf32> to vector<16xf32>
      %get3A_1214 = arith.index_cast %add3A_1201 : i32 to index
      %get3A_1215 = arith.constant 16 : index
      %get3A_1216 = tpu.vector_load %arg12[%get3A_1214, %get3A_1215] {strides = array<i32>} : memref<512x32xf32, #tpu.memory_space<vmem>>, vector<1x16xf32>,
      %get3A_1217 = vector.shape_cast %get3A_1216 : vector<1x16xf32> to vector<16xf32>
      %get3A_1218 = arith.index_cast %add3A_1201 : i32 to index
      %get3A_1219 = arith.constant 0 : index
      %get3A_1220 = tpu.vector_load %arg13[%get3A_1218, %get3A_1219] {strides = array<i32>} : memref<512x32xf32, #tpu.memory_space<vmem>>, vector<1x16xf32>,
      %get3A_1221 = vector.shape_cast %get3A_1220 : vector<1x16xf32> to vector<16xf32>
      %get3A_1222 = arith.index_cast %add3A_1201 : i32 to index
      %get3A_1223 = arith.constant 16 : index
      %get3A_1224 = tpu.vector_load %arg13[%get3A_1222, %get3A_1223] {strides = array<i32>} : memref<512x32xf32, #tpu.memory_space<vmem>>, vector<1x16xf32>,
      %get3A_1225 = vector.shape_cast %get3A_1224 : vector<1x16xf32> to vector<16xf32>
      %mul3A_1226 = arith.mulf %get3A_1205, %get3A_1213 : vector<16xf32>
      %mul3A_1227 = arith.mulf %mul3A_1226, %get3A_138 : vector<16xf32>
      %mul3A_1228 = arith.mulf %get3A_1209, %get3A_1217 : vector<16xf32>
      %mul3A_1229 = arith.mulf %mul3A_1228, %get3A_141 : vector<16xf32>
      %add3A_1230 = arith.addf %mul3A_1227, %mul3A_1229 : vector<16xf32>
      %mul3A_1231 = arith.mulf %get3A_1221, %get3A_144 : vector<16xf32>
      %add3A_1232 = arith.addf %add3A_1230, %mul3A_1231 : vector<16xf32>
      %mul3A_1233 = arith.mulf %get3A_1225, %get3A_147 : vector<16xf32>
      %add3A_1234 = arith.addf %add3A_1232, %mul3A_1233 : vector<16xf32>
      %eq3A_1235 = arith.constant 11 : i32
      %eq3A_1236 = vector.broadcast %eq3A_1235 : i32 to vector<16xi32>
      %eq3A_1237 = arith.cmpi eq, %iota3A, %eq3A_1236 : vector<16xi32>
      %xor3A_1238 = arith.constant 1 : i32
      %xor3A_1239 = vector.broadcast %xor3A_1238 : i32 to vector<16xi32>
      %xor3A_1240 = arith.xori %iota3A, %xor3A_1239 : vector<16xi32>
      %lt3A_1241 = arith.constant 0 : i32
      %lt3A_1242 = vector.broadcast %lt3A_1241 : i32 to vector<16xi32>
      %lt3A_1243 = arith.cmpi slt, %xor3A_1240, %lt3A_1242 : vector<16xi32>
      %add3A_1244 = arith.constant 16 : i32
      %add3A_1245 = vector.broadcast %add3A_1244 : i32 to vector<16xi32>
      %add3A_1246 = arith.addi %xor3A_1240, %add3A_1245 : vector<16xi32>
      %select_n3A_1247 = arith.select %lt3A_1243, %add3A_1246, %xor3A_1240 : vector<16xi1>, vector<16xi32>
      %broadcast_in_dim3A_1248 = vector.shape_cast %select_n3A_1247 : vector<16xi32> to vector<16x1xi32>
      %gather3A_1249 = vector.shape_cast %broadcast_in_dim3A_1248 : vector<16x1xi32> to vector<16xi32>
      %gather3A_1250 = tpu.dynamic_gather %add3A_1234[%gather3A_1249] in [0] : vector<16xf32>, vector<16xi32> -> vector<16xf32>
      %add3A_1251 = arith.addf %add3A_1234, %gather3A_1250 : vector<16xf32>
      %xor3A_1252 = arith.constant 2 : i32
      %xor3A_1253 = vector.broadcast %xor3A_1252 : i32 to vector<16xi32>
      %xor3A_1254 = arith.xori %iota3A, %xor3A_1253 : vector<16xi32>
      %lt3A_1255 = arith.constant 0 : i32
      %lt3A_1256 = vector.broadcast %lt3A_1255 : i32 to vector<16xi32>
      %lt3A_1257 = arith.cmpi slt, %xor3A_1254, %lt3A_1256 : vector<16xi32>
      %add3A_1258 = arith.constant 16 : i32
      %add3A_1259 = vector.broadcast %add3A_1258 : i32 to vector<16xi32>
      %add3A_1260 = arith.addi %xor3A_1254, %add3A_1259 : vector<16xi32>
      %select_n3A_1261 = arith.select %lt3A_1257, %add3A_1260, %xor3A_1254 : vector<16xi1>, vector<16xi32>
      %broadcast_in_dim3A_1262 = vector.shape_cast %select_n3A_1261 : vector<16xi32> to vector<16x1xi32>
      %gather3A_1263 = vector.shape_cast %broadcast_in_dim3A_1262 : vector<16x1xi32> to vector<16xi32>
      %gather3A_1264 = tpu.dynamic_gather %add3A_1251[%gather3A_1263] in [0] : vector<16xf32>, vector<16xi32> -> vector<16xf32>
      %add3A_1265 = arith.addf %add3A_1251, %gather3A_1264 : vector<16xf32>
      %xor3A_1266 = arith.constant 4 : i32
      %xor3A_1267 = vector.broadcast %xor3A_1266 : i32 to vector<16xi32>
      %xor3A_1268 = arith.xori %iota3A, %xor3A_1267 : vector<16xi32>
      %lt3A_1269 = arith.constant 0 : i32
      %lt3A_1270 = vector.broadcast %lt3A_1269 : i32 to vector<16xi32>
      %lt3A_1271 = arith.cmpi slt, %xor3A_1268, %lt3A_1270 : vector<16xi32>
      %add3A_1272 = arith.constant 16 : i32
      %add3A_1273 = vector.broadcast %add3A_1272 : i32 to vector<16xi32>
      %add3A_1274 = arith.addi %xor3A_1268, %add3A_1273 : vector<16xi32>
      %select_n3A_1275 = arith.select %lt3A_1271, %add3A_1274, %xor3A_1268 : vector<16xi1>, vector<16xi32>
      %broadcast_in_dim3A_1276 = vector.shape_cast %select_n3A_1275 : vector<16xi32> to vector<16x1xi32>
      %gather3A_1277 = vector.shape_cast %broadcast_in_dim3A_1276 : vector<16x1xi32> to vector<16xi32>
      %gather3A_1278 = tpu.dynamic_gather %add3A_1265[%gather3A_1277] in [0] : vector<16xf32>, vector<16xi32> -> vector<16xf32>
      %add3A_1279 = arith.addf %add3A_1265, %gather3A_1278 : vector<16xf32>
      %xor3A_1280 = arith.constant 8 : i32
      %xor3A_1281 = vector.broadcast %xor3A_1280 : i32 to vector<16xi32>
      %xor3A_1282 = arith.xori %iota3A, %xor3A_1281 : vector<16xi32>
      %lt3A_1283 = arith.constant 0 : i32
      %lt3A_1284 = vector.broadcast %lt3A_1283 : i32 to vector<16xi32>
      %lt3A_1285 = arith.cmpi slt, %xor3A_1282, %lt3A_1284 : vector<16xi32>
      %add3A_1286 = arith.constant 16 : i32
      %add3A_1287 = vector.broadcast %add3A_1286 : i32 to vector<16xi32>
      %add3A_1288 = arith.addi %xor3A_1282, %add3A_1287 : vector<16xi32>
      %select_n3A_1289 = arith.select %lt3A_1285, %add3A_1288, %xor3A_1282 : vector<16xi1>, vector<16xi32>
      %broadcast_in_dim3A_1290 = vector.shape_cast %select_n3A_1289 : vector<16xi32> to vector<16x1xi32>
      %gather3A_1291 = vector.shape_cast %broadcast_in_dim3A_1290 : vector<16x1xi32> to vector<16xi32>
      %gather3A_1292 = tpu.dynamic_gather %add3A_1279[%gather3A_1291] in [0] : vector<16xf32>, vector<16xi32> -> vector<16xf32>
      %add3A_1293 = arith.addf %add3A_1279, %gather3A_1292 : vector<16xf32>
      %select_n3A_1294 = arith.select %eq3A_1237, %add3A_1293, %select_n3A_1199 : vector<16xi1>, vector<16xf32>
      %add3A_1295 = arith.constant 12 : i32
      %add3A_1296 = arith.addi %mul3A_158, %add3A_1295 : i32
      %get3A_1297 = arith.index_cast %add3A_1296 : i32 to index
      %get3A_1298 = arith.constant 0 : index
      %get3A_1299 = tpu.vector_load %arg11[%get3A_1297, %get3A_1298] {strides = array<i32>} : memref<512x32xf32, #tpu.memory_space<vmem>>, vector<1x16xf32>,
      %get3A_1300 = vector.shape_cast %get3A_1299 : vector<1x16xf32> to vector<16xf32>
      %get3A_1301 = arith.index_cast %add3A_1296 : i32 to index
      %get3A_1302 = arith.constant 16 : index
      %get3A_1303 = tpu.vector_load %arg11[%get3A_1301, %get3A_1302] {strides = array<i32>} : memref<512x32xf32, #tpu.memory_space<vmem>>, vector<1x16xf32>,
      %get3A_1304 = vector.shape_cast %get3A_1303 : vector<1x16xf32> to vector<16xf32>
      %get3A_1305 = arith.index_cast %add3A_1296 : i32 to index
      %get3A_1306 = arith.constant 0 : index
      %get3A_1307 = tpu.vector_load %arg12[%get3A_1305, %get3A_1306] {strides = array<i32>} : memref<512x32xf32, #tpu.memory_space<vmem>>, vector<1x16xf32>,
      %get3A_1308 = vector.shape_cast %get3A_1307 : vector<1x16xf32> to vector<16xf32>
      %get3A_1309 = arith.index_cast %add3A_1296 : i32 to index
      %get3A_1310 = arith.constant 16 : index
      %get3A_1311 = tpu.vector_load %arg12[%get3A_1309, %get3A_1310] {strides = array<i32>} : memref<512x32xf32, #tpu.memory_space<vmem>>, vector<1x16xf32>,
      %get3A_1312 = vector.shape_cast %get3A_1311 : vector<1x16xf32> to vector<16xf32>
      %get3A_1313 = arith.index_cast %add3A_1296 : i32 to index
      %get3A_1314 = arith.constant 0 : index
      %get3A_1315 = tpu.vector_load %arg13[%get3A_1313, %get3A_1314] {strides = array<i32>} : memref<512x32xf32, #tpu.memory_space<vmem>>, vector<1x16xf32>,
      %get3A_1316 = vector.shape_cast %get3A_1315 : vector<1x16xf32> to vector<16xf32>
      %get3A_1317 = arith.index_cast %add3A_1296 : i32 to index
      %get3A_1318 = arith.constant 16 : index
      %get3A_1319 = tpu.vector_load %arg13[%get3A_1317, %get3A_1318] {strides = array<i32>} : memref<512x32xf32, #tpu.memory_space<vmem>>, vector<1x16xf32>,
      %get3A_1320 = vector.shape_cast %get3A_1319 : vector<1x16xf32> to vector<16xf32>
      %mul3A_1321 = arith.mulf %get3A_1300, %get3A_1308 : vector<16xf32>
      %mul3A_1322 = arith.mulf %mul3A_1321, %get3A_138 : vector<16xf32>
      %mul3A_1323 = arith.mulf %get3A_1304, %get3A_1312 : vector<16xf32>
      %mul3A_1324 = arith.mulf %mul3A_1323, %get3A_141 : vector<16xf32>
      %add3A_1325 = arith.addf %mul3A_1322, %mul3A_1324 : vector<16xf32>
      %mul3A_1326 = arith.mulf %get3A_1316, %get3A_144 : vector<16xf32>
      %add3A_1327 = arith.addf %add3A_1325, %mul3A_1326 : vector<16xf32>
      %mul3A_1328 = arith.mulf %get3A_1320, %get3A_147 : vector<16xf32>
      %add3A_1329 = arith.addf %add3A_1327, %mul3A_1328 : vector<16xf32>
      %eq3A_1330 = arith.constant 12 : i32
      %eq3A_1331 = vector.broadcast %eq3A_1330 : i32 to vector<16xi32>
      %eq3A_1332 = arith.cmpi eq, %iota3A, %eq3A_1331 : vector<16xi32>
      %xor3A_1333 = arith.constant 1 : i32
      %xor3A_1334 = vector.broadcast %xor3A_1333 : i32 to vector<16xi32>
      %xor3A_1335 = arith.xori %iota3A, %xor3A_1334 : vector<16xi32>
      %lt3A_1336 = arith.constant 0 : i32
      %lt3A_1337 = vector.broadcast %lt3A_1336 : i32 to vector<16xi32>
      %lt3A_1338 = arith.cmpi slt, %xor3A_1335, %lt3A_1337 : vector<16xi32>
      %add3A_1339 = arith.constant 16 : i32
      %add3A_1340 = vector.broadcast %add3A_1339 : i32 to vector<16xi32>
      %add3A_1341 = arith.addi %xor3A_1335, %add3A_1340 : vector<16xi32>
      %select_n3A_1342 = arith.select %lt3A_1338, %add3A_1341, %xor3A_1335 : vector<16xi1>, vector<16xi32>
      %broadcast_in_dim3A_1343 = vector.shape_cast %select_n3A_1342 : vector<16xi32> to vector<16x1xi32>
      %gather3A_1344 = vector.shape_cast %broadcast_in_dim3A_1343 : vector<16x1xi32> to vector<16xi32>
      %gather3A_1345 = tpu.dynamic_gather %add3A_1329[%gather3A_1344] in [0] : vector<16xf32>, vector<16xi32> -> vector<16xf32>
      %add3A_1346 = arith.addf %add3A_1329, %gather3A_1345 : vector<16xf32>
      %xor3A_1347 = arith.constant 2 : i32
      %xor3A_1348 = vector.broadcast %xor3A_1347 : i32 to vector<16xi32>
      %xor3A_1349 = arith.xori %iota3A, %xor3A_1348 : vector<16xi32>
      %lt3A_1350 = arith.constant 0 : i32
      %lt3A_1351 = vector.broadcast %lt3A_1350 : i32 to vector<16xi32>
      %lt3A_1352 = arith.cmpi slt, %xor3A_1349, %lt3A_1351 : vector<16xi32>
      %add3A_1353 = arith.constant 16 : i32
      %add3A_1354 = vector.broadcast %add3A_1353 : i32 to vector<16xi32>
      %add3A_1355 = arith.addi %xor3A_1349, %add3A_1354 : vector<16xi32>
      %select_n3A_1356 = arith.select %lt3A_1352, %add3A_1355, %xor3A_1349 : vector<16xi1>, vector<16xi32>
      %broadcast_in_dim3A_1357 = vector.shape_cast %select_n3A_1356 : vector<16xi32> to vector<16x1xi32>
      %gather3A_1358 = vector.shape_cast %broadcast_in_dim3A_1357 : vector<16x1xi32> to vector<16xi32>
      %gather3A_1359 = tpu.dynamic_gather %add3A_1346[%gather3A_1358] in [0] : vector<16xf32>, vector<16xi32> -> vector<16xf32>
      %add3A_1360 = arith.addf %add3A_1346, %gather3A_1359 : vector<16xf32>
      %xor3A_1361 = arith.constant 4 : i32
      %xor3A_1362 = vector.broadcast %xor3A_1361 : i32 to vector<16xi32>
      %xor3A_1363 = arith.xori %iota3A, %xor3A_1362 : vector<16xi32>
      %lt3A_1364 = arith.constant 0 : i32
      %lt3A_1365 = vector.broadcast %lt3A_1364 : i32 to vector<16xi32>
      %lt3A_1366 = arith.cmpi slt, %xor3A_1363, %lt3A_1365 : vector<16xi32>
      %add3A_1367 = arith.constant 16 : i32
      %add3A_1368 = vector.broadcast %add3A_1367 : i32 to vector<16xi32>
      %add3A_1369 = arith.addi %xor3A_1363, %add3A_1368 : vector<16xi32>
      %select_n3A_1370 = arith.select %lt3A_1366, %add3A_1369, %xor3A_1363 : vector<16xi1>, vector<16xi32>
      %broadcast_in_dim3A_1371 = vector.shape_cast %select_n3A_1370 : vector<16xi32> to vector<16x1xi32>
      %gather3A_1372 = vector.shape_cast %broadcast_in_dim3A_1371 : vector<16x1xi32> to vector<16xi32>
      %gather3A_1373 = tpu.dynamic_gather %add3A_1360[%gather3A_1372] in [0] : vector<16xf32>, vector<16xi32> -> vector<16xf32>
      %add3A_1374 = arith.addf %add3A_1360, %gather3A_1373 : vector<16xf32>
      %xor3A_1375 = arith.constant 8 : i32
      %xor3A_1376 = vector.broadcast %xor3A_1375 : i32 to vector<16xi32>
      %xor3A_1377 = arith.xori %iota3A, %xor3A_1376 : vector<16xi32>
      %lt3A_1378 = arith.constant 0 : i32
      %lt3A_1379 = vector.broadcast %lt3A_1378 : i32 to vector<16xi32>
      %lt3A_1380 = arith.cmpi slt, %xor3A_1377, %lt3A_1379 : vector<16xi32>
      %add3A_1381 = arith.constant 16 : i32
      %add3A_1382 = vector.broadcast %add3A_1381 : i32 to vector<16xi32>
      %add3A_1383 = arith.addi %xor3A_1377, %add3A_1382 : vector<16xi32>
      %select_n3A_1384 = arith.select %lt3A_1380, %add3A_1383, %xor3A_1377 : vector<16xi1>, vector<16xi32>
      %broadcast_in_dim3A_1385 = vector.shape_cast %select_n3A_1384 : vector<16xi32> to vector<16x1xi32>
      %gather3A_1386 = vector.shape_cast %broadcast_in_dim3A_1385 : vector<16x1xi32> to vector<16xi32>
      %gather3A_1387 = tpu.dynamic_gather %add3A_1374[%gather3A_1386] in [0] : vector<16xf32>, vector<16xi32> -> vector<16xf32>
      %add3A_1388 = arith.addf %add3A_1374, %gather3A_1387 : vector<16xf32>
      %select_n3A_1389 = arith.select %eq3A_1332, %add3A_1388, %select_n3A_1294 : vector<16xi1>, vector<16xf32>
      %add3A_1390 = arith.constant 13 : i32
      %add3A_1391 = arith.addi %mul3A_158, %add3A_1390 : i32
      %get3A_1392 = arith.index_cast %add3A_1391 : i32 to index
      %get3A_1393 = arith.constant 0 : index
      %get3A_1394 = tpu.vector_load %arg11[%get3A_1392, %get3A_1393] {strides = array<i32>} : memref<512x32xf32, #tpu.memory_space<vmem>>, vector<1x16xf32>,
      %get3A_1395 = vector.shape_cast %get3A_1394 : vector<1x16xf32> to vector<16xf32>
      %get3A_1396 = arith.index_cast %add3A_1391 : i32 to index
      %get3A_1397 = arith.constant 16 : index
      %get3A_1398 = tpu.vector_load %arg11[%get3A_1396, %get3A_1397] {strides = array<i32>} : memref<512x32xf32, #tpu.memory_space<vmem>>, vector<1x16xf32>,
      %get3A_1399 = vector.shape_cast %get3A_1398 : vector<1x16xf32> to vector<16xf32>
      %get3A_1400 = arith.index_cast %add3A_1391 : i32 to index
      %get3A_1401 = arith.constant 0 : index
      %get3A_1402 = tpu.vector_load %arg12[%get3A_1400, %get3A_1401] {strides = array<i32>} : memref<512x32xf32, #tpu.memory_space<vmem>>, vector<1x16xf32>,
      %get3A_1403 = vector.shape_cast %get3A_1402 : vector<1x16xf32> to vector<16xf32>
      %get3A_1404 = arith.index_cast %add3A_1391 : i32 to index
      %get3A_1405 = arith.constant 16 : index
      %get3A_1406 = tpu.vector_load %arg12[%get3A_1404, %get3A_1405] {strides = array<i32>} : memref<512x32xf32, #tpu.memory_space<vmem>>, vector<1x16xf32>,
      %get3A_1407 = vector.shape_cast %get3A_1406 : vector<1x16xf32> to vector<16xf32>
      %get3A_1408 = arith.index_cast %add3A_1391 : i32 to index
      %get3A_1409 = arith.constant 0 : index
      %get3A_1410 = tpu.vector_load %arg13[%get3A_1408, %get3A_1409] {strides = array<i32>} : memref<512x32xf32, #tpu.memory_space<vmem>>, vector<1x16xf32>,
      %get3A_1411 = vector.shape_cast %get3A_1410 : vector<1x16xf32> to vector<16xf32>
      %get3A_1412 = arith.index_cast %add3A_1391 : i32 to index
      %get3A_1413 = arith.constant 16 : index
      %get3A_1414 = tpu.vector_load %arg13[%get3A_1412, %get3A_1413] {strides = array<i32>} : memref<512x32xf32, #tpu.memory_space<vmem>>, vector<1x16xf32>,
      %get3A_1415 = vector.shape_cast %get3A_1414 : vector<1x16xf32> to vector<16xf32>
      %mul3A_1416 = arith.mulf %get3A_1395, %get3A_1403 : vector<16xf32>
      %mul3A_1417 = arith.mulf %mul3A_1416, %get3A_138 : vector<16xf32>
      %mul3A_1418 = arith.mulf %get3A_1399, %get3A_1407 : vector<16xf32>
      %mul3A_1419 = arith.mulf %mul3A_1418, %get3A_141 : vector<16xf32>
      %add3A_1420 = arith.addf %mul3A_1417, %mul3A_1419 : vector<16xf32>
      %mul3A_1421 = arith.mulf %get3A_1411, %get3A_144 : vector<16xf32>
      %add3A_1422 = arith.addf %add3A_1420, %mul3A_1421 : vector<16xf32>
      %mul3A_1423 = arith.mulf %get3A_1415, %get3A_147 : vector<16xf32>
      %add3A_1424 = arith.addf %add3A_1422, %mul3A_1423 : vector<16xf32>
      %eq3A_1425 = arith.constant 13 : i32
      %eq3A_1426 = vector.broadcast %eq3A_1425 : i32 to vector<16xi32>
      %eq3A_1427 = arith.cmpi eq, %iota3A, %eq3A_1426 : vector<16xi32>
      %xor3A_1428 = arith.constant 1 : i32
      %xor3A_1429 = vector.broadcast %xor3A_1428 : i32 to vector<16xi32>
      %xor3A_1430 = arith.xori %iota3A, %xor3A_1429 : vector<16xi32>
      %lt3A_1431 = arith.constant 0 : i32
      %lt3A_1432 = vector.broadcast %lt3A_1431 : i32 to vector<16xi32>
      %lt3A_1433 = arith.cmpi slt, %xor3A_1430, %lt3A_1432 : vector<16xi32>
      %add3A_1434 = arith.constant 16 : i32
      %add3A_1435 = vector.broadcast %add3A_1434 : i32 to vector<16xi32>
      %add3A_1436 = arith.addi %xor3A_1430, %add3A_1435 : vector<16xi32>
      %select_n3A_1437 = arith.select %lt3A_1433, %add3A_1436, %xor3A_1430 : vector<16xi1>, vector<16xi32>
      %broadcast_in_dim3A_1438 = vector.shape_cast %select_n3A_1437 : vector<16xi32> to vector<16x1xi32>
      %gather3A_1439 = vector.shape_cast %broadcast_in_dim3A_1438 : vector<16x1xi32> to vector<16xi32>
      %gather3A_1440 = tpu.dynamic_gather %add3A_1424[%gather3A_1439] in [0] : vector<16xf32>, vector<16xi32> -> vector<16xf32>
      %add3A_1441 = arith.addf %add3A_1424, %gather3A_1440 : vector<16xf32>
      %xor3A_1442 = arith.constant 2 : i32
      %xor3A_1443 = vector.broadcast %xor3A_1442 : i32 to vector<16xi32>
      %xor3A_1444 = arith.xori %iota3A, %xor3A_1443 : vector<16xi32>
      %lt3A_1445 = arith.constant 0 : i32
      %lt3A_1446 = vector.broadcast %lt3A_1445 : i32 to vector<16xi32>
      %lt3A_1447 = arith.cmpi slt, %xor3A_1444, %lt3A_1446 : vector<16xi32>
      %add3A_1448 = arith.constant 16 : i32
      %add3A_1449 = vector.broadcast %add3A_1448 : i32 to vector<16xi32>
      %add3A_1450 = arith.addi %xor3A_1444, %add3A_1449 : vector<16xi32>
      %select_n3A_1451 = arith.select %lt3A_1447, %add3A_1450, %xor3A_1444 : vector<16xi1>, vector<16xi32>
      %broadcast_in_dim3A_1452 = vector.shape_cast %select_n3A_1451 : vector<16xi32> to vector<16x1xi32>
      %gather3A_1453 = vector.shape_cast %broadcast_in_dim3A_1452 : vector<16x1xi32> to vector<16xi32>
      %gather3A_1454 = tpu.dynamic_gather %add3A_1441[%gather3A_1453] in [0] : vector<16xf32>, vector<16xi32> -> vector<16xf32>
      %add3A_1455 = arith.addf %add3A_1441, %gather3A_1454 : vector<16xf32>
      %xor3A_1456 = arith.constant 4 : i32
      %xor3A_1457 = vector.broadcast %xor3A_1456 : i32 to vector<16xi32>
      %xor3A_1458 = arith.xori %iota3A, %xor3A_1457 : vector<16xi32>
      %lt3A_1459 = arith.constant 0 : i32
      %lt3A_1460 = vector.broadcast %lt3A_1459 : i32 to vector<16xi32>
      %lt3A_1461 = arith.cmpi slt, %xor3A_1458, %lt3A_1460 : vector<16xi32>
      %add3A_1462 = arith.constant 16 : i32
      %add3A_1463 = vector.broadcast %add3A_1462 : i32 to vector<16xi32>
      %add3A_1464 = arith.addi %xor3A_1458, %add3A_1463 : vector<16xi32>
      %select_n3A_1465 = arith.select %lt3A_1461, %add3A_1464, %xor3A_1458 : vector<16xi1>, vector<16xi32>
      %broadcast_in_dim3A_1466 = vector.shape_cast %select_n3A_1465 : vector<16xi32> to vector<16x1xi32>
      %gather3A_1467 = vector.shape_cast %broadcast_in_dim3A_1466 : vector<16x1xi32> to vector<16xi32>
      %gather3A_1468 = tpu.dynamic_gather %add3A_1455[%gather3A_1467] in [0] : vector<16xf32>, vector<16xi32> -> vector<16xf32>
      %add3A_1469 = arith.addf %add3A_1455, %gather3A_1468 : vector<16xf32>
      %xor3A_1470 = arith.constant 8 : i32
      %xor3A_1471 = vector.broadcast %xor3A_1470 : i32 to vector<16xi32>
      %xor3A_1472 = arith.xori %iota3A, %xor3A_1471 : vector<16xi32>
      %lt3A_1473 = arith.constant 0 : i32
      %lt3A_1474 = vector.broadcast %lt3A_1473 : i32 to vector<16xi32>
      %lt3A_1475 = arith.cmpi slt, %xor3A_1472, %lt3A_1474 : vector<16xi32>
      %add3A_1476 = arith.constant 16 : i32
      %add3A_1477 = vector.broadcast %add3A_1476 : i32 to vector<16xi32>
      %add3A_1478 = arith.addi %xor3A_1472, %add3A_1477 : vector<16xi32>
      %select_n3A_1479 = arith.select %lt3A_1475, %add3A_1478, %xor3A_1472 : vector<16xi1>, vector<16xi32>
      %broadcast_in_dim3A_1480 = vector.shape_cast %select_n3A_1479 : vector<16xi32> to vector<16x1xi32>
      %gather3A_1481 = vector.shape_cast %broadcast_in_dim3A_1480 : vector<16x1xi32> to vector<16xi32>
      %gather3A_1482 = tpu.dynamic_gather %add3A_1469[%gather3A_1481] in [0] : vector<16xf32>, vector<16xi32> -> vector<16xf32>
      %add3A_1483 = arith.addf %add3A_1469, %gather3A_1482 : vector<16xf32>
      %select_n3A_1484 = arith.select %eq3A_1427, %add3A_1483, %select_n3A_1389 : vector<16xi1>, vector<16xf32>
      %add3A_1485 = arith.constant 14 : i32
      %add3A_1486 = arith.addi %mul3A_158, %add3A_1485 : i32
      %get3A_1487 = arith.index_cast %add3A_1486 : i32 to index
      %get3A_1488 = arith.constant 0 : index
      %get3A_1489 = tpu.vector_load %arg11[%get3A_1487, %get3A_1488] {strides = array<i32>} : memref<512x32xf32, #tpu.memory_space<vmem>>, vector<1x16xf32>,
      %get3A_1490 = vector.shape_cast %get3A_1489 : vector<1x16xf32> to vector<16xf32>
      %get3A_1491 = arith.index_cast %add3A_1486 : i32 to index
      %get3A_1492 = arith.constant 16 : index
      %get3A_1493 = tpu.vector_load %arg11[%get3A_1491, %get3A_1492] {strides = array<i32>} : memref<512x32xf32, #tpu.memory_space<vmem>>, vector<1x16xf32>,
      %get3A_1494 = vector.shape_cast %get3A_1493 : vector<1x16xf32> to vector<16xf32>
      %get3A_1495 = arith.index_cast %add3A_1486 : i32 to index
      %get3A_1496 = arith.constant 0 : index
      %get3A_1497 = tpu.vector_load %arg12[%get3A_1495, %get3A_1496] {strides = array<i32>} : memref<512x32xf32, #tpu.memory_space<vmem>>, vector<1x16xf32>,
      %get3A_1498 = vector.shape_cast %get3A_1497 : vector<1x16xf32> to vector<16xf32>
      %get3A_1499 = arith.index_cast %add3A_1486 : i32 to index
      %get3A_1500 = arith.constant 16 : index
      %get3A_1501 = tpu.vector_load %arg12[%get3A_1499, %get3A_1500] {strides = array<i32>} : memref<512x32xf32, #tpu.memory_space<vmem>>, vector<1x16xf32>,
      %get3A_1502 = vector.shape_cast %get3A_1501 : vector<1x16xf32> to vector<16xf32>
      %get3A_1503 = arith.index_cast %add3A_1486 : i32 to index
      %get3A_1504 = arith.constant 0 : index
      %get3A_1505 = tpu.vector_load %arg13[%get3A_1503, %get3A_1504] {strides = array<i32>} : memref<512x32xf32, #tpu.memory_space<vmem>>, vector<1x16xf32>,
      %get3A_1506 = vector.shape_cast %get3A_1505 : vector<1x16xf32> to vector<16xf32>
      %get3A_1507 = arith.index_cast %add3A_1486 : i32 to index
      %get3A_1508 = arith.constant 16 : index
      %get3A_1509 = tpu.vector_load %arg13[%get3A_1507, %get3A_1508] {strides = array<i32>} : memref<512x32xf32, #tpu.memory_space<vmem>>, vector<1x16xf32>,
      %get3A_1510 = vector.shape_cast %get3A_1509 : vector<1x16xf32> to vector<16xf32>
      %mul3A_1511 = arith.mulf %get3A_1490, %get3A_1498 : vector<16xf32>
      %mul3A_1512 = arith.mulf %mul3A_1511, %get3A_138 : vector<16xf32>
      %mul3A_1513 = arith.mulf %get3A_1494, %get3A_1502 : vector<16xf32>
      %mul3A_1514 = arith.mulf %mul3A_1513, %get3A_141 : vector<16xf32>
      %add3A_1515 = arith.addf %mul3A_1512, %mul3A_1514 : vector<16xf32>
      %mul3A_1516 = arith.mulf %get3A_1506, %get3A_144 : vector<16xf32>
      %add3A_1517 = arith.addf %add3A_1515, %mul3A_1516 : vector<16xf32>
      %mul3A_1518 = arith.mulf %get3A_1510, %get3A_147 : vector<16xf32>
      %add3A_1519 = arith.addf %add3A_1517, %mul3A_1518 : vector<16xf32>
      %eq3A_1520 = arith.constant 14 : i32
      %eq3A_1521 = vector.broadcast %eq3A_1520 : i32 to vector<16xi32>
      %eq3A_1522 = arith.cmpi eq, %iota3A, %eq3A_1521 : vector<16xi32>
      %xor3A_1523 = arith.constant 1 : i32
      %xor3A_1524 = vector.broadcast %xor3A_1523 : i32 to vector<16xi32>
      %xor3A_1525 = arith.xori %iota3A, %xor3A_1524 : vector<16xi32>
      %lt3A_1526 = arith.constant 0 : i32
      %lt3A_1527 = vector.broadcast %lt3A_1526 : i32 to vector<16xi32>
      %lt3A_1528 = arith.cmpi slt, %xor3A_1525, %lt3A_1527 : vector<16xi32>
      %add3A_1529 = arith.constant 16 : i32
      %add3A_1530 = vector.broadcast %add3A_1529 : i32 to vector<16xi32>
      %add3A_1531 = arith.addi %xor3A_1525, %add3A_1530 : vector<16xi32>
      %select_n3A_1532 = arith.select %lt3A_1528, %add3A_1531, %xor3A_1525 : vector<16xi1>, vector<16xi32>
      %broadcast_in_dim3A_1533 = vector.shape_cast %select_n3A_1532 : vector<16xi32> to vector<16x1xi32>
      %gather3A_1534 = vector.shape_cast %broadcast_in_dim3A_1533 : vector<16x1xi32> to vector<16xi32>
      %gather3A_1535 = tpu.dynamic_gather %add3A_1519[%gather3A_1534] in [0] : vector<16xf32>, vector<16xi32> -> vector<16xf32>
      %add3A_1536 = arith.addf %add3A_1519, %gather3A_1535 : vector<16xf32>
      %xor3A_1537 = arith.constant 2 : i32
      %xor3A_1538 = vector.broadcast %xor3A_1537 : i32 to vector<16xi32>
      %xor3A_1539 = arith.xori %iota3A, %xor3A_1538 : vector<16xi32>
      %lt3A_1540 = arith.constant 0 : i32
      %lt3A_1541 = vector.broadcast %lt3A_1540 : i32 to vector<16xi32>
      %lt3A_1542 = arith.cmpi slt, %xor3A_1539, %lt3A_1541 : vector<16xi32>
      %add3A_1543 = arith.constant 16 : i32
      %add3A_1544 = vector.broadcast %add3A_1543 : i32 to vector<16xi32>
      %add3A_1545 = arith.addi %xor3A_1539, %add3A_1544 : vector<16xi32>
      %select_n3A_1546 = arith.select %lt3A_1542, %add3A_1545, %xor3A_1539 : vector<16xi1>, vector<16xi32>
      %broadcast_in_dim3A_1547 = vector.shape_cast %select_n3A_1546 : vector<16xi32> to vector<16x1xi32>
      %gather3A_1548 = vector.shape_cast %broadcast_in_dim3A_1547 : vector<16x1xi32> to vector<16xi32>
      %gather3A_1549 = tpu.dynamic_gather %add3A_1536[%gather3A_1548] in [0] : vector<16xf32>, vector<16xi32> -> vector<16xf32>
      %add3A_1550 = arith.addf %add3A_1536, %gather3A_1549 : vector<16xf32>
      %xor3A_1551 = arith.constant 4 : i32
      %xor3A_1552 = vector.broadcast %xor3A_1551 : i32 to vector<16xi32>
      %xor3A_1553 = arith.xori %iota3A, %xor3A_1552 : vector<16xi32>
      %lt3A_1554 = arith.constant 0 : i32
      %lt3A_1555 = vector.broadcast %lt3A_1554 : i32 to vector<16xi32>
      %lt3A_1556 = arith.cmpi slt, %xor3A_1553, %lt3A_1555 : vector<16xi32>
      %add3A_1557 = arith.constant 16 : i32
      %add3A_1558 = vector.broadcast %add3A_1557 : i32 to vector<16xi32>
      %add3A_1559 = arith.addi %xor3A_1553, %add3A_1558 : vector<16xi32>
      %select_n3A_1560 = arith.select %lt3A_1556, %add3A_1559, %xor3A_1553 : vector<16xi1>, vector<16xi32>
      %broadcast_in_dim3A_1561 = vector.shape_cast %select_n3A_1560 : vector<16xi32> to vector<16x1xi32>
      %gather3A_1562 = vector.shape_cast %broadcast_in_dim3A_1561 : vector<16x1xi32> to vector<16xi32>
      %gather3A_1563 = tpu.dynamic_gather %add3A_1550[%gather3A_1562] in [0] : vector<16xf32>, vector<16xi32> -> vector<16xf32>
      %add3A_1564 = arith.addf %add3A_1550, %gather3A_1563 : vector<16xf32>
      %xor3A_1565 = arith.constant 8 : i32
      %xor3A_1566 = vector.broadcast %xor3A_1565 : i32 to vector<16xi32>
      %xor3A_1567 = arith.xori %iota3A, %xor3A_1566 : vector<16xi32>
      %lt3A_1568 = arith.constant 0 : i32
      %lt3A_1569 = vector.broadcast %lt3A_1568 : i32 to vector<16xi32>
      %lt3A_1570 = arith.cmpi slt, %xor3A_1567, %lt3A_1569 : vector<16xi32>
      %add3A_1571 = arith.constant 16 : i32
      %add3A_1572 = vector.broadcast %add3A_1571 : i32 to vector<16xi32>
      %add3A_1573 = arith.addi %xor3A_1567, %add3A_1572 : vector<16xi32>
      %select_n3A_1574 = arith.select %lt3A_1570, %add3A_1573, %xor3A_1567 : vector<16xi1>, vector<16xi32>
      %broadcast_in_dim3A_1575 = vector.shape_cast %select_n3A_1574 : vector<16xi32> to vector<16x1xi32>
      %gather3A_1576 = vector.shape_cast %broadcast_in_dim3A_1575 : vector<16x1xi32> to vector<16xi32>
      %gather3A_1577 = tpu.dynamic_gather %add3A_1564[%gather3A_1576] in [0] : vector<16xf32>, vector<16xi32> -> vector<16xf32>
      %add3A_1578 = arith.addf %add3A_1564, %gather3A_1577 : vector<16xf32>
      %select_n3A_1579 = arith.select %eq3A_1522, %add3A_1578, %select_n3A_1484 : vector<16xi1>, vector<16xf32>
      %add3A_1580 = arith.constant 15 : i32
      %add3A_1581 = arith.addi %mul3A_158, %add3A_1580 : i32
      %get3A_1582 = arith.index_cast %add3A_1581 : i32 to index
      %get3A_1583 = arith.constant 0 : index
      %get3A_1584 = tpu.vector_load %arg11[%get3A_1582, %get3A_1583] {strides = array<i32>} : memref<512x32xf32, #tpu.memory_space<vmem>>, vector<1x16xf32>,
      %get3A_1585 = vector.shape_cast %get3A_1584 : vector<1x16xf32> to vector<16xf32>
      %get3A_1586 = arith.index_cast %add3A_1581 : i32 to index
      %get3A_1587 = arith.constant 16 : index
      %get3A_1588 = tpu.vector_load %arg11[%get3A_1586, %get3A_1587] {strides = array<i32>} : memref<512x32xf32, #tpu.memory_space<vmem>>, vector<1x16xf32>,
      %get3A_1589 = vector.shape_cast %get3A_1588 : vector<1x16xf32> to vector<16xf32>
      %get3A_1590 = arith.index_cast %add3A_1581 : i32 to index
      %get3A_1591 = arith.constant 0 : index
      %get3A_1592 = tpu.vector_load %arg12[%get3A_1590, %get3A_1591] {strides = array<i32>} : memref<512x32xf32, #tpu.memory_space<vmem>>, vector<1x16xf32>,
      %get3A_1593 = vector.shape_cast %get3A_1592 : vector<1x16xf32> to vector<16xf32>
      %get3A_1594 = arith.index_cast %add3A_1581 : i32 to index
      %get3A_1595 = arith.constant 16 : index
      %get3A_1596 = tpu.vector_load %arg12[%get3A_1594, %get3A_1595] {strides = array<i32>} : memref<512x32xf32, #tpu.memory_space<vmem>>, vector<1x16xf32>,
      %get3A_1597 = vector.shape_cast %get3A_1596 : vector<1x16xf32> to vector<16xf32>
      %get3A_1598 = arith.index_cast %add3A_1581 : i32 to index
      %get3A_1599 = arith.constant 0 : index
      %get3A_1600 = tpu.vector_load %arg13[%get3A_1598, %get3A_1599] {strides = array<i32>} : memref<512x32xf32, #tpu.memory_space<vmem>>, vector<1x16xf32>,
      %get3A_1601 = vector.shape_cast %get3A_1600 : vector<1x16xf32> to vector<16xf32>
      %get3A_1602 = arith.index_cast %add3A_1581 : i32 to index
      %get3A_1603 = arith.constant 16 : index
      %get3A_1604 = tpu.vector_load %arg13[%get3A_1602, %get3A_1603] {strides = array<i32>} : memref<512x32xf32, #tpu.memory_space<vmem>>, vector<1x16xf32>,
      %get3A_1605 = vector.shape_cast %get3A_1604 : vector<1x16xf32> to vector<16xf32>
      %mul3A_1606 = arith.mulf %get3A_1585, %get3A_1593 : vector<16xf32>
      %mul3A_1607 = arith.mulf %mul3A_1606, %get3A_138 : vector<16xf32>
      %mul3A_1608 = arith.mulf %get3A_1589, %get3A_1597 : vector<16xf32>
      %mul3A_1609 = arith.mulf %mul3A_1608, %get3A_141 : vector<16xf32>
      %add3A_1610 = arith.addf %mul3A_1607, %mul3A_1609 : vector<16xf32>
      %mul3A_1611 = arith.mulf %get3A_1601, %get3A_144 : vector<16xf32>
      %add3A_1612 = arith.addf %add3A_1610, %mul3A_1611 : vector<16xf32>
      %mul3A_1613 = arith.mulf %get3A_1605, %get3A_147 : vector<16xf32>
      %add3A_1614 = arith.addf %add3A_1612, %mul3A_1613 : vector<16xf32>
      %eq3A_1615 = arith.constant 15 : i32
      %eq3A_1616 = vector.broadcast %eq3A_1615 : i32 to vector<16xi32>
      %eq3A_1617 = arith.cmpi eq, %iota3A, %eq3A_1616 : vector<16xi32>
      %xor3A_1618 = arith.constant 1 : i32
      %xor3A_1619 = vector.broadcast %xor3A_1618 : i32 to vector<16xi32>
      %xor3A_1620 = arith.xori %iota3A, %xor3A_1619 : vector<16xi32>
      %lt3A_1621 = arith.constant 0 : i32
      %lt3A_1622 = vector.broadcast %lt3A_1621 : i32 to vector<16xi32>
      %lt3A_1623 = arith.cmpi slt, %xor3A_1620, %lt3A_1622 : vector<16xi32>
      %add3A_1624 = arith.constant 16 : i32
      %add3A_1625 = vector.broadcast %add3A_1624 : i32 to vector<16xi32>
      %add3A_1626 = arith.addi %xor3A_1620, %add3A_1625 : vector<16xi32>
      %select_n3A_1627 = arith.select %lt3A_1623, %add3A_1626, %xor3A_1620 : vector<16xi1>, vector<16xi32>
      %broadcast_in_dim3A_1628 = vector.shape_cast %select_n3A_1627 : vector<16xi32> to vector<16x1xi32>
      %gather3A_1629 = vector.shape_cast %broadcast_in_dim3A_1628 : vector<16x1xi32> to vector<16xi32>
      %gather3A_1630 = tpu.dynamic_gather %add3A_1614[%gather3A_1629] in [0] : vector<16xf32>, vector<16xi32> -> vector<16xf32>
      %add3A_1631 = arith.addf %add3A_1614, %gather3A_1630 : vector<16xf32>
      %xor3A_1632 = arith.constant 2 : i32
      %xor3A_1633 = vector.broadcast %xor3A_1632 : i32 to vector<16xi32>
      %xor3A_1634 = arith.xori %iota3A, %xor3A_1633 : vector<16xi32>
      %lt3A_1635 = arith.constant 0 : i32
      %lt3A_1636 = vector.broadcast %lt3A_1635 : i32 to vector<16xi32>
      %lt3A_1637 = arith.cmpi slt, %xor3A_1634, %lt3A_1636 : vector<16xi32>
      %add3A_1638 = arith.constant 16 : i32
      %add3A_1639 = vector.broadcast %add3A_1638 : i32 to vector<16xi32>
      %add3A_1640 = arith.addi %xor3A_1634, %add3A_1639 : vector<16xi32>
      %select_n3A_1641 = arith.select %lt3A_1637, %add3A_1640, %xor3A_1634 : vector<16xi1>, vector<16xi32>
      %broadcast_in_dim3A_1642 = vector.shape_cast %select_n3A_1641 : vector<16xi32> to vector<16x1xi32>
      %gather3A_1643 = vector.shape_cast %broadcast_in_dim3A_1642 : vector<16x1xi32> to vector<16xi32>
      %gather3A_1644 = tpu.dynamic_gather %add3A_1631[%gather3A_1643] in [0] : vector<16xf32>, vector<16xi32> -> vector<16xf32>
      %add3A_1645 = arith.addf %add3A_1631, %gather3A_1644 : vector<16xf32>
      %xor3A_1646 = arith.constant 4 : i32
      %xor3A_1647 = vector.broadcast %xor3A_1646 : i32 to vector<16xi32>
      %xor3A_1648 = arith.xori %iota3A, %xor3A_1647 : vector<16xi32>
      %lt3A_1649 = arith.constant 0 : i32
      %lt3A_1650 = vector.broadcast %lt3A_1649 : i32 to vector<16xi32>
      %lt3A_1651 = arith.cmpi slt, %xor3A_1648, %lt3A_1650 : vector<16xi32>
      %add3A_1652 = arith.constant 16 : i32
      %add3A_1653 = vector.broadcast %add3A_1652 : i32 to vector<16xi32>
      %add3A_1654 = arith.addi %xor3A_1648, %add3A_1653 : vector<16xi32>
      %select_n3A_1655 = arith.select %lt3A_1651, %add3A_1654, %xor3A_1648 : vector<16xi1>, vector<16xi32>
      %broadcast_in_dim3A_1656 = vector.shape_cast %select_n3A_1655 : vector<16xi32> to vector<16x1xi32>
      %gather3A_1657 = vector.shape_cast %broadcast_in_dim3A_1656 : vector<16x1xi32> to vector<16xi32>
      %gather3A_1658 = tpu.dynamic_gather %add3A_1645[%gather3A_1657] in [0] : vector<16xf32>, vector<16xi32> -> vector<16xf32>
      %add3A_1659 = arith.addf %add3A_1645, %gather3A_1658 : vector<16xf32>
      %xor3A_1660 = arith.constant 8 : i32
      %xor3A_1661 = vector.broadcast %xor3A_1660 : i32 to vector<16xi32>
      %xor3A_1662 = arith.xori %iota3A, %xor3A_1661 : vector<16xi32>
      %lt3A_1663 = arith.constant 0 : i32
      %lt3A_1664 = vector.broadcast %lt3A_1663 : i32 to vector<16xi32>
      %lt3A_1665 = arith.cmpi slt, %xor3A_1662, %lt3A_1664 : vector<16xi32>
      %add3A_1666 = arith.constant 16 : i32
      %add3A_1667 = vector.broadcast %add3A_1666 : i32 to vector<16xi32>
      %add3A_1668 = arith.addi %xor3A_1662, %add3A_1667 : vector<16xi32>
      %select_n3A_1669 = arith.select %lt3A_1665, %add3A_1668, %xor3A_1662 : vector<16xi1>, vector<16xi32>
      %broadcast_in_dim3A_1670 = vector.shape_cast %select_n3A_1669 : vector<16xi32> to vector<16x1xi32>
      %gather3A_1671 = vector.shape_cast %broadcast_in_dim3A_1670 : vector<16x1xi32> to vector<16xi32>
      %gather3A_1672 = tpu.dynamic_gather %add3A_1659[%gather3A_1671] in [0] : vector<16xf32>, vector<16xi32> -> vector<16xf32>
      %add3A_1673 = arith.addf %add3A_1659, %gather3A_1672 : vector<16xf32>
      %select_n3A_1674 = arith.select %eq3A_1617, %add3A_1673, %select_n3A_1579 : vector<16xi1>, vector<16xf32>
      %add3A_1675 = arith.addf %select_n3A_1674, %get3A_150 : vector<16xf32>
      %swap3A = arith.index_cast %mul3A_158 : i32 to index
      %swap3A_1676 = tpu.vector_load %arg15[%swap3A] {strides = array<i32>} : memref<512xf32, #tpu.memory_space<vmem>>, vector<16xf32>,
      %swap3A_1677 = vector.shape_cast %swap3A_1676 : vector<16xf32> to vector<16xf32>
      %swap3A_1678 = vector.shape_cast %add3A_1675 : vector<16xf32> to vector<16xf32>
      tpu.vector_store %arg15[%swap3A], %swap3A_1678 {strides = array<i32>} : memref<512xf32, #tpu.memory_space<vmem>>, vector<16xf32>,
    }
    %scan3A_155 = arith.constant 32 : i32
    "tpu.region"() ({
      %run_scoped3A = tpu.sem_alloc : memref<!tpu.dma_semaphore, #tpu.memory_space<semaphore_mem>>
      %dma_start3A_156 = tpu.memref_slice %arg8[%mul3A_2] : memref<16384xf32, #tpu.memory_space<hbm>> -> memref<512xf32, #tpu.memory_space<hbm>>
      %dma_start3A_157 = tpu.memref_slice %arg8[%mul3A_2] : memref<16384xf32, #tpu.memory_space<hbm>> -> memref<512xf32, #tpu.memory_space<hbm>>
      tpu.enqueue_dma source(%arg15 : memref<512xf32, #tpu.memory_space<vmem>>) target(%dma_start3A_157 : memref<512xf32, #tpu.memory_space<hbm>>) target_semaphore(%run_scoped3A : memref<!tpu.dma_semaphore, #tpu.memory_space<semaphore_mem>>)
      %dma_wait3A_158 = tpu.memref_slice %arg8[%mul3A_2] : memref<16384xf32, #tpu.memory_space<hbm>> -> memref<512xf32, #tpu.memory_space<hbm>>
      %dma_wait3A_159 = tpu.memref_slice %arg8[%mul3A_2] : memref<16384xf32, #tpu.memory_space<hbm>> -> memref<512xf32, #tpu.memory_space<hbm>>
      tpu.wait_dma2 semaphore(%run_scoped3A : memref<!tpu.dma_semaphore, #tpu.memory_space<semaphore_mem>>) src(%arg15 : memref<512xf32, #tpu.memory_space<vmem>>) dst(%dma_wait3A_159 : memref<512xf32, #tpu.memory_space<hbm>>)
      tpu.yield
    }) : () -> ()
    return
  }
}

</mosaic_0001>

<sc_bundles>
// kernel: kernel.3.cloned.1.call-start
scs
__scs_entry_jumppad:
0x0: {  	(pc) =	sbr.rel $0x88, $3  }
0x1: {  	(tag) =	ssettag $0x0;
	lr =	simm.s32 $0x1  }
0x2: {  	[smem:$0x3F9A] =	sst lr;
	_ =	strace $0xD0000000  }
0x3: {  	_ = 	snop  }
0x4: {  	_ = 	snop  }
0x5: {  	_ = 	snop  }
0x6: {  	_ = 	snop  }
0x7: {  	_ = 	snop  }
__scs_overlays_trampoline_lowered:
0x8: {  	[smem:$0x3FA9] =	sst s0  }
0x9: {  	[smem:$0x3FAA] =	sst s1  }
0xa: {  	[smem:$0x3FAB] =	sst s2  }
0xb: {  	[smem:$0x3FAC] =	sst s3  }
0xc: {  	[smem:$0x3FAD] =	sst s4  }
0xd: {  	[smem:$0x3FAE] =	sst s5  }
0xe: {  	[smem:$0x3FAF] =	sst s6  }
0xf: {  	[smem:$0x3FB0] =	sst s7  }
0x10: {  	[smem:$0x3FB1] =	sst s8  }
0x11: {  	[smem:$0x3FB2] =	sst s9;
	s0 =	simm.s32 @!p0 $0x0  }
0x12: {  	s1 =	sld [smem:$0x3F98];
	s0 =	simm.s32 @p0 $0x1  }
0x13: {  	[smem:$0x3FB3] =	sst s0;
	s0 =	simm.s32 @!p1 $0x0  }
0x14: {  	s2 =	sld [smem:$0x3F97];
	s0 =	simm.s32 @p1 $0x1  }
0x15: {  	[smem:$0x3FB4] =	sst s0;
	s0 =	simm.s32 @!p2 $0x0  }
0x16: {  	s3 =	sld [smem:$0x3FDB];
	s0 =	simm.s32 @p2 $0x1  }
0x17: {  	s4 =	simm.s32 $0x1BF5;
	[smem:$0x3FB6] =	sst s0  }
0x18: {  	s0 =	sld [smem:$0x3F99];
	_ =	swait.ge [sflag:s4], $0x0  }
0x19: {  	s7 =	sld [smem:$0x3F9A]  }
0x1a: {  	s8 =	sadd.s32 $0xFFFFE003, lr  }
0x1b: {  	s9 =	sadd.s32 $0xFFFFFEF7, lr;
	s5 =	simm.s32 $0xFFFFFFFF;
	p2 =	slt.u32 s8, $0xFFFFF086  }
0x1c: {  	p1 =	slt.u32 s9, $0xF7A;
	s5 =	simm.s32 @!p2 $0x0  }
0x1d: {  	s5 =	simm.s32 @p1 $0x1;
	p0 =	seq.s32 s7, s2  }
0x1e: {  	s7 =	smul.u32 @!p0 $0xF7A, s2;
	p2 =	seq.s32 @!p0 s5, $0x0  }
0x1f: {  	s9 =	smul.u32 $0xF7A, s1;
	s8 =	simm.s32 @!p0 $0x1BF5;
	p2 =	por !p2, p0  }
0x20: {  	[sflag:s8] =	ssyncset.s32 @!p0 $0xFFFFF086;
	s6 =	sadd.s32 @!p0 s3, s7;
	s7 =	simm.s32 @!p0 $0x108  }
0x21: {  	s3 =	sadd.s32 s3, s9;
	s6 =	sadd.s32 @!p0 $0x88, s6;
	s7 =	simm.s32 @p2 $0x1082  }
0x22: {  	[simem:s7], [sflag:s8] =	dma.local @!p0 [hbm:s6], $0xF7A  }
0x23: {  	s9 =	sor.u32 $0xD0000000, s2;
	s6 =	simm.s32 $0x108;
	_ =	swait.ge @!p0 [sflag:s8], $0x0  }
0x24: {  	s3 =	sadd.s32 $0x88, s3;
	s6 =	simm.s32 @!p1 $0x1082;
	[sflag:s4] =	ssyncset.s32 $0xFFFFF086  }
0x25: {  	[simem:s6], [sflag:s4] =	dma.local [hbm:s3], $0xF7A  }
0x26: {  	[smem:$0x3F9A] =	sst s1;
	(tag) =	ssettag s2;
	_ =	strace s9  }
0x27: {  	s1 =	sld [smem:$0x3FAA]  }
0x28: {  	s2 =	sld [smem:$0x3FAB]  }
0x29: {  	s4 =	sld [smem:$0x3FAD]  }
0x2a: {  	p0 =	seq.s32 s5, $0x0;
	s5 =	sld [smem:$0x3FAE]  }
0x2b: {  	s6 =	sld [smem:$0x3FAF]  }
0x2c: {  	s7 =	sld [smem:$0x3FB0]  }
0x2d: {  	s3 =	simm.s32 $0x108;
	s8 =	sld [smem:$0x3FB1]  }
0x2e: {  	s3 =	simm.s32 @!p0 $0x1082;
	s9 =	sld [smem:$0x3FB2]  }
0x2f: {  	lr =	sadd.s32 s0, s3;
	s0 =	sld [smem:$0x3FA9]  }
0x30: {  	s3 =	sld [smem:$0x3FAC]  }
0x31: {  	[smem:$0x3FB5] =	sst s10  }
0x32: {  	s10 =	sld [smem:$0x3FB3];
	_ =	sdelay $0x3  }
0x33: {  	p0 =	seq.s32 s10, $0x1;
	s10 =	sld [smem:$0x3FB5];
	_ =	sdelay $0x3  }
0x34: {  	[smem:$0x3FB5] =	sst s10  }
0x35: {  	s10 =	sld [smem:$0x3FB4];
	_ =	sdelay $0x3  }
0x36: {  	p1 =	seq.s32 s10, $0x1;
	s10 =	sld [smem:$0x3FB5];
	_ =	sdelay $0x3  }
0x37: {  	[smem:$0x3FB5] =	sst s10  }
0x38: {  	s10 =	sld [smem:$0x3FB6]  }
0x39: {  	_ = 	snop;
	(pc) =	sbr.ind lr, $3  }
0x3a: {  	_ = 	snop  }
0x3b: {  	_ = 	snop  }
0x3c: {  	p2 =	seq.s32 s10, $0x1;
	s10 =	sld [smem:$0x3FB5]  }
0x3d: {  	_ =	shalt  }
0x3e: {  	_ =	shalt  }
0x3f: {  	_ =	shalt  }
0x40: {  	_ =	shalt  }
0x41: {  	_ =	shalt  }
0x42: {  	_ =	shalt  }
0x43: {  	_ =	shalt  }
0x44: {  	_ =	shalt  }
0x45: {  	_ =	shalt  }
0x46: {  	_ =	shalt  }
0x47: {  	_ =	shalt  }
0x48: {  	_ =	shalt  }
0x49: {  	_ =	shalt  }
0x4a: {  	_ =	shalt  }
0x4b: {  	_ =	shalt  }
0x4c: {  	_ =	shalt  }
0x4d: {  	_ =	shalt  }
0x4e: {  	_ =	shalt  }
0x4f: {  	_ =	shalt  }
0x50: {  	_ =	shalt  }
0x51: {  	_ =	shalt  }
0x52: {  	_ =	shalt  }
0x53: {  	_ =	shalt  }
0x54: {  	_ =	shalt  }
0x55: {  	_ =	shalt  }
0x56: {  	_ =	shalt  }
0x57: {  	_ =	shalt  }
0x58: {  	_ =	shalt  }
0x59: {  	_ =	shalt  }
0x5a: {  	_ =	shalt  }
0x5b: {  	_ =	shalt  }
0x5c: {  	_ =	shalt  }
0x5d: {  	_ =	shalt  }
0x5e: {  	_ =	shalt  }
0x5f: {  	_ =	shalt  }
0x60: {  	_ =	shalt  }
0x61: {  	_ =	shalt  }
0x62: {  	_ =	shalt  }
0x63: {  	_ =	shalt  }
0x64: {  	_ =	shalt  }
0x65: {  	_ =	shalt  }
0x66: {  	_ =	shalt  }
0x67: {  	_ =	shalt  }
0x68: {  	_ =	shalt  }
0x69: {  	_ =	shalt  }
0x6a: {  	_ =	shalt  }
0x6b: {  	_ =	shalt  }
0x6c: {  	_ =	shalt  }
0x6d: {  	_ =	shalt  }
0x6e: {  	_ =	shalt  }
0x6f: {  	_ =	shalt  }
0x70: {  	_ =	shalt  }
0x71: {  	_ =	shalt  }
0x72: {  	_ =	shalt  }
0x73: {  	_ =	shalt  }
0x74: {  	_ =	shalt  }
0x75: {  	_ =	shalt  }
0x76: {  	_ =	shalt  }
0x77: {  	_ =	shalt  }
0x78: {  	_ =	shalt  }
0x79: {  	_ =	shalt  }
0x7a: {  	_ =	shalt  }
0x7b: {  	_ =	shalt  }
0x7c: {  	_ =	shalt  }
0x7d: {  	_ =	shalt  }
0x7e: {  	_ =	shalt  }
0x7f: {  	_ =	shalt  }
0x80: {  	_ =	shalt  }
0x81: {  	_ =	shalt  }
0x82: {  	_ =	shalt  }
0x83: {  	_ =	shalt  }
0x84: {  	_ =	shalt  }
0x85: {  	_ =	shalt  }
0x86: {  	_ =	shalt  }
0x87: {  	_ =	shalt  }
.Lfunc_end0:
.L_simem_size_0:
called_computation_lowered:
.L_overlay_start_0:
0x88: {  	s2 =	sld [smem:$0x3FD9]  }
0x89: {  	s3 =	sld [smem:$0x3FFE];
	_ =	sdelay $0x1  }
0x8a: {  	s1 =	srdreg.scid  }
0x8b: {  	s0 =	sand.u32 $0x1, s1  }
0x8c: {  	s17 =	sshll.u32 s0, $0xA;
	s2 =	sadd.s32 s3, s2  }
0x8d: {  	s2 =	sadd.s32 s2, s17  }
0x8e: {  	[smem:$0x3FC1] =	sst s2  }
0x8f: {  	_ = 	snop  }
0x90: {  	s2 =	sld [smem:$0x3FC9]  }
0x91: {  	s18 =	sld [smem:$0x3FC8]  }
0x92: {  	s4 =	sld [smem:$0x3FD0];
	(tm) =	ssettm $0x1  }
0x93: {  	s5 =	sld [smem:$0x3FFB];
	_ =	sdelay $0x3  }
0x94: {  	_ =	strace s5  }
0x95: {  	s5 =	sld [smem:$0x3FFC];
	_ =	sdelay $0x3  }
0x96: {  	_ =	strace s5  }
0x97: {  	s5 =	sld [smem:$0x3FFD];
	_ =	sdelay $0x3  }
0x98: {  	_ =	strace s5  }
0x99: {  	_ =	strace $0x8FFFFFFF  }
0x9a: {  	s19 =	sld [smem:$0x3FDB];
	_ =	sdelay $0x1  }
0x9b: {  	s6 =	simm.s32 $_scs_section_size  }
0x9c: {  	s7 =	simm.s32 $_size__tile_overlayer_lowered;
	s8 =	simm.s32 $_tile_overlayer_lowered  }
0x9d: {  	s22 =	simm.s32 $0x1BFF;
	s21 =	sshll.u32 s8, $0x1;
	s5 =	sadd.s32 s6, s19  }
0x9e: {  	s9 =	simm.s32 $0x0;
	s20 =	sshll.u32 s7, $0x1;
	s7 =	sadd.s32 s21, s5  }
0x9f: {  	[timem:s9], [sflag:s22] =	dma.local [hbm:s7], s20  }
0xa0: {  	_ =	swait.ge [sflag:s22], s20  }
0xa1: {  	s6 =	ssub.s32 $0x0, s20;
	[sflag:s22] =	ssyncset.done $0x0  }
0xa2: {  	[sflag:s22] =	ssyncadd.s32 s6;
	_ =	sdelay $0x1  }
0xa3: {  	s23 =	simm.s32 $0x1B8B  }
0xa4: {  	_ =	swait.ge [sflag:s23], $0x1  }
0xa5: {  	[sflag:s23] =	ssyncset.done $0x0  }
0xa6: {  	s25 =	simm.s32 $0x1B8E;
	s24 =	sld [smem:$0x3FFE];
	[sflag:s23] =	ssyncadd.s32 $0xFFFFFFFF  }
0xa7: {  	s26 =	simm.s32 $execute0_lowered;
	[smem:$0x3FD2] =	sst s25  }
0xa8: {  	s7 =	sshll.u32 s26, $0x1;
	_ =	strace $0x80000046;
	[dreg:$0x1] =	wrdreg $0xFFFFFFFF  }
0xa9: {  	s28 =	simm.s32 $_size_execute0_lowered;
	s5 =	sadd.s32 s5, s7;
	[dreg:$0x0] =	wrdreg $0x0  }
0xaa: {  	s7 =	sshll.u32 s28, $0x1;
	[dreg:$0x2] =	wrdreg s5  }
0xab: {  	[dreg:$0x3] =	wrdreg s7  }
0xac: {  	[dreg:$0x4] =	wrdreg $0xC0  }
0xad: {  	_ =	task [dreg:s9], $0x5FFFF  }
0xae: {  	[dreg:$0x1] =	wrdreg $0xFFFFFFFF  }
0xaf: {  	[dreg:$0x0] =	wrdreg $0x60  }
0xb0: {  	[dreg:$0x2] =	wrdreg s2  }
0xb1: {  	[dreg:$0x3] =	wrdreg s18  }
0xb2: {  	[dreg:$0x4] =	wrdreg s24  }
0xb3: {  	[dreg:$0x5] =	wrdreg s4  }
0xb4: {  	[dreg:$0x6] =	wrdreg $0x9  }
0xb5: {  	_ =	task.clear_ibuf [dreg:s9], $0x7FFFF;
	_ =	strace $0x90000046  }
0xb6: {  	s29 =	simm.s32 $0x9;
	_ =	strace $0x80000048  }
0xb7: {  	_ =	swait.ge [sflag:s29], $0x1  }
0xb8: {  	[sflag:s29] =	ssyncadd.s32 $0xFFFFFFFF  }
0xb9: {  	_ =	strace $0x90000048  }
0xba: {  	_ =	sfence  }
0xbb: {  	s30 =	sld [smem:$0x0];
	_ =	sdelay $0x2  }
0xbc: {  	s31 =	sshll.u32 s1, $0xD;
	s1 =	sshrl.u32 s1, $0x2  }
0xbd: {  	s3 =	sand.u32 $0x4000, s31;
	s1 =	sadd.s32 s1, s30  }
0xbe: {  	s0 =	sor.u32 s3, s0;
	s1 =	sshll.u32 s1, $0x11  }
0xbf: {  	s0 =	sor.u32 s1, s0  }
0xc0: {  	s0 =	sadd.s32 $0x8F2B, s0  }
0xc1: {  	[sflag:s0] =	ssyncadd.remote.s32 $0x1  }
0xc2: {  	_ =	sfence.sel $0xFFFF  }
0xc3: {  	[dreg:$0x0] =	wrdreg $0xFFFFFFFF;
	(pc) =	sbr.abs _section_cstart, $3  }
0xc4: {  	[dreg:$0x1] =	wrdreg $0xFFFFFFFF  }
0xc5: {  	_ =	task.clear_ibuf [dreg:s9], $0x2FFFF;
	_ =	strace $0x9FFFFFFF  }
0xc6: {  	(tm) =	ssettm $0x7FFFFFFF  }
0xc7: {  	_ =	shalt  }
tec
execute0_lowered:
.L_overlay_start_1:
0x0: {  	(tag) =	ssettag $0x1  }
0x1: {  	s0 =	rddreg [dreg:$0x0]  }
0x2: {  	v0 =	vimm.s32 $0xEFCDAB89;
	s1 =	rddreg [dreg:$0x1];
	v1 =	vimm.s32 $0x67452301;
	v2 =	vimm.s32 $0xDCFE98BA  }
0x3: {  	s2 =	srdreg.scid;
	s5 =	rddreg [dreg:$0x2];
	v3 =	vimm.s32 $0x54761032;
	v4 =	vimm.s32 $0xBA98FEDC;
	v5 =	vimm.s32 $0x32107654  }
0x4: {  	s3 =	stileid.u32;
	s9 =	rddreg [dreg:$0x3];
	v6 =	vimm.s32 $0xFEDCBA98;
	v7 =	vimm.s32 $0x76543210;
	s12 =	simm.s32 $0x200  }
0x5: {  	s15 =	simm.s32 $0x80;
	s16 =	simm.s32 $0x400;
	s17 =	simm.s32 $0x4400;
	vm0 =	vmmov $0x1;
	vm1 =	vmmov $0x3;
	vm2 =	vmmov $0x7  }
0x6: {  	s18 =	simm.s32 $0x1400;
	s19 =	simm.s32 $0x280;
	s20 =	simm.s32 $0x5400;
	vm3 =	vmmov $0xf;
	vm4 =	vmmov $0x1f;
	vm5 =	vmmov $0x3f  }
0x7: {  	s21 =	simm.s32 $0x100;
	s22 =	simm.s32 $0x2400;
	s23 =	simm.s32 $0x300;
	vm6 =	vmmov $0x7f;
	vm7 =	vmmov $0xff;
	vm8 =	vmmov $0x1ff  }
0x8: {  	s24 =	simm.s32 $0x6400;
	s25 =	simm.s32 $0x180;
	vm9 =	vmmov $0x3ff;
	vm10 =	vmmov $0x7ff;
	vm11 =	vmmov $0xfff;
	s26 =	simm.s32 $0x3400  }
0x9: {  	s28 =	simm.s32 $0x380;
	s29 =	simm.s32 $0x7400;
	vm12 =	vmmov $0x1fff;
	s30 =	simm.s32 $0x1;
	v0 =	vunpack.c.l.s4.s8 v0;
	v1 =	vunpack.c.l.s4.s8 v1  }
0xa: {  	s31 =	simm.s32 $0xC450;
	s6 =	sand.u32 $0x1, s2;
	v2 =	vunpack.c.l.s4.s8 v2;
	s2 =	simm.s32 $0x0;
	v3 =	vunpack.c.l.s4.s8 v3;
	v4 =	vunpack.c.l.s4.s8 v4  }
0xb: {  	s3 =	sshll.u32 s3, $0xA;
	v5 =	vunpack.c.l.s4.s8 v5;
	v6 =	vunpack.c.l.s4.s8 v6;
	v7 =	vunpack.c.l.s4.s8 v7;
	s4 =	sshll.u32 s6, $0x9;
	[smem:$0x7FF] =	sst s2  }
0xc: {  	s6 =	ssub.s32 $0x2, s6;
	v0 =	vunpack.c.0.s8.s32 v0;
	s7 =	sor.u32 s4, s3;
	v1 =	vunpack.c.0.s8.s32 v1;
	v2 =	vunpack.c.0.s8.s32 v2;
	_ =	strace $0x80000047  }
0xd: {  	s4 =	sadd.s32 $0x187600, s5;
	v3 =	vunpack.c.0.s8.s32 v3;
	s10 =	sshrl.u32 s6, $0x1;
	v4 =	vunpack.c.0.s8.s32 v4;
	v5 =	vunpack.c.0.s8.s32 v5;
	s3 =	sshll.u32 s7, $0x2  }
0xe: {  	vm13 =	vmmov $0x3fff;
	s11 =	sshrl.u32 s7, $0x3;
	s10 =	ssub.s32 s6, s10;
	s8 =	sadd.s32 s3, s5;
	v0 =	vcombine.low v1, v0;
	v1 =	vunpack.c.0.s8.s32 v6  }
0xf: {  	s3 =	sadd.s32 $0xF43000, s5;
	s5 =	sadd.s32 $0x10A00, s5;
	s6 =	sadd.s32 s0, s11;
	v2 =	vcombine.low v3, v2;
	v3 =	vcombine.low v5, v4;
	v4 =	vunpack.c.0.s8.s32 v7  }
0x10: {  	vm14 =	vmmov $0x7fff;
	s7 =	sadd.s32 s1, s11;
	s9 =	sadd.s32 s9, s11;
	s10 =	smax.u32 s10, $0x1;
	v0 =	vand.u32 $0xF, v0;
	v5 =	vand.u32 $0xF, v1  }
0x11: {  	s11 =	simm.s32 $0x2;
	s1 =	simm.s32 $0x0;
	s8 =	sadd.s32 $0xA00, s8;
	v1 =	vand.u32 $0xF, v2;
	v2 =	vand.u32 $0xF, v3;
	v3 =	vcombine.low v5, v4  }
.LBB2_1:
0x12: {  	[tilespmem:s2], [sflag:$0x2] =	stream.linear.gather [hbm4b:s6+s2], $0x200, $0x38;
	[tilespmem:$0xC650] =	vst v63  }
0x13: {  	_ =	swait.ge [sflag:s11], $0x200  }
0x14: {  	[sflag:s11] =	ssyncset.done $0x0  }
0x15: {  	[sflag:s11] =	ssyncadd.s32 $0xFFFFFE00  }
0x16: {  	[tilespmem:s12], [sflag:$0x2] =	stream.linear.gather [hbm4b:s7+s2], $0x200, $0x38;
	[tilespmem:$0xC650] =	vst v63  }
0x17: {  	_ =	swait.ge [sflag:s11], $0x200  }
0x18: {  	[sflag:s11] =	ssyncset.done $0x0  }
0x19: {  	s0 =	simm.s32 $0xC400;
	[sflag:s11] =	ssyncadd.s32 $0xFFFFFE00  }
0x1a: {  	[tilespmem:s0], [sflag:$0x2] =	stream.linear.gather [hbm4b:s5+s2], $0x50, $0x38;
	[tilespmem:$0xC650] =	vst v63  }
0x1b: {  	_ =	swait.ge [sflag:s11], $0x50  }
0x1c: {  	[sflag:s11] =	ssyncset.done $0x0  }
0x1d: {  	s13 =	simm.s32 $0x8400;
	[sflag:s11] =	ssyncadd.s32 $0xFFFFFFB0  }
0x1e: {  	[tilespmem:s13], [sflag:$0x1] =	stream.linear.gather [hbm4b:s8+s2], $0x4000, $0x38;
	[tilespmem:$0xC650] =	vst v63  }
0x1f: {  	_ = 	snop  }
0x20: {  	[tilespmem:s16], [sflag:$0x1] =	stream.indirect.gather [hbm4b:s3+s15], $0x20, s2, s15, $0xb8;
	[tilespmem:$0xC650] =	vst v63  }
0x21: {  	_ = 	snop  }
0x22: {  	[tilespmem:s17], [sflag:$0x1] =	stream.indirect.gather [hbm4b:s4+s15], $0x20, s12, s15, $0xb8;
	[tilespmem:$0xC650] =	vst v63  }
0x23: {  	_ = 	snop  }
0x24: {  	[tilespmem:s18], [sflag:$0x1] =	stream.indirect.gather [hbm4b:s3+s15], $0x20, s15, s15, $0xb8;
	[tilespmem:$0xC650] =	vst v63  }
0x25: {  	_ = 	snop  }
0x26: {  	[tilespmem:s20], [sflag:$0x1] =	stream.indirect.gather [hbm4b:s4+s15], $0x20, s19, s15, $0xb8;
	[tilespmem:$0xC650] =	vst v63  }
0x27: {  	_ = 	snop  }
0x28: {  	[tilespmem:s22], [sflag:$0x1] =	stream.indirect.gather [hbm4b:s3+s15], $0x20, s21, s15, $0xb8;
	[tilespmem:$0xC650] =	vst v63  }
0x29: {  	_ = 	snop  }
0x2a: {  	[tilespmem:s24], [sflag:$0x1] =	stream.indirect.gather [hbm4b:s4+s15], $0x20, s23, s15, $0xb8;
	[tilespmem:$0xC650] =	vst v63  }
0x2b: {  	_ = 	snop  }
0x2c: {  	[tilespmem:s26], [sflag:$0x1] =	stream.indirect.gather [hbm4b:s3+s15], $0x20, s25, s15, $0xb8;
	[tilespmem:$0xC650] =	vst v63  }
0x2d: {  	_ = 	snop  }
0x2e: {  	[tilespmem:s29], [sflag:$0x1] =	stream.indirect.gather [hbm4b:s4+s15], $0x20, s28, s15, $0xb8;
	[tilespmem:$0xC650] =	vst v63  }
0x2f: {  	_ =	swait.ge [sflag:s30], $0x4000  }
0x30: {  	[sflag:s30] =	ssyncset.done $0x0  }
0x31: {  	[sflag:s30] =	ssyncadd.s32 $0xFFFFC000  }
0x32: {  	_ =	swait.ge [sflag:s30], $0x1000  }
0x33: {  	[sflag:s30] =	ssyncset.done $0x0  }
0x34: {  	[sflag:s30] =	ssyncadd.s32 $0xFFFFF000  }
0x35: {  	_ =	swait.ge [sflag:s30], $0x1000  }
0x36: {  	[sflag:s30] =	ssyncset.done $0x0  }
0x37: {  	[sflag:s30] =	ssyncadd.s32 $0xFFFFF000  }
0x38: {  	_ =	swait.ge [sflag:s30], $0x1000  }
0x39: {  	[sflag:s30] =	ssyncset.done $0x0  }
0x3a: {  	[sflag:s30] =	ssyncadd.s32 $0xFFFFF000  }
0x3b: {  	_ =	swait.ge [sflag:s30], $0x1000  }
0x3c: {  	[sflag:s30] =	ssyncset.done $0x0  }
0x3d: {  	[sflag:s30] =	ssyncadd.s32 $0xFFFFF000  }
0x3e: {  	_ =	swait.ge [sflag:s30], $0x1000  }
0x3f: {  	[sflag:s30] =	ssyncset.done $0x0  }
0x40: {  	[sflag:s30] =	ssyncadd.s32 $0xFFFFF000  }
0x41: {  	_ =	swait.ge [sflag:s30], $0x1000  }
0x42: {  	[sflag:s30] =	ssyncset.done $0x0  }
0x43: {  	[sflag:s30] =	ssyncadd.s32 $0xFFFFF000  }
0x44: {  	_ =	swait.ge [sflag:s30], $0x1000  }
0x45: {  	[sflag:s30] =	ssyncset.done $0x0  }
0x46: {  	[sflag:s30] =	ssyncadd.s32 $0xFFFFF000  }
0x47: {  	_ =	swait.ge [sflag:s30], $0x1000  }
0x48: {  	[sflag:s30] =	ssyncset.done $0x0  }
0x49: {  	[sflag:s30] =	ssyncadd.s32 $0xFFFFF000  }
0x4a: {  	v6 =	vld [tilespmem:$0xC400]  }
0x4b: {  	v7 =	vld [tilespmem:$0xC410]  }
0x4c: {  	v5 =	vld [tilespmem:$0xC420]  }
0x4d: {  	s14 =	simm.s32 $0x0;
	v4 =	vld [tilespmem:$0xC430]  }
0x4e: {  	v8 =	vld [tilespmem:s14+$0x85F0]  }
0x4f: {  	v9 =	vld [tilespmem:s14+$0x85D0]  }
0x50: {  	v10 =	vld [tilespmem:s14+$0x85E0]  }
0x51: {  	v11 =	vld [tilespmem:s14+$0x85B0]  }
0x52: {  	v12 =	vld [tilespmem:s14+$0x85C0]  }
0x53: {  	v13 =	vld [tilespmem:s14+$0x8590]  }
0x54: {  	v14 =	vld [tilespmem:s14+$0x85A0]  }
0x55: {  	v15 =	vld [tilespmem:s14+$0x5E0]  }
0x56: {  	v16 =	vld [tilespmem:s14+$0x45E0]  }
0x57: {  	v17 =	vld [tilespmem:s14+$0x5F0]  }
0x58: {  	v18 =	vld [tilespmem:s14+$0x45F0]  }
0x59: {  	v19 =	vld [tilespmem:s14+$0x8570]  }
0x5a: {  	v20 =	vld [tilespmem:s14+$0x8580]  }
0x5b: {  	v21 =	vld [tilespmem:s14+$0x5C0]  }
0x5c: {  	v22 =	vld [tilespmem:s14+$0x45C0]  }
0x5d: {  	v23 =	vld [tilespmem:s14+$0x5D0]  }
0x5e: {  	v24 =	vld [tilespmem:s14+$0x45D0]  }
0x5f: {  	v25 =	vld [tilespmem:s14+$0x8550]  }
0x60: {  	v26 =	vld [tilespmem:s14+$0x8560]  }
0x61: {  	v27 =	vld [tilespmem:s14+$0x5A0]  }
0x62: {  	v28 =	vld [tilespmem:s14+$0x45A0]  }
0x63: {  	v29 =	vld [tilespmem:s14+$0x5B0]  }
0x64: {  	v30 =	vld [tilespmem:s14+$0x45B0]  }
0x65: {  	v31 =	vld [tilespmem:s14+$0x8530]  }
0x66: {  	v32 =	vld [tilespmem:s14+$0x8540]  }
0x67: {  	v33 =	vld [tilespmem:s14+$0x580]  }
0x68: {  	v34 =	vld [tilespmem:s14+$0x4580]  }
0x69: {  	v35 =	vld [tilespmem:s14+$0x590]  }
0x6a: {  	v36 =	vld [tilespmem:s14+$0x4590]  }
0x6b: {  	v37 =	vld [tilespmem:s14+$0x8510]  }
0x6c: {  	v38 =	vld [tilespmem:s14+$0x8520]  }
0x6d: {  	v39 =	vld [tilespmem:s14+$0x560]  }
0x6e: {  	v40 =	vld [tilespmem:s14+$0x4560]  }
0x6f: {  	v41 =	vld [tilespmem:s14+$0x570]  }
0x70: {  	v63 =	vld [tilespmem:s14+$0x4530];
	v15 =	vmul.f32 v16, v15;
	v16 =	vmul.f32 v18, v17  }
0x71: {  	v48 =	vld [tilespmem:s14+$0x84C0];
	v18 =	vmul.f32 v22, v21;
	v21 =	vmul.f32 v24, v23  }
0x72: {  	v51 =	vld [tilespmem:s14+$0x4500];
	v27 =	vmul.f32 v28, v27;
	v28 =	vmul.f32 v30, v29  }
0x73: {  	v54 =	vld [tilespmem:s14+$0x8490];
	v12 =	vmul.f32 v12, v5;
	v10 =	vmul.f32 v10, v5  }
0x74: {  	v59 =	vld [tilespmem:s14+$0x4E0];
	v9 =	vmul.f32 v9, v4;
	v14 =	vmul.f32 v14, v5  }
0x75: {  	v43 =	vld [tilespmem:s14+$0x44E0];
	v30 =	vmul.f32 v36, v35;
	v11 =	vmul.f32 v11, v4  }
0x76: {  	v45 =	vld [tilespmem:s14+$0x8480];
	v20 =	vmul.f32 v20, v5;
	v13 =	vmul.f32 v13, v4  }
0x77: {  	v55 =	vld [tilespmem:s14+$0x84A0];
	v26 =	vmul.f32 v26, v5;
	v19 =	vmul.f32 v19, v4  }
0x78: {  	v44 =	vld [tilespmem:s14+$0x4F0];
	v25 =	vmul.f32 v25, v4;
	v31 =	vmul.f32 v31, v4  }
0x79: {  	v17 =	vld [tilespmem:s14+$0x4570];
	v61 =	vmul.f32 v37, v4;
	v38 =	vmul.f32 v38, v5  }
0x7a: {  	v24 =	vld [tilespmem:s14+$0x540];
	v35 =	vmul.f32 v43, v59;
	v36 =	vmul.f32 v54, v4  }
0x7b: {  	v29 =	vld [tilespmem:s14+$0x4540];
	v45 =	vmul.f32 v45, v5;
	v15 =	vmul.f32 v15, v6  }
0x7c: {  	v23 =	vld [tilespmem:s14+$0x8500];
	v16 =	vmul.f32 v16, v7;
	v18 =	vmul.f32 v18, v6  }
0x7d: {  	v22 =	vld [tilespmem:s14+$0x84F0];
	v27 =	vmul.f32 v27, v6;
	v28 =	vmul.f32 v28, v7  }
0x7e: {  	v57 =	vld [tilespmem:s14+$0x4470];
	v21 =	vmul.f32 v21, v7;
	v35 =	vmul.f32 v35, v6;
	v15 =	vadd.f32 v16, v15  }
0x7f: {  	v16 =	vld [tilespmem:s14+$0x550];
	v27 =	vadd.f32 v28, v27;
	v28 =	vmul.f32 v34, v33;
	v17 =	vmul.f32 v17, v41  }
0x80: {  	v18 =	vadd.f32 v21, v18;
	v21 =	vld [tilespmem:s14+$0x4550];
	v24 =	vmul.f32 v29, v24;
	v29 =	vmul.f32 v32, v5  }
0x81: {  	v23 =	vmul.f32 v23, v5;
	v10 =	vadd.f32 v15, v10;
	v15 =	vmul.f32 v8, v4;
	v8 =	vld [tilespmem:s14+$0x84D0]  }
0x82: {  	v22 =	vmul.f32 v22, v4;
	v41 =	vmul.f32 v55, v5;
	v12 =	vadd.f32 v18, v12;
	v18 =	vld [tilespmem:s14+$0x84E0]  }
0x83: {  	v14 =	vadd.f32 v27, v14;
	v27 =	vld [tilespmem:s14+$0x4520];
	v17 =	vmul.f32 v17, v7;
	v24 =	vmul.f32 v24, v6  }
0x84: {  	v10 =	vadd.f32 v10, v15;
	v15 =	vld [tilespmem:s14+$0x520];
	v12 =	vadd.f32 v12, v9;
	v9 =	vmul.f32 v28, v6  }
0x85: {  	v28 =	vmul.f32 v30, v7;
	v30 =	vld [tilespmem:s14+$0x530];
	v11 =	vadd.f32 v14, v11;
	v16 =	vmul.f32 v21, v16  }
0x86: {  	v46 =	vld [tilespmem:s14+$0x450];
	v14 =	vperm.xlane v12, v0;
	v62 =	vperm.xlane v10, v0  }
0x87: {  	v43 =	vld [tilespmem:s14+$0x4B0];
	v47 =	vperm.xlane v11, v0;
	v16 =	vmul.f32 v16, v7  }
0x88: {  	v21 =	vld [tilespmem:s14+$0x44F0];
	v28 =	vadd.f32 v28, v9;
	v18 =	vmul.f32 v18, v5;
	v8 =	vmul.f32 v8, v4  }
0x89: {  	v54 =	vld [tilespmem:s14+$0x4410];
	v12 =	vadd.f32 v12, v14;
	v14 =	vadd.f32 v10, v62;
	v10 =	vmul.f32 v40, v39  }
0x8a: {  	v34 =	vld [tilespmem:s14+$0x4490];
	v11 =	vadd.f32 v11, v47;
	v15 =	vmul.f32 v27, v15;
	v27 =	vmul.f32 v63, v30  }
0x8b: {  	v9 =	vld [tilespmem:s14+$0x84B0];
	v20 =	vadd.f32 v28, v20;
	v49 =	vperm.xlane v12, v1;
	v50 =	vperm.xlane v14, v1  }
0x8c: {  	v28 =	vld [tilespmem:s14+$0x500];
	v16 =	vadd.f32 v16, v24;
	v40 =	vmul.f32 v10, v6;
	v52 =	vperm.xlane v11, v1  }
0x8d: {  	v62 =	vld [tilespmem:s14+$0x4D0];
	v13 =	vadd.f32 v20, v13;
	v21 =	vmul.f32 v21, v44;
	v15 =	vmul.f32 v15, v6  }
0x8e: {  	v30 =	vld [tilespmem:s14+$0x44C0];
	v27 =	vmul.f32 v27, v7;
	v16 =	vadd.f32 v16, v29;
	v10 =	vadd.f32 v12, v49  }
0x8f: {  	v24 =	vld [tilespmem:s14+$0x44D0];
	v12 =	vadd.f32 v14, v50;
	v17 =	vadd.f32 v17, v40;
	v53 =	vperm.xlane v13, v0  }
0x90: {  	v63 =	vld [tilespmem:s14+$0x4A0];
	v11 =	vadd.f32 v11, v52;
	v21 =	vmul.f32 v21, v7;
	v50 =	vmul.f32 v9, v4  }
0x91: {  	v20 =	vld [tilespmem:s14+$0x510];
	v28 =	vmul.f32 v51, v28;
	v15 =	vadd.f32 v27, v15;
	v16 =	vadd.f32 v16, v25  }
0x92: {  	v14 =	vld [tilespmem:s14+$0x4510];
	v40 =	vperm.xlane v12, v2;
	v17 =	vadd.f32 v17, v26;
	v13 =	vadd.f32 v13, v53  }
0x93: {  	v49 =	vld [tilespmem:s14+$0x4450];
	v26 =	vperm.xlane v10, v2;
	v42 =	vperm.xlane v11, v2;
	v21 =	vadd.f32 v21, v35  }
0x94: {  	v27 =	vld [tilespmem:s14+$0x44A0];
	v24 =	vmul.f32 v24, v62;
	v28 =	vmul.f32 v28, v6;
	v15 =	vadd.f32 v15, v38  }
0x95: {  	v25 =	vld [tilespmem:s14+$0x44B0];
	v17 =	vadd.f32 v17, v19;
	v19 =	vperm.xlane v13, v1;
	v18 =	vadd.f32 v21, v18  }
0x96: {  	v53 =	vld [tilespmem:s14+$0x410];
	v24 =	vmul.f32 v24, v7;
	v9 =	vadd.f32 v12, v40;
	v10 =	vadd.f32 v10, v26  }
0x97: {  	v35 =	vld [tilespmem:s14+$0x470];
	v11 =	vadd.f32 v11, v42;
	v14 =	vmul.f32 v14, v20;
	v15 =	vadd.f32 v15, v31  }
0x98: {  	v20 =	vld [tilespmem:s14+$0x8460];
	v31 =	vperm.xlane v16, v0;
	v60 =	vperm.xlane v17, v0;
	v13 =	vadd.f32 v13, v19  }
0x99: {  	v19 =	vld [tilespmem:s14+$0x4C0];
	v18 =	vadd.f32 v18, v22;
	v27 =	vmul.f32 v27, v63;
	v14 =	vmul.f32 v14, v7  }
0x9a: {  	v25 =	vmul.f32 v25, v43;
	v21 =	vperm.xlane v15, v0;
	v16 =	vadd.f32 v16, v31;
	v31 =	vld [tilespmem:s14+$0x460]  }
0x9b: {  	v44 =	vmul.f32 v54, v53;
	v56 =	vperm.xlane v18, v0;
	v14 =	vadd.f32 v14, v28;
	v28 =	vld [tilespmem:s14+$0x8410]  }
0x9c: {  	v17 =	vadd.f32 v17, v60;
	v32 =	vperm.xlane v13, v2;
	v15 =	vadd.f32 v15, v21;
	v21 =	vld [tilespmem:s14+$0x4460]  }
0x9d: {  	v38 =	vld [tilespmem:s14+$0x480];
	v27 =	vmul.f32 v27, v6;
	v25 =	vmul.f32 v25, v7;
	v18 =	vadd.f32 v18, v56  }
0x9e: {  	v29 =	vperm.xlane v17, v1;
	v14 =	vadd.f32 v14, v23;
	v23 =	vld [tilespmem:s14+$0x4480];
	v19 =	vmul.f32 v30, v19  }
0x9f: {  	v20 =	vmul.f32 v20, v5;
	v13 =	vadd.f32 v13, v32;
	v30 =	vld [tilespmem:s14+$0x490];
	v59 =	vperm.xlane v18, v1  }
0xa0: {  	v12 =	vld [tilespmem:s14+$0x420];
	v14 =	vadd.f32 v14, v61;
	v19 =	vmul.f32 v19, v6;
	v26 =	vmul.f32 v28, v4  }
0xa1: {  	v42 =	vld [tilespmem:s14+$0x430];
	v18 =	vadd.f32 v18, v59;
	v21 =	vmul.f32 v21, v31;
	v31 =	vmul.f32 v57, v35  }
0xa2: {  	v43 =	vld [tilespmem:s14+$0x4430];
	v22 =	vperm.xlane v14, v0;
	v19 =	vadd.f32 v24, v19;
	v24 =	vmul.f32 v48, v5  }
0xa3: {  	v17 =	vadd.f32 v17, v29;
	v28 =	vld [tilespmem:s14+$0x4420];
	v52 =	vperm.xlane v18, v2;
	v23 =	vmul.f32 v23, v38  }
0xa4: {  	v51 =	vld [tilespmem:s14+$0x4400];
	v30 =	vmul.f32 v34, v30;
	v21 =	vmul.f32 v21, v6;
	v14 =	vadd.f32 v14, v22  }
0xa5: {  	v29 =	vld [tilespmem:s14+$0x8400];
	v22 =	vperm.xlane v16, v1;
	v19 =	vadd.f32 v19, v24;
	v24 =	vperm.xlane v15, v1  }
0xa6: {  	v62 =	vld [tilespmem:s14+$0x400];
	v25 =	vadd.f32 v25, v27;
	v23 =	vmul.f32 v23, v6;
	v58 =	vperm.xlane v14, v1  }
0xa7: {  	v16 =	vadd.f32 v16, v22;
	v22 =	vld [tilespmem:s14+$0x440];
	v8 =	vadd.f32 v19, v8;
	v19 =	vperm.xlane v17, v2  }
0xa8: {  	v15 =	vadd.f32 v15, v24;
	v24 =	vld [tilespmem:s14+$0x4440];
	v12 =	vmul.f32 v28, v12;
	v28 =	vmul.f32 v43, v42  }
0xa9: {  	v25 =	vadd.f32 v25, v41;
	v60 =	vperm.xlane v16, v2;
	v47 =	vperm.xlane v8, v0  }
0xaa: {  	v48 =	vperm.xlane v15, v2;
	v17 =	vadd.f32 v17, v19;
	v19 =	vmul.f32 v29, v5  }
0xab: {  	v25 =	vadd.f32 v25, v50;
	v29 =	vmul.f32 v30, v7;
	v30 =	vmul.f32 v31, v7  }
0xac: {  	v18 =	vadd.f32 v18, v52;
	v31 =	vmul.f32 v51, v62;
	v12 =	vmul.f32 v12, v6  }
0xad: {  	v14 =	vadd.f32 v14, v58;
	v22 =	vmul.f32 v24, v22;
	v24 =	vmul.f32 v49, v46;
	v46 =	vld [tilespmem:s14+$0x8420]  }
0xae: {  	v28 =	vmul.f32 v28, v7;
	v8 =	vadd.f32 v8, v47;
	v16 =	vadd.f32 v16, v60;
	v47 =	vld [tilespmem:s14+$0x8440]  }
0xaf: {  	v15 =	vadd.f32 v15, v48;
	v27 =	vmul.f32 v31, v6;
	v31 =	vmul.f32 v44, v7;
	v48 =	vld [tilespmem:s14+$0x8430]  }
0xb0: {  	v61 =	vperm.xlane v14, v2;
	v23 =	vadd.f32 v29, v23;
	v12 =	vadd.f32 v28, v12;
	v49 =	vld [tilespmem:s14+$0x8450]  }
0xb1: {  	v51 =	vld [tilespmem:s14+$0x8470];
	v27 =	vadd.f32 v31, v27;
	v22 =	vmul.f32 v22, v6;
	v24 =	vmul.f32 v24, v7  }
0xb2: {  	v21 =	vadd.f32 v30, v21;
	v63 =	vperm.xlane v8, v1;
	v28 =	vmul.f32 v46, v5  }
0xb3: {  	v19 =	vadd.f32 v27, v19;
	v22 =	vadd.f32 v24, v22;
	v24 =	vmul.f32 v47, v5  }
0xb4: {  	v14 =	vadd.f32 v14, v61;
	v27 =	vmul.f32 v48, v4;
	v12 =	vadd.f32 v12, v28  }
0xb5: {  	v19 =	vadd.f32 v19, v26;
	v22 =	vadd.f32 v22, v24;
	v24 =	vmul.f32 v49, v4  }
0xb6: {  	v20 =	vadd.f32 v21, v20;
	v21 =	vmul.f32 v51, v4;
	v12 =	vadd.f32 v12, v27  }
0xb7: {  	v23 =	vadd.f32 v23, v45;
	v26 =	vperm.xlane v19, v0;
	v22 =	vadd.f32 v22, v24  }
0xb8: {  	v8 =	vadd.f32 v8, v63;
	v20 =	vadd.f32 v20, v21;
	v27 =	vperm.xlane v12, v0  }
0xb9: {  	v23 =	vadd.f32 v23, v36;
	v19 =	vadd.f32 v19, v26;
	v21 =	vperm.xlane v22, v0  }
0xba: {  	v24 =	vperm.xlane v8, v2;
	v26 =	vperm.xlane v20, v0;
	v12 =	vadd.f32 v12, v27  }
0xbb: {  	v28 =	vperm.xlane v19, v1;
	v21 =	vadd.f32 v22, v21;
	v22 =	vperm.xlane v23, v0  }
0xbc: {  	v20 =	vadd.f32 v20, v26;
	v27 =	vperm.xlane v25, v0;
	v29 =	vperm.xlane v12, v1  }
0xbd: {  	v19 =	vadd.f32 v19, v28;
	v26 =	vperm.xlane v21, v1;
	v22 =	vadd.f32 v23, v22  }
0xbe: {  	v23 =	vadd.f32 v25, v27;
	v25 =	vperm.xlane v20, v1;
	v12 =	vadd.f32 v12, v29  }
0xbf: {  	v28 =	vperm.xlane v19, v2;
	v21 =	vadd.f32 v21, v26;
	v26 =	vperm.xlane v22, v1  }
0xc0: {  	v27 =	vperm.xlane v23, v1;
	v20 =	vadd.f32 v20, v25;
	v29 =	vperm.xlane v12, v2  }
0xc1: {  	v19 =	vadd.f32 v19, v28;
	v25 =	vperm.xlane v21, v2;
	v22 =	vadd.f32 v22, v26  }
0xc2: {  	v23 =	vadd.f32 v23, v27;
	v26 =	vperm.xlane v20, v2;
	v12 =	vadd.f32 v12, v29  }
0xc3: {  	v28 =	vperm.xlane v19, v3;
	v21 =	vadd.f32 v21, v25;
	v25 =	vperm.xlane v22, v2  }
0xc4: {  	v27 =	vperm.xlane v23, v2;
	v20 =	vadd.f32 v20, v26;
	v29 =	vperm.xlane v12, v3  }
0xc5: {  	v19 =	vadd.f32 v19, v28;
	v26 =	vperm.xlane v21, v3;
	v22 =	vadd.f32 v22, v25  }
0xc6: {  	v23 =	vadd.f32 v23, v27;
	v25 =	vperm.xlane v20, v3;
	v12 =	vadd.f32 v12, v29  }
0xc7: {  	v8 =	vadd.f32 v8, v24;
	v21 =	vadd.f32 v21, v26;
	v26 =	vperm.xlane v22, v3  }
0xc8: {  	v12 =	vsel vm0, v19, v12;
	v19 =	vadd.f32 v20, v25;
	v20 =	vperm.xlane v23, v3  }
0xc9: {  	v12 =	vsel vm1, v12, v21;
	v21 =	vadd.f32 v22, v26;
	v22 =	vperm.xlane v8, v3  }
0xca: {  	v12 =	vsel vm2, v12, v19;
	v19 =	vadd.f32 v23, v20;
	v20 =	vperm.xlane v18, v3  }
0xcb: {  	v12 =	vsel vm3, v12, v21;
	v8 =	vadd.f32 v8, v22;
	v21 =	vperm.xlane v14, v3  }
0xcc: {  	v12 =	vsel vm4, v12, v19;
	v18 =	vadd.f32 v18, v20;
	v19 =	vperm.xlane v15, v3  }
0xcd: {  	v8 =	vsel vm5, v12, v8;
	v12 =	vadd.f32 v14, v21;
	v14 =	vperm.xlane v16, v3  }
0xce: {  	v8 =	vsel vm6, v8, v18;
	v15 =	vadd.f32 v15, v19;
	v18 =	vperm.xlane v17, v3  }
0xcf: {  	v8 =	vsel vm7, v8, v12;
	v12 =	vadd.f32 v16, v14;
	v14 =	vperm.xlane v13, v3  }
0xd0: {  	v16 =	vperm.xlane v11, v3;
	v8 =	vsel vm8, v8, v15;
	v15 =	vadd.f32 v17, v18  }
0xd1: {  	v12 =	vsel vm9, v8, v12;
	v13 =	vadd.f32 v13, v14;
	v14 =	vperm.xlane v10, v3  }
0xd2: {  	v8 =	vld [tilespmem:$0xC440];
	v11 =	vadd.f32 v11, v16;
	v12 =	vsel vm10, v12, v15;
	v15 =	vperm.xlane v9, v3  }
0xd3: {  	v12 =	vsel vm11, v12, v13;
	v10 =	vadd.f32 v10, v14  }
0xd4: {  	v11 =	vsel vm12, v12, v11;
	v9 =	vadd.f32 v9, v15  }
0xd5: {  	v10 =	vsel vm13, v11, v10  }
0xd6: {  	v9 =	vsel vm14, v10, v9  }
0xd7: {  	v9 =	vadd.f32 v9, v8;
	_ =	sdelay $0x1  }
0xd8: {  	s13 =	simm.s32 $0x200;
	[tilespmem:s31+$0x0] =	vst v9  }
0xd9: {  	v9 =	vld [tilespmem:s13+$0x85F0]  }
0xda: {  	v10 =	vld [tilespmem:s13+$0x85D0]  }
0xdb: {  	v11 =	vld [tilespmem:s13+$0x85E0]  }
0xdc: {  	v12 =	vld [tilespmem:s13+$0x85B0]  }
0xdd: {  	v13 =	vld [tilespmem:s13+$0x85C0]  }
0xde: {  	v14 =	vld [tilespmem:s13+$0x8590]  }
0xdf: {  	v15 =	vld [tilespmem:s13+$0x85A0]  }
0xe0: {  	v16 =	vld [tilespmem:s13+$0x5E0]  }
0xe1: {  	v17 =	vld [tilespmem:s13+$0x45E0]  }
0xe2: {  	v18 =	vld [tilespmem:s13+$0x5F0]  }
0xe3: {  	v19 =	vld [tilespmem:s13+$0x45F0]  }
0xe4: {  	v20 =	vld [tilespmem:s13+$0x8570]  }
0xe5: {  	v21 =	vld [tilespmem:s13+$0x8580]  }
0xe6: {  	v22 =	vld [tilespmem:s13+$0x5C0]  }
0xe7: {  	v23 =	vld [tilespmem:s13+$0x45C0]  }
0xe8: {  	v24 =	vld [tilespmem:s13+$0x5D0]  }
0xe9: {  	v25 =	vld [tilespmem:s13+$0x45D0]  }
0xea: {  	v26 =	vld [tilespmem:s13+$0x8550]  }
0xeb: {  	v27 =	vld [tilespmem:s13+$0x8560]  }
0xec: {  	v28 =	vld [tilespmem:s13+$0x5A0]  }
0xed: {  	v29 =	vld [tilespmem:s13+$0x45A0]  }
0xee: {  	v30 =	vld [tilespmem:s13+$0x5B0]  }
0xef: {  	v31 =	vld [tilespmem:s13+$0x45B0]  }
0xf0: {  	v32 =	vld [tilespmem:s13+$0x8530]  }
0xf1: {  	v33 =	vld [tilespmem:s13+$0x8540]  }
0xf2: {  	v52 =	vld [tilespmem:s13+$0x580]  }
0xf3: {  	v53 =	vld [tilespmem:s13+$0x4580]  }
0xf4: {  	v54 =	vld [tilespmem:s13+$0x590]  }
0xf5: {  	v55 =	vld [tilespmem:s13+$0x4590]  }
0xf6: {  	v38 =	vld [tilespmem:s13+$0x8510]  }
0xf7: {  	v39 =	vld [tilespmem:s13+$0x8520]  }
0xf8: {  	v56 =	vld [tilespmem:s13+$0x560]  }
0xf9: {  	v57 =	vld [tilespmem:s13+$0x4560]  }
0xfa: {  	v58 =	vld [tilespmem:s13+$0x570]  }
0xfb: {  	v34 =	vld [tilespmem:s13+$0x520];
	v16 =	vmul.f32 v17, v16;
	v17 =	vmul.f32 v19, v18  }
0xfc: {  	v36 =	vld [tilespmem:s13+$0x4530];
	v19 =	vmul.f32 v23, v22;
	v22 =	vmul.f32 v25, v24  }
0xfd: {  	v62 =	vld [tilespmem:s13+$0x4500];
	v28 =	vmul.f32 v29, v28;
	v29 =	vmul.f32 v31, v30  }
0xfe: {  	v46 =	vld [tilespmem:s13+$0x8490];
	v13 =	vmul.f32 v13, v5;
	v11 =	vmul.f32 v11, v5  }
0xff: {  	v41 =	vld [tilespmem:s13+$0x84A0];
	v10 =	vmul.f32 v10, v4;
	v15 =	vmul.f32 v15, v5  }
0x100: {  	v43 =	vld [tilespmem:s13+$0x44E0];
	v31 =	vmul.f32 v55, v54;
	v12 =	vmul.f32 v12, v4  }
0x101: {  	v44 =	vld [tilespmem:s13+$0x4F0];
	v21 =	vmul.f32 v21, v5;
	v14 =	vmul.f32 v14, v4  }
0x102: {  	v49 =	vld [tilespmem:s13+$0x8480];
	v60 =	vmul.f32 v57, v56;
	v27 =	vmul.f32 v27, v5  }
0x103: {  	v18 =	vld [tilespmem:s13+$0x4570];
	v16 =	vmul.f32 v16, v6;
	v17 =	vmul.f32 v17, v7  }
0x104: {  	v23 =	vld [tilespmem:s13+$0x84F0];
	v20 =	vmul.f32 v20, v4;
	v26 =	vmul.f32 v26, v4  }
0x105: {  	v25 =	vld [tilespmem:s13+$0x540];
	v32 =	vmul.f32 v32, v4;
	v19 =	vmul.f32 v19, v6;
	v16 =	vadd.f32 v17, v16  }
0x106: {  	v30 =	vld [tilespmem:s13+$0x4540];
	v28 =	vmul.f32 v28, v6;
	v29 =	vmul.f32 v29, v7  }
0x107: {  	v24 =	vld [tilespmem:s13+$0x8500];
	v22 =	vmul.f32 v22, v7;
	v11 =	vadd.f32 v16, v11;
	v16 =	vmul.f32 v9, v4  }
0x108: {  	v47 =	vmul.f32 v38, v4;
	v17 =	vld [tilespmem:s13+$0x550];
	v28 =	vadd.f32 v29, v28;
	v29 =	vmul.f32 v53, v52  }
0x109: {  	v35 =	vmul.f32 v60, v6;
	v19 =	vadd.f32 v22, v19;
	v22 =	vld [tilespmem:s13+$0x4550];
	v16 =	vadd.f32 v11, v16  }
0x10a: {  	v51 =	vld [tilespmem:s13+$0x8460];
	v11 =	vadd.f32 v28, v15;
	v15 =	vmul.f32 v29, v6;
	v28 =	vmul.f32 v31, v7  }
0x10b: {  	v50 =	vld [tilespmem:s13+$0x4A0];
	v18 =	vmul.f32 v18, v58;
	v25 =	vmul.f32 v30, v25;
	v13 =	vadd.f32 v19, v13  }
0x10c: {  	v30 =	vmul.f32 v33, v5;
	v24 =	vmul.f32 v24, v5;
	v19 =	vld [tilespmem:s13+$0x84E0];
	v15 =	vadd.f32 v28, v15  }
0x10d: {  	v23 =	vmul.f32 v23, v4;
	v9 =	vld [tilespmem:s13+$0x84D0];
	v18 =	vmul.f32 v18, v7;
	v10 =	vadd.f32 v13, v10  }
0x10e: {  	v40 =	vld [tilespmem:s13+$0x4450];
	v25 =	vmul.f32 v25, v6;
	v17 =	vmul.f32 v22, v17;
	v15 =	vadd.f32 v15, v21  }
0x10f: {  	v13 =	vld [tilespmem:s13+$0x4520];
	v18 =	vadd.f32 v18, v35;
	v12 =	vadd.f32 v11, v12;
	v31 =	vperm.xlane v10, v0  }
0x110: {  	v54 =	vld [tilespmem:s13+$0x4B0];
	v59 =	vperm.xlane v16, v0;
	v17 =	vmul.f32 v17, v7;
	v14 =	vadd.f32 v15, v14  }
0x111: {  	v22 =	vld [tilespmem:s13+$0x44F0];
	v19 =	vmul.f32 v19, v5;
	v28 =	vperm.xlane v12, v0;
	v10 =	vadd.f32 v10, v31  }
0x112: {  	v29 =	vld [tilespmem:s13+$0x530];
	v18 =	vadd.f32 v18, v27;
	v9 =	vmul.f32 v9, v4;
	v37 =	vperm.xlane v14, v0  }
0x113: {  	v16 =	vadd.f32 v16, v59;
	v21 =	vld [tilespmem:s13+$0x500];
	v12 =	vadd.f32 v12, v28;
	v28 =	vperm.xlane v10, v1  }
0x114: {  	v18 =	vadd.f32 v18, v20;
	v13 =	vmul.f32 v13, v34;
	v15 =	vld [tilespmem:s13+$0x510];
	v14 =	vadd.f32 v14, v37  }
0x115: {  	v17 =	vadd.f32 v17, v25;
	v61 =	vperm.xlane v16, v1;
	v10 =	vadd.f32 v10, v28;
	v28 =	vld [tilespmem:s13+$0x4510]  }
0x116: {  	v60 =	vld [tilespmem:s13+$0x490];
	v22 =	vmul.f32 v22, v44;
	v20 =	vperm.xlane v14, v1  }
0x117: {  	v27 =	vld [tilespmem:s13+$0x4E0];
	v45 =	vperm.xlane v18, v0;
	v13 =	vmul.f32 v13, v6;
	v17 =	vadd.f32 v17, v30  }
0x118: {  	v52 =	vld [tilespmem:s13+$0x44A0];
	v63 =	vperm.xlane v12, v1;
	v56 =	vadd.f32 v14, v20;
	v20 =	vmul.f32 v36, v29  }
0x119: {  	v25 =	vld [tilespmem:s13+$0x44D0];
	v16 =	vadd.f32 v16, v61;
	v22 =	vmul.f32 v22, v7;
	v21 =	vmul.f32 v62, v21  }
0x11a: {  	v12 =	vadd.f32 v12, v63;
	v63 =	vld [tilespmem:s13+$0x4D0];
	v15 =	vmul.f32 v28, v15;
	v20 =	vmul.f32 v20, v7  }
0x11b: {  	v18 =	vadd.f32 v18, v45;
	v48 =	vperm.xlane v16, v2;
	v21 =	vmul.f32 v21, v6;
	v14 =	vld [tilespmem:s13+$0x4C0]  }
0x11c: {  	v29 =	vld [tilespmem:s13+$0x44C0];
	v15 =	vmul.f32 v15, v7;
	v13 =	vadd.f32 v20, v13;
	v20 =	vmul.f32 v43, v27  }
0x11d: {  	v58 =	vld [tilespmem:s13+$0x8410];
	v17 =	vadd.f32 v17, v26;
	v53 =	vperm.xlane v10, v2;
	v28 =	vmul.f32 v39, v5  }
0x11e: {  	v33 =	vld [tilespmem:s13+$0x4440];
	v30 =	vperm.xlane v18, v1;
	v15 =	vadd.f32 v15, v21;
	v20 =	vmul.f32 v20, v6  }
0x11f: {  	v11 =	vld [tilespmem:s13+$0x84B0];
	v55 =	vperm.xlane v12, v2;
	v57 =	vperm.xlane v56, v2;
	v13 =	vadd.f32 v13, v28  }
0x120: {  	v31 =	vld [tilespmem:s13+$0x84C0];
	v21 =	vmul.f32 v25, v63;
	v15 =	vadd.f32 v15, v24;
	v20 =	vadd.f32 v22, v20  }
0x121: {  	v59 =	vld [tilespmem:s13+$0x480];
	v27 =	vperm.xlane v17, v0;
	v14 =	vmul.f32 v29, v14;
	v13 =	vadd.f32 v13, v32  }
0x122: {  	v61 =	vld [tilespmem:s13+$0x4490];
	v28 =	vmul.f32 v21, v7;
	v15 =	vadd.f32 v15, v47;
	v19 =	vadd.f32 v20, v19  }
0x123: {  	v26 =	vld [tilespmem:s13+$0x44B0];
	v17 =	vadd.f32 v17, v27;
	v14 =	vmul.f32 v14, v6;
	v22 =	vperm.xlane v13, v0  }
0x124: {  	v45 =	vld [tilespmem:s13+$0x4400];
	v20 =	vadd.f32 v18, v30;
	v18 =	vadd.f32 v19, v23;
	v19 =	vperm.xlane v15, v0  }
0x125: {  	v37 =	vld [tilespmem:s13+$0x450];
	v14 =	vadd.f32 v28, v14;
	v23 =	vmul.f32 v31, v5;
	v13 =	vadd.f32 v13, v22  }
0x126: {  	v36 =	vld [tilespmem:s13+$0x4470];
	v28 =	vmul.f32 v41, v5;
	v22 =	vperm.xlane v18, v0;
	v15 =	vadd.f32 v15, v19  }
0x127: {  	v25 =	vld [tilespmem:s13+$0x460];
	v19 =	vperm.xlane v17, v1;
	v14 =	vadd.f32 v14, v23;
	v23 =	vperm.xlane v13, v1  }
0x128: {  	v24 =	vld [tilespmem:s13+$0x4480];
	v39 =	vperm.xlane v20, v2;
	v18 =	vadd.f32 v18, v22;
	v22 =	vperm.xlane v15, v1  }
0x129: {  	v29 =	vld [tilespmem:s13+$0x440];
	v31 =	vadd.f32 v17, v19;
	v32 =	vadd.f32 v13, v23;
	v13 =	vmul.f32 v11, v4  }
0x12a: {  	v21 =	vld [tilespmem:s13+$0x8400];
	v9 =	vadd.f32 v14, v9;
	v11 =	vmul.f32 v52, v50;
	v17 =	vmul.f32 v26, v54  }
0x12b: {  	v27 =	vld [tilespmem:s13+$0x4460];
	v14 =	vperm.xlane v18, v1;
	v42 =	vperm.xlane v31, v2  }
0x12c: {  	v47 =	vld [tilespmem:s13+$0x400];
	v34 =	vadd.f32 v15, v22;
	v15 =	vperm.xlane v9, v0;
	v43 =	vperm.xlane v32, v2  }
0x12d: {  	v10 =	vadd.f32 v10, v53;
	v30 =	vld [tilespmem:s13+$0x470];
	v22 =	vmul.f32 v51, v5;
	v51 =	vmul.f32 v11, v6  }
0x12e: {  	v50 =	vld [tilespmem:s13+$0x4410];
	v53 =	vmul.f32 v17, v7;
	v17 =	vmul.f32 v61, v60;
	v38 =	vadd.f32 v18, v14  }
0x12f: {  	v52 =	vld [tilespmem:s13+$0x420];
	v44 =	vperm.xlane v34, v2;
	v14 =	vmul.f32 v46, v4;
	v35 =	vadd.f32 v9, v15  }
0x130: {  	v54 =	vld [tilespmem:s13+$0x4420];
	v15 =	vmul.f32 v49, v5;
	v9 =	vadd.f32 v16, v48;
	v16 =	vmul.f32 v24, v59  }
0x131: {  	v11 =	vadd.f32 v12, v55;
	v55 =	vld [tilespmem:s13+$0x430];
	v24 =	vmul.f32 v58, v4;
	v46 =	vperm.xlane v38, v2  }
0x132: {  	s0 =	simm.s32 $0xC450;
	s14 =	simm.s32 $0x1000;
	v12 =	vadd.f32 v56, v57;
	v49 =	vld [tilespmem:s13+$0x410];
	v41 =	vperm.xlane v35, v1;
	v48 =	vmul.f32 v16, v6  }
.LBB2_2:
0x133: {  	p0 =	sne.s32 s14, $0xF800;
	v23 =	vld [tilespmem:s13+$0x4430];
	v18 =	vmul.f32 v27, v25;
	v19 =	vmul.f32 v36, v30;
	v16 =	vadd.f32 v20, v39  }
0x134: {  	v20 =	vmul.f32 v21, v5;
	v21 =	vmul.f32 v17, v7;
	v17 =	vadd.f32 v31, v42  }
0x135: {  	v25 =	vmul.f32 v18, v6;
	v26 =	vmul.f32 v19, v7;
	v18 =	vadd.f32 v32, v43  }
0x136: {  	v27 =	vmul.f32 v33, v29;
	v29 =	vmul.f32 v40, v37;
	v19 =	vadd.f32 v34, v44  }
0x137: {  	v30 =	vmul.f32 v45, v47;
	v33 =	vadd.f32 v38, v46;
	v31 =	vmul.f32 v50, v49;
	v32 =	vld [tilespmem:s13+$0x8420]  }
0x138: {  	v37 =	vadd.f32 v53, v51;
	v34 =	vmul.f32 v54, v52;
	v23 =	vmul.f32 v23, v55;
	v36 =	vld [tilespmem:s13+$0x8440]  }
0x139: {  	v35 =	vadd.f32 v35, v41;
	v30 =	vmul.f32 v30, v6;
	v31 =	vmul.f32 v31, v7;
	v38 =	vld [tilespmem:s13+$0x8430]  }
0x13a: {  	v28 =	vadd.f32 v37, v28;
	v34 =	vmul.f32 v34, v6;
	v23 =	vmul.f32 v23, v7;
	v39 =	vld [tilespmem:s13+$0x8450]  }
0x13b: {  	v27 =	vmul.f32 v27, v6;
	v29 =	vmul.f32 v29, v7;
	v21 =	vadd.f32 v21, v48;
	v37 =	vld [tilespmem:s13+$0x8470]  }
0x13c: {  	v30 =	vadd.f32 v31, v30;
	v23 =	vadd.f32 v23, v34;
	v31 =	vmul.f32 v32, v5  }
0x13d: {  	v27 =	vadd.f32 v29, v27;
	v25 =	vadd.f32 v26, v25;
	v29 =	vmul.f32 v36, v5  }
0x13e: {  	v20 =	vadd.f32 v30, v20;
	v23 =	vadd.f32 v23, v31;
	v26 =	vmul.f32 v38, v4  }
0x13f: {  	v22 =	vadd.f32 v25, v22;
	v27 =	vadd.f32 v27, v29;
	v29 =	vmul.f32 v39, v4  }
0x140: {  	v20 =	vadd.f32 v20, v24;
	v23 =	vadd.f32 v23, v26;
	v24 =	vmul.f32 v37, v4  }
0x141: {  	v15 =	vadd.f32 v21, v15;
	v21 =	vperm.xlane v35, v2;
	v25 =	vadd.f32 v27, v29  }
0x142: {  	v26 =	vperm.xlane v20, v0;
	v27 =	vperm.xlane v23, v0;
	v22 =	vadd.f32 v22, v24  }
0x143: {  	v13 =	vadd.f32 v28, v13;
	v14 =	vadd.f32 v15, v14;
	v24 =	vperm.xlane v25, v0  }
0x144: {  	v15 =	vadd.f32 v20, v26;
	v20 =	vadd.f32 v23, v27;
	v23 =	vperm.xlane v22, v0  }
0x145: {  	v26 =	vperm.xlane v13, v0;
	v24 =	vadd.f32 v25, v24;
	v25 =	vperm.xlane v14, v0  }
0x146: {  	v27 =	vperm.xlane v15, v1;
	v28 =	vperm.xlane v20, v1;
	v22 =	vadd.f32 v22, v23  }
0x147: {  	v13 =	vadd.f32 v13, v26;
	v23 =	vperm.xlane v24, v1;
	v14 =	vadd.f32 v14, v25  }
0x148: {  	v15 =	vadd.f32 v15, v27;
	v20 =	vadd.f32 v20, v28;
	v25 =	vperm.xlane v22, v1  }
0x149: {  	v26 =	vperm.xlane v13, v1;
	v23 =	vadd.f32 v24, v23;
	v24 =	vperm.xlane v14, v1  }
0x14a: {  	v27 =	vperm.xlane v15, v2;
	v28 =	vperm.xlane v20, v2;
	v22 =	vadd.f32 v22, v25  }
0x14b: {  	v13 =	vadd.f32 v13, v26;
	v25 =	vperm.xlane v23, v2;
	v14 =	vadd.f32 v14, v24  }
0x14c: {  	v15 =	vadd.f32 v15, v27;
	v20 =	vadd.f32 v20, v28;
	v24 =	vperm.xlane v22, v2  }
0x14d: {  	v26 =	vperm.xlane v13, v2;
	v23 =	vadd.f32 v23, v25;
	v25 =	vperm.xlane v14, v2  }
0x14e: {  	v27 =	vperm.xlane v15, v3;
	v28 =	vperm.xlane v20, v3;
	v22 =	vadd.f32 v22, v24  }
0x14f: {  	v13 =	vadd.f32 v13, v26;
	v24 =	vperm.xlane v23, v3;
	v14 =	vadd.f32 v14, v25  }
0x150: {  	v15 =	vadd.f32 v15, v27;
	v20 =	vadd.f32 v20, v28;
	v25 =	vperm.xlane v22, v3  }
0x151: {  	v21 =	vadd.f32 v35, v21;
	v23 =	vadd.f32 v23, v24;
	v24 =	vperm.xlane v14, v3  }
0x152: {  	v15 =	vsel vm0, v15, v20;
	v20 =	vadd.f32 v22, v25;
	v22 =	vperm.xlane v13, v3  }
0x153: {  	v15 =	vsel vm1, v15, v23;
	v14 =	vadd.f32 v14, v24;
	v23 =	vperm.xlane v21, v3  }
0x154: {  	v15 =	vsel vm2, v15, v20;
	v13 =	vadd.f32 v13, v22;
	v20 =	vperm.xlane v33, v3  }
0x155: {  	v14 =	vsel vm3, v15, v14;
	v15 =	vadd.f32 v21, v23;
	v21 =	vperm.xlane v19, v3  }
0x156: {  	v13 =	vsel vm4, v14, v13;
	v14 =	vadd.f32 v33, v20;
	v20 =	vperm.xlane v18, v3  }
0x157: {  	v13 =	vsel vm5, v13, v15;
	v15 =	vadd.f32 v19, v21;
	v19 =	vperm.xlane v17, v3  }
0x158: {  	v13 =	vsel vm6, v13, v14;
	v14 =	vadd.f32 v18, v20;
	v18 =	vperm.xlane v16, v3  }
0x159: {  	v13 =	vsel vm7, v13, v15;
	v15 =	vadd.f32 v17, v19;
	v17 =	vperm.xlane v12, v3  }
0x15a: {  	v13 =	vsel vm8, v13, v14;
	v14 =	vadd.f32 v16, v18;
	v16 =	vperm.xlane v11, v3  }
0x15b: {  	v13 =	vsel vm9, v13, v15;
	v12 =	vadd.f32 v12, v17;
	v15 =	vperm.xlane v10, v3  }
0x15c: {  	v13 =	vsel vm10, v13, v14;
	v11 =	vadd.f32 v11, v16;
	v14 =	vperm.xlane v9, v3  }
0x15d: {  	v12 =	vsel vm11, v13, v12;
	v10 =	vadd.f32 v10, v15  }
0x15e: {  	v11 =	vsel vm12, v12, v11;
	v9 =	vadd.f32 v9, v14  }
0x15f: {  	v10 =	vsel vm13, v11, v10  }
0x160: {  	v9 =	vsel vm14, v10, v9  }
0x161: {  	v9 =	vadd.f32 v9, v8  }
0x162: {  	s0 =	sadd.s32 $0x10, s0  }
0x163: {  	s13 =	sshra.s32 s14, $0x2;
	[tilespmem:s0+$0x0] =	vst v9  }
0x164: {  	v9 =	vld [tilespmem:s13+$0x85F0]  }
0x165: {  	v10 =	vld [tilespmem:s13+$0x85D0]  }
0x166: {  	v11 =	vld [tilespmem:s13+$0x85E0]  }
0x167: {  	v16 =	vld [tilespmem:s13+$0x85B0]  }
0x168: {  	v18 =	vld [tilespmem:s13+$0x85C0]  }
0x169: {  	v19 =	vld [tilespmem:s13+$0x8590]  }
0x16a: {  	v22 =	vld [tilespmem:s13+$0x85A0]  }
0x16b: {  	v13 =	vld [tilespmem:s13+$0x5E0]  }
0x16c: {  	v15 =	vld [tilespmem:s13+$0x45E0]  }
0x16d: {  	v24 =	vld [tilespmem:s13+$0x5F0]  }
0x16e: {  	v25 =	vld [tilespmem:s13+$0x45F0]  }
0x16f: {  	v12 =	vld [tilespmem:s13+$0x8570]  }
0x170: {  	v26 =	vld [tilespmem:s13+$0x8580]  }
0x171: {  	v27 =	vld [tilespmem:s13+$0x5C0]  }
0x172: {  	v28 =	vld [tilespmem:s13+$0x45C0]  }
0x173: {  	v29 =	vld [tilespmem:s13+$0x5D0]  }
0x174: {  	v30 =	vld [tilespmem:s13+$0x45D0]  }
0x175: {  	v17 =	vld [tilespmem:s13+$0x8550]  }
0x176: {  	v31 =	vld [tilespmem:s13+$0x8560]  }
0x177: {  	v32 =	vld [tilespmem:s13+$0x5A0]  }
0x178: {  	v33 =	vld [tilespmem:s13+$0x45A0]  }
0x179: {  	v34 =	vld [tilespmem:s13+$0x5B0]  }
0x17a: {  	v35 =	vld [tilespmem:s13+$0x45B0]  }
0x17b: {  	v23 =	vld [tilespmem:s13+$0x8530]  }
0x17c: {  	v21 =	vld [tilespmem:s13+$0x8540]  }
0x17d: {  	v36 =	vld [tilespmem:s13+$0x580]  }
0x17e: {  	v37 =	vld [tilespmem:s13+$0x4580]  }
0x17f: {  	v38 =	vld [tilespmem:s13+$0x590]  }
0x180: {  	v39 =	vld [tilespmem:s13+$0x4590]  }
0x181: {  	v20 =	vld [tilespmem:s13+$0x8510]  }
0x182: {  	v14 =	vld [tilespmem:s13+$0x8520]  }
0x183: {  	v40 =	vld [tilespmem:s13+$0x560]  }
0x184: {  	v41 =	vld [tilespmem:s13+$0x4560]  }
0x185: {  	v15 =	vmul.f32 v15, v13;
	v24 =	vmul.f32 v25, v24;
	v42 =	vld [tilespmem:s13+$0x570]  }
0x186: {  	v25 =	vmul.f32 v28, v27;
	v27 =	vmul.f32 v30, v29;
	v43 =	vld [tilespmem:s13+$0x4570]  }
0x187: {  	v24 =	vmul.f32 v24, v7;
	v28 =	vmul.f32 v15, v6;
	v13 =	vld [tilespmem:s13+$0x84F0]  }
0x188: {  	v25 =	vmul.f32 v25, v6;
	v27 =	vmul.f32 v27, v7;
	v15 =	vld [tilespmem:s13+$0x8500]  }
0x189: {  	v30 =	vmul.f32 v33, v32;
	v32 =	vmul.f32 v35, v34;
	v29 =	vld [tilespmem:s13+$0x540]  }
0x18a: {  	v11 =	vmul.f32 v11, v5;
	v18 =	vmul.f32 v18, v5;
	v24 =	vadd.f32 v24, v28;
	v33 =	vld [tilespmem:s13+$0x4540]  }
0x18b: {  	v25 =	vadd.f32 v27, v25;
	v30 =	vmul.f32 v30, v6;
	v32 =	vmul.f32 v32, v7;
	v28 =	vld [tilespmem:s13+$0x550]  }
0x18c: {  	v10 =	vmul.f32 v10, v4;
	v11 =	vadd.f32 v24, v11;
	v24 =	vmul.f32 v9, v4;
	v34 =	vld [tilespmem:s13+$0x4550]  }
0x18d: {  	v22 =	vmul.f32 v22, v5;
	v18 =	vadd.f32 v25, v18;
	v27 =	vadd.f32 v32, v30;
	v9 =	vld [tilespmem:s13+$0x84D0]  }
0x18e: {  	v24 =	vadd.f32 v11, v24;
	v30 =	vmul.f32 v37, v36;
	v32 =	vmul.f32 v39, v38;
	v25 =	vld [tilespmem:s13+$0x84E0]  }
0x18f: {  	v16 =	vmul.f32 v16, v4;
	v10 =	vadd.f32 v18, v10;
	v11 =	vadd.f32 v27, v22;
	v35 =	vld [tilespmem:s13+$0x520]  }
0x190: {  	v18 =	vmul.f32 v30, v6;
	v22 =	vmul.f32 v32, v7;
	v36 =	vld [tilespmem:s13+$0x4520]  }
0x191: {  	v27 =	vperm.xlane v10, v0;
	v16 =	vadd.f32 v11, v16;
	v32 =	vperm.xlane v24, v0;
	v30 =	vld [tilespmem:s13+$0x530]  }
0x192: {  	v19 =	vmul.f32 v19, v4;
	v18 =	vadd.f32 v22, v18;
	v22 =	vmul.f32 v26, v5;
	v37 =	vld [tilespmem:s13+$0x4530]  }
0x193: {  	v10 =	vadd.f32 v10, v27;
	v26 =	vperm.xlane v16, v0;
	v24 =	vadd.f32 v24, v32;
	v11 =	vld [tilespmem:s13+$0x84B0]  }
0x194: {  	v32 =	vmul.f32 v41, v40;
	v38 =	vmul.f32 v43, v42;
	v18 =	vadd.f32 v18, v22;
	v27 =	vld [tilespmem:s13+$0x84C0]  }
0x195: {  	v26 =	vadd.f32 v16, v26;
	v16 =	vperm.xlane v10, v1;
	v22 =	vperm.xlane v24, v1;
	v39 =	vld [tilespmem:s13+$0x500]  }
0x196: {  	v32 =	vmul.f32 v32, v6;
	v38 =	vmul.f32 v38, v7;
	v18 =	vadd.f32 v18, v19;
	v40 =	vld [tilespmem:s13+$0x4500]  }
0x197: {  	v19 =	vperm.xlane v26, v1;
	v10 =	vadd.f32 v10, v16;
	v16 =	vadd.f32 v24, v22;
	v41 =	vld [tilespmem:s13+$0x510]  }
0x198: {  	v31 =	vmul.f32 v31, v5;
	v32 =	vadd.f32 v38, v32;
	v38 =	vperm.xlane v18, v0;
	v42 =	vld [tilespmem:s13+$0x4510]  }
0x199: {  	v43 =	vmul.f32 v12, v4;
	v12 =	vadd.f32 v26, v19;
	v19 =	vperm.xlane v16, v2;
	v22 =	vld [tilespmem:s13+$0x8490]  }
0x19a: {  	v26 =	vadd.f32 v32, v31;
	v31 =	vadd.f32 v18, v38;
	v18 =	vperm.xlane v10, v2;
	v24 =	vld [tilespmem:s13+$0x84A0]  }
0x19b: {  	v38 =	vmul.f32 v17, v4;
	v17 =	vperm.xlane v12, v2;
	v32 =	vld [tilespmem:s13+$0x4E0]  }
0x19c: {  	v45 =	vmul.f32 v23, v4;
	v26 =	vadd.f32 v26, v43;
	v23 =	vperm.xlane v31, v1;
	v44 =	vld [tilespmem:s13+$0x44E0]  }
0x19d: {  	v29 =	vmul.f32 v33, v29;
	v28 =	vmul.f32 v34, v28;
	v43 =	vld [tilespmem:s13+$0x4F0]  }
0x19e: {  	v21 =	vmul.f32 v21, v5;
	v34 =	vperm.xlane v26, v0;
	v33 =	vld [tilespmem:s13+$0x44F0]  }
0x19f: {  	v29 =	vmul.f32 v29, v6;
	v28 =	vmul.f32 v28, v7;
	v23 =	vadd.f32 v31, v23;
	v46 =	vld [tilespmem:s13+$0x8480]  }
0x1a0: {  	v35 =	vmul.f32 v36, v35;
	v30 =	vmul.f32 v37, v30;
	v31 =	vld [tilespmem:s13+$0x4C0]  }
0x1a1: {  	v20 =	vmul.f32 v20, v4;
	v34 =	vadd.f32 v26, v34;
	v26 =	vperm.xlane v23, v2;
	v36 =	vld [tilespmem:s13+$0x44C0]  }
0x1a2: {  	v28 =	vadd.f32 v28, v29;
	v35 =	vmul.f32 v35, v6;
	v30 =	vmul.f32 v30, v7;
	v37 =	vld [tilespmem:s13+$0x4D0]  }
0x1a3: {  	v39 =	vmul.f32 v40, v39;
	v40 =	vmul.f32 v42, v41;
	v29 =	vld [tilespmem:s13+$0x44D0]  }
0x1a4: {  	v14 =	vmul.f32 v14, v5;
	v21 =	vadd.f32 v28, v21;
	v28 =	vperm.xlane v34, v1;
	v48 =	vld [tilespmem:s13+$0x8460]  }
0x1a5: {  	v30 =	vadd.f32 v30, v35;
	v39 =	vmul.f32 v39, v6;
	v40 =	vmul.f32 v40, v7;
	v41 =	vld [tilespmem:s13+$0x4A0]  }
0x1a6: {  	v32 =	vmul.f32 v44, v32;
	v33 =	vmul.f32 v33, v43;
	v50 =	vld [tilespmem:s13+$0x44A0]  }
0x1a7: {  	v15 =	vmul.f32 v15, v5;
	v14 =	vadd.f32 v30, v14;
	v30 =	vadd.f32 v21, v38;
	v51 =	vld [tilespmem:s13+$0x4B0]  }
0x1a8: {  	v21 =	vmul.f32 v32, v6;
	v32 =	vmul.f32 v33, v7;
	v33 =	vadd.f32 v40, v39;
	v52 =	vld [tilespmem:s13+$0x44B0]  }
0x1a9: {  	v13 =	vmul.f32 v13, v4;
	v14 =	vadd.f32 v14, v45;
	v35 =	vperm.xlane v30, v0;
	v53 =	vld [tilespmem:s13+$0x8410]  }
0x1aa: {  	v25 =	vmul.f32 v25, v5;
	v21 =	vadd.f32 v32, v21;
	v15 =	vadd.f32 v33, v15;
	v54 =	vld [tilespmem:s13+$0x480]  }
0x1ab: {  	v31 =	vmul.f32 v36, v31;
	v29 =	vmul.f32 v29, v37;
	v55 =	vld [tilespmem:s13+$0x4480]  }
0x1ac: {  	v32 =	vperm.xlane v14, v0;
	v25 =	vadd.f32 v21, v25;
	v15 =	vadd.f32 v15, v20;
	v56 =	vld [tilespmem:s13+$0x490]  }
0x1ad: {  	v31 =	vmul.f32 v31, v6;
	v20 =	vadd.f32 v34, v28;
	v29 =	vmul.f32 v29, v7;
	v57 =	vld [tilespmem:s13+$0x4490]  }
0x1ae: {  	v33 =	vadd.f32 v30, v35;
	v13 =	vadd.f32 v25, v13;
	v28 =	vperm.xlane v15, v0;
	v21 =	vld [tilespmem:s13+$0x8400]  }
0x1af: {  	v14 =	vadd.f32 v14, v32;
	v29 =	vadd.f32 v29, v31;
	v31 =	vmul.f32 v27, v5;
	v25 =	vld [tilespmem:s13+$0x460]  }
0x1b0: {  	v32 =	vperm.xlane v13, v0;
	v15 =	vadd.f32 v15, v28;
	v28 =	vperm.xlane v33, v1;
	v27 =	vld [tilespmem:s13+$0x4460]  }
0x1b1: {  	v9 =	vmul.f32 v9, v4;
	v35 =	vperm.xlane v14, v1;
	v34 =	vadd.f32 v29, v31;
	v30 =	vld [tilespmem:s13+$0x470]  }
0x1b2: {  	v38 =	vadd.f32 v13, v32;
	v13 =	vperm.xlane v15, v1;
	v31 =	vadd.f32 v33, v28;
	v36 =	vld [tilespmem:s13+$0x4470]  }
0x1b3: {  	v39 =	vperm.xlane v20, v2;
	v32 =	vadd.f32 v14, v35;
	v9 =	vadd.f32 v34, v9;
	v29 =	vld [tilespmem:s13+$0x440]  }
0x1b4: {  	v14 =	vperm.xlane v38, v1;
	v34 =	vadd.f32 v15, v13;
	v42 =	vperm.xlane v31, v2;
	v33 =	vld [tilespmem:s13+$0x4440]  }
0x1b5: {  	v43 =	vperm.xlane v32, v2;
	v15 =	vperm.xlane v9, v0;
	v37 =	vld [tilespmem:s13+$0x450]  }
0x1b6: {  	v13 =	vmul.f32 v11, v4;
	v38 =	vadd.f32 v38, v14;
	v44 =	vperm.xlane v34, v2;
	v40 =	vld [tilespmem:s13+$0x4450]  }
0x1b7: {  	v28 =	vmul.f32 v24, v5;
	v14 =	vmul.f32 v22, v4;
	v35 =	vadd.f32 v9, v15;
	v45 =	vld [tilespmem:s13+$0x4400]  }
0x1b8: {  	v15 =	vmul.f32 v46, v5;
	v46 =	vperm.xlane v38, v2;
	v47 =	vld [tilespmem:s13+$0x400]  }
.Ltmp0:
0x1b9: {  	v11 =	vmul.f32 v50, v41;
	v41 =	vperm.xlane v35, v1;
	v49 =	vld [tilespmem:s13+$0x410];
	(pc) =	sbr.rel @p0 .LBB2_2-.Ltmp0, $4  }
0x1ba: {  	v22 =	vmul.f32 v48, v5;
	v48 =	vmul.f32 v52, v51;
	v9 =	vadd.f32 v16, v19;
	v50 =	vld [tilespmem:s13+$0x4410]  }
0x1bb: {  	v10 =	vadd.f32 v10, v18;
	v51 =	vmul.f32 v11, v6;
	v16 =	vmul.f32 v55, v54;
	v52 =	vld [tilespmem:s13+$0x420]  }
0x1bc: {  	v24 =	vmul.f32 v53, v4;
	v11 =	vadd.f32 v12, v17;
	v53 =	vmul.f32 v48, v7;
	v54 =	vld [tilespmem:s13+$0x4420]  }
0x1bd: {  	s14 =	sadd.s32 $0x800, s14;
	v17 =	vmul.f32 v57, v56;
	v12 =	vadd.f32 v23, v26;
	v48 =	vmul.f32 v16, v6;
	v55 =	vld [tilespmem:s13+$0x430]  }
0x1be: {  	v18 =	vmul.f32 v27, v25  }
0x1bf: {  	v16 =	vld [tilespmem:s13+$0x4430];
	v19 =	vmul.f32 v36, v30;
	v21 =	vmul.f32 v21, v5  }
0x1c0: {  	v23 =	vadd.f32 v31, v42;
	v26 =	vmul.f32 v33, v29;
	v42 =	vmul.f32 v40, v37  }
0x1c1: {  	v25 =	vadd.f32 v32, v43;
	v43 =	vmul.f32 v45, v47;
	v17 =	vmul.f32 v17, v7  }
0x1c2: {  	v29 =	vadd.f32 v34, v44;
	v44 =	vmul.f32 v50, v49;
	v18 =	vmul.f32 v18, v6  }
0x1c3: {  	v20 =	vadd.f32 v20, v39;
	v45 =	vld [tilespmem:s13+$0x8420];
	v19 =	vmul.f32 v19, v7;
	v30 =	vmul.f32 v43, v6  }
0x1c4: {  	v33 =	vadd.f32 v38, v46;
	v49 =	vld [tilespmem:s13+$0x8440];
	v47 =	vmul.f32 v54, v52;
	v16 =	vmul.f32 v16, v55  }
0x1c5: {  	v50 =	vadd.f32 v53, v51;
	v51 =	vld [tilespmem:s13+$0x8430];
	v53 =	vmul.f32 v26, v6;
	v31 =	vmul.f32 v44, v7  }
0x1c6: {  	v35 =	vadd.f32 v35, v41;
	v52 =	vld [tilespmem:s13+$0x8450];
	v34 =	vmul.f32 v47, v6;
	v16 =	vmul.f32 v16, v7  }
0x1c7: {  	v28 =	vadd.f32 v50, v28;
	v54 =	vmul.f32 v42, v7;
	v17 =	vadd.f32 v17, v48;
	v55 =	vld [tilespmem:s13+$0x8470]  }
0x1c8: {  	v56 =	vadd.f32 v31, v30;
	v57 =	vmul.f32 v45, v5;
	v16 =	vadd.f32 v16, v34  }
0x1c9: {  	v58 =	vadd.f32 v19, v18;
	v6 =	vadd.f32 v54, v53;
	v5 =	vmul.f32 v49, v5  }
0x1ca: {  	v60 =	vmul.f32 v51, v4;
	v59 =	vadd.f32 v56, v21;
	v16 =	vadd.f32 v16, v57  }
0x1cb: {  	v7 =	vadd.f32 v58, v22;
	v5 =	vadd.f32 v6, v5;
	v61 =	vmul.f32 v52, v4  }
0x1cc: {  	v18 =	vadd.f32 v59, v24;
	v4 =	vmul.f32 v55, v4;
	v16 =	vadd.f32 v16, v60  }
0x1cd: {  	v63 =	vperm.xlane v35, v2;
	v62 =	vadd.f32 v17, v15;
	v5 =	vadd.f32 v5, v61  }
0x1ce: {  	v24 =	vperm.xlane v18, v0;
	v4 =	vadd.f32 v7, v4;
	v19 =	vperm.xlane v16, v0  }
0x1cf: {  	v13 =	vadd.f32 v28, v13;
	v6 =	vadd.f32 v62, v14;
	v26 =	vperm.xlane v5, v0  }
0x1d0: {  	v27 =	vadd.f32 v18, v24;
	v28 =	vperm.xlane v4, v0;
	v16 =	vadd.f32 v16, v19  }
0x1d1: {  	v31 =	vperm.xlane v13, v0;
	v30 =	vperm.xlane v6, v0;
	v5 =	vadd.f32 v5, v26  }
0x1d2: {  	v32 =	vperm.xlane v27, v1;
	v4 =	vadd.f32 v4, v28;
	v34 =	vperm.xlane v16, v1  }
0x1d3: {  	v37 =	vadd.f32 v13, v31;
	v6 =	vadd.f32 v6, v30;
	v36 =	vperm.xlane v5, v1  }
0x1d4: {  	v38 =	vadd.f32 v27, v32;
	v40 =	vperm.xlane v4, v1;
	v39 =	vadd.f32 v16, v34  }
0x1d5: {  	v18 =	vperm.xlane v37, v1;
	v41 =	vperm.xlane v6, v1;
	v5 =	vadd.f32 v5, v36  }
0x1d6: {  	v19 =	vperm.xlane v38, v2;
	v4 =	vadd.f32 v4, v40;
	v21 =	vperm.xlane v39, v2  }
0x1d7: {  	v7 =	vadd.f32 v37, v18;
	v6 =	vadd.f32 v6, v41;
	v42 =	vperm.xlane v5, v2  }
0x1d8: {  	v13 =	vadd.f32 v38, v19;
	v43 =	vperm.xlane v4, v2;
	v14 =	vadd.f32 v39, v21  }
0x1d9: {  	v18 =	vperm.xlane v7, v2;
	v44 =	vperm.xlane v6, v2;
	v5 =	vadd.f32 v5, v42  }
0x1da: {  	v19 =	vperm.xlane v13, v3;
	v4 =	vadd.f32 v4, v43;
	v21 =	vperm.xlane v14, v3  }
0x1db: {  	v7 =	vadd.f32 v7, v18;
	v6 =	vadd.f32 v6, v44;
	v45 =	vperm.xlane v5, v3  }
0x1dc: {  	v13 =	vadd.f32 v13, v19;
	v46 =	vperm.xlane v4, v3;
	v14 =	vadd.f32 v14, v21  }
0x1dd: {  	v15 =	vadd.f32 v35, v63;
	v47 =	vperm.xlane v6, v3;
	v5 =	vadd.f32 v5, v45  }
0x1de: {  	v48 =	vperm.xlane v7, v3;
	v4 =	vadd.f32 v4, v46;
	v13 =	vsel vm0, v13, v14  }
0x1df: {  	v49 =	vperm.xlane v15, v3;
	v6 =	vadd.f32 v6, v47;
	v5 =	vsel vm1, v13, v5  }
0x1e0: {  	v50 =	vperm.xlane v33, v3;
	v4 =	vsel vm2, v5, v4;
	v5 =	vadd.f32 v7, v48  }
0x1e1: {  	v52 =	vperm.xlane v29, v3;
	v51 =	vadd.f32 v15, v49;
	v4 =	vsel vm3, v4, v6  }
0x1e2: {  	v53 =	vperm.xlane v25, v3;
	v4 =	vsel vm4, v4, v5;
	v5 =	vadd.f32 v33, v50  }
0x1e3: {  	v54 =	vadd.f32 v29, v52;
	v55 =	vperm.xlane v23, v3;
	v4 =	vsel vm5, v4, v51  }
0x1e4: {  	v56 =	vperm.xlane v20, v3;
	v4 =	vsel vm6, v4, v5;
	v5 =	vadd.f32 v25, v53  }
0x1e5: {  	v58 =	vperm.xlane v12, v3;
	v57 =	vadd.f32 v23, v55;
	v4 =	vsel vm7, v4, v54  }
0x1e6: {  	v59 =	vperm.xlane v11, v3;
	v4 =	vsel vm8, v4, v5;
	v5 =	vadd.f32 v20, v56  }
0x1e7: {  	v61 =	vperm.xlane v10, v3;
	v60 =	vadd.f32 v12, v58;
	v4 =	vsel vm9, v4, v57  }
0x1e8: {  	v62 =	vperm.xlane v9, v3;
	v4 =	vsel vm10, v4, v5;
	v5 =	vadd.f32 v11, v59  }
0x1e9: {  	v63 =	vadd.f32 v10, v61;
	v4 =	vsel vm11, v4, v60  }
0x1ea: {  	v4 =	vsel vm12, v4, v5;
	v5 =	vadd.f32 v9, v62  }
0x1eb: {  	v4 =	vsel vm13, v4, v63  }
0x1ec: {  	v4 =	vsel vm14, v4, v5  }
0x1ed: {  	s1 =	sadd.s32 $0x1, s1;
	v4 =	vadd.f32 v4, v8  }
0x1ee: {  	s0 =	sadd.s32 $0x10, s0;
	p0 =	sne.s32 s1, s10  }
.Ltmp1:
0x1ef: {  	[tilespmem:s0+$0x0] =	vst v4;
	(pc) =	sbr.rel @p0 .LBB2_1-.Ltmp1, $4  }
0x1f0: {  	[hbm4b:s9+s2] =	stream.linear.scatter [tilespmem:s31], [sflag:$0x2], $0x200, $0x38;
	[tilespmem:$0xC650] =	vst v63  }
0x1f1: {  	_ =	swait.ge [sflag:s11], $0x200  }
0x1f2: {  	[sflag:s11] =	ssyncset.done $0x0  }
0x1f3: {  	[sflag:s11] =	ssyncadd.s32 $0xFFFFFE00  }
0x1f4: {  	_ =	sfence.sel $0x180000  }
0x1f5: {  	[bflag:$0x0] =	sbarrier.arrive $0xFFFF  }
0x1f6: {  	_ =	strace $0x90000047  }
0x1f7: {  	s0 =	stileid.u32;
	[bflag:$0x2] =	sbarrier.arrive $0xFFFF  }
0x1f8: {  	p0 =	sne.s32 s0, $0x0;
	s0 =	rddreg [dreg:$0x4]  }
0x1f9: {  	s0 =	sadd.s32 @!p0 $0x100000, s0  }
0x1fa: {  	[sflag:s0] =	ssyncadd.tile.s32 @!p0 $0x1;
	_ =	shalt  }
.Lfunc_end2:
_tile_overlayer_lowered:
.L_overlay_start_2:
0x1fb: {  	(tag) =	ssettag $0x2  }
0x1fc: {  	s0 =	rddreg [dreg:$0x0];
	s2 =	stileid.u32  }
0x1fd: {  	s1 =	rddreg [dreg:$0x1];
	p0 =	sne.s32 s2, $0x0  }
0x1fe: {  	s3 =	rddreg [dreg:$0x2];
	[bflag:$0x3] =	sbarrier.arrive $0xFFFF;
	s2 =	simm.s32 @!p0 $0x1C02  }
0x1ff: {  	[timem:s3], [sflag:s2] =	dma.local @!p0 [hbm:s0], s1  }
0x200: {  	s0 =	simm.s32 @!p0 $0x2  }
0x201: {  	_ =	swait.ge @!p0 [sflag:s0], s1  }
0x202: {  	s1 =	ssub.s32 @!p0 $0x0, s1;
	[sflag:s0] =	ssyncset.done @!p0 $0x0  }
0x203: {  	[sflag:s0] =	ssyncadd.s32 @!p0 s1  }
0x204: {  	[bflag:$0x3] =	sbarrier.arrive $0xFFFF  }
0x205: {  	_ =	shalt  }

</sc_bundles>
